<compile_context>
chip_gen: v7x
topology: tpu7x:2x2x1
jax: 0.10.2.dev20260603
libtpu: 0.0.44.dev20260713+nightly
codegen_flags: <defaults>
</compile_context>

<pallas_src>
import functools

import jax
import jax.numpy as jnp
from jax import lax
from jax.experimental import pallas as pl
from jax.experimental.pallas import tpu as pltpu
from jax.experimental.pallas import tpu_sc as plsc

N = 10000
D = 256
H = 256
C = 40
E = 160000

NC = 2
NS = 16
CH16 = 10240
CH32 = 5120
L16 = NS * CH16 + 256
L32 = NC * NS * CH32 + 256
CPAD = 128

RB = 1000
GN = N // RB
SUBR = 640

_mesh = plsc.VectorSubcoreMesh(core_axis_name="c", subcore_axis_name="s")



@functools.partial(
    pl.kernel,
    mesh=_mesh,
    out_type=jax.ShapeDtypeStruct((2 * N,), jnp.float32),
    scratch_types=[
        pltpu.VMEM((80,), jnp.int32),
        pltpu.VMEM((80,), jnp.int32),
        pltpu.VMEM((80,), jnp.float32),
        pltpu.VMEM((SUBR,), jnp.float32),
        pltpu.VMEM_SHARED((N,), jnp.float32),
        pltpu.SemaphoreType.DMA,
        pltpu.SemaphoreType.DMA,
        pltpu.SemaphoreType.DMA,
        pltpu.SemaphoreType.DMA,
    ],
)
def _deg_kernel(src_hbm, dst_hbm, out_hbm, idx0, idx1, ones_v, buf_v, acc,
                si0, si1, ss0, ss1):
    c = lax.axis_index("c")
    s = lax.axis_index("s")

    @pl.loop(0, SUBR // 16)
    def _(i):
        buf_v[pl.ds(i * 16, 16)] = jnp.zeros((16,), jnp.float32)

    @pl.loop(0, 5)
    def _(i):
        ones_v[pl.ds(i * 16, 16)] = jnp.full((16,), 1.0, jnp.float32)

    @pl.when(s < NS - 1)
    def _():
        pltpu.sync_copy(buf_v, acc.at[pl.ds(s * SUBR, SUBR)])

    @pl.when(s == NS - 1)
    def _():
        pltpu.sync_copy(buf_v.at[pl.ds(0, N - (NS - 1) * SUBR)],
                        acc.at[pl.ds((NS - 1) * SUBR, N - (NS - 1) * SUBR)])

    plsc.subcore_barrier()
    base = s * (E // NS)
    idx = (idx0, idx1)
    si = (si0, si1)
    ss = (ss0, ss1)

    def hist_loop(ei_hbm):
        def idx_issue(k, b):
            pltpu.async_copy(ei_hbm.at[pl.ds(base + b * 80, 80)], idx[k], si[k])

        def idx_wait(k, b):
            pltpu.make_async_copy(ei_hbm.at[pl.ds(base + b * 80, 80)],
                                  idx[k], si[k]).wait()

        def hist_issue(k):
            pltpu.async_copy(ones_v, acc.at[idx[k]], ss[k], add=True)

        def hist_wait(k):
            pltpu.make_async_copy(ones_v, acc.at[idx[k]], ss[k]).wait()

        nb = (E // NS) // 80
        idx_issue(0, 0)
        idx_issue(1, 1)

        @pl.loop(0, nb // 2)
        def _(m):
            idx_wait(0, 2 * m)
            hist_issue(0)
            idx_wait(1, 2 * m + 1)
            hist_issue(1)
            hist_wait(0)
            idx_issue(0, 2 * m + 2)
            hist_wait(1)
            idx_issue(1, 2 * m + 3)

        idx_wait(0, nb - 1)
        hist_issue(0)
        idx_wait(1, nb)
        hist_wait(0)

    @pl.when(c == 0)
    def _():
        hist_loop(src_hbm)

    @pl.when(c == 1)
    def _():
        hist_loop(dst_hbm)

    plsc.subcore_barrier()

    @pl.when(s < NS - 1)
    def _():
        pltpu.sync_copy(acc.at[pl.ds(s * SUBR, SUBR)], buf_v)
        pltpu.sync_copy(buf_v, out_hbm.at[pl.ds(c * N + s * SUBR, SUBR)])

    @pl.when(s == NS - 1)
    def _():
        tail = N - (NS - 1) * SUBR
        pltpu.sync_copy(acc.at[pl.ds((NS - 1) * SUBR, tail)],
                        buf_v.at[pl.ds(0, tail)])
        pltpu.sync_copy(buf_v.at[pl.ds(0, tail)],
                        out_hbm.at[pl.ds(c * N + (NS - 1) * SUBR, tail)])


def _make_agg(width, split_features):
    bsz = 128
    nb = (CH16 if split_features else CH32) // bsz

    @functools.partial(
        pl.kernel,
        mesh=_mesh,
        out_type=jax.ShapeDtypeStruct((2 * N, width), jnp.float32),
        scratch_types=[
            pltpu.VMEM((bsz,), jnp.int32),
            pltpu.VMEM((bsz,), jnp.int32),
            pltpu.VMEM((bsz,), jnp.int32),
            pltpu.VMEM((bsz,), jnp.int32),
            pltpu.VMEM((bsz, width), jnp.float32),
            pltpu.VMEM((bsz, width), jnp.float32),
            pltpu.VMEM_SHARED((N, width), jnp.float32),
            pltpu.SemaphoreType.DMA,
            pltpu.SemaphoreType.DMA,
            pltpu.SemaphoreType.DMA,
            pltpu.SemaphoreType.DMA,
            pltpu.SemaphoreType.DMA,
            pltpu.SemaphoreType.DMA,
        ],
    )
    def agg(table_hbm, src_hbm, dst_hbm, zeros_hbm, out_hbm,
            sidx0, sidx1, didx0, didx1, rows0, rows1, acc,
            si0, si1, sg0, sg1, ss0, ss1):
        c = lax.axis_index("c")
        s = lax.axis_index("s")

        @pl.when(s < NS - 1)
        def _():
            pltpu.sync_copy(zeros_hbm, acc.at[pl.ds(s * SUBR, SUBR)])

        @pl.when(s == NS - 1)
        def _():
            tail = N - (NS - 1) * SUBR
            pltpu.sync_copy(zeros_hbm.at[pl.ds(0, tail)],
                            acc.at[pl.ds((NS - 1) * SUBR, tail)])

        plsc.subcore_barrier()
        if split_features:
            dst_base = s * CH16
            src_base = c * L16 + dst_base
        else:
            dst_base = (c * NS + s) * CH32
            src_base = dst_base

        sidx = (sidx0, sidx1)
        didx = (didx0, didx1)
        rows = (rows0, rows1)
        si = (si0, si1)
        sg = (sg0, sg1)
        ss = (ss0, ss1)

        def idx_issue(k, b):
            pltpu.async_copy(src_hbm.at[pl.ds(src_base + b * bsz, bsz)],
                             sidx[k], si[k])
            pltpu.async_copy(dst_hbm.at[pl.ds(dst_base + b * bsz, bsz)],
                             didx[k], si[k])

        def idx_wait(k, b):
            pltpu.make_async_copy(src_hbm.at[pl.ds(src_base + b * bsz, bsz)],
                                  sidx[k], si[k]).wait()
            pltpu.make_async_copy(dst_hbm.at[pl.ds(dst_base + b * bsz, bsz)],
                                  didx[k], si[k]).wait()

        def gather_issue(k):
            pltpu.async_copy(table_hbm.at[sidx[k]], rows[k], sg[k])

        def gather_wait(k):
            pltpu.make_async_copy(table_hbm.at[sidx[k]], rows[k], sg[k]).wait()

        def scatter_issue(k):
            pltpu.async_copy(rows[k], acc.at[didx[k]], ss[k], add=True)

        def scatter_wait(k):
            pltpu.make_async_copy(rows[k], acc.at[didx[k]], ss[k]).wait()

        idx_issue(0, 0)
        idx_issue(1, 1)
        idx_wait(0, 0)
        gather_issue(0)

        @pl.loop(0, nb // 2)
        def _(m):
            b0 = 2 * m
            b1 = b0 + 1
            idx_wait(1, b1)
            gather_wait(0)
            scatter_issue(0)
            gather_issue(1)
            scatter_wait(0)
            idx_issue(0, b0 + 2)
            gather_wait(1)
            scatter_issue(1)
            idx_wait(0, b0 + 2)
            gather_issue(0)
            scatter_wait(1)
            idx_issue(1, b1 + 2)

        gather_wait(0)
        idx_wait(1, nb + 1)

        plsc.subcore_barrier()

        @pl.when(s < NS - 1)
        def _():
            pltpu.sync_copy(acc.at[pl.ds(s * SUBR, SUBR)],
                            out_hbm.at[pl.ds(c * N + s * SUBR, SUBR)])

        @pl.when(s == NS - 1)
        def _():
            tail = N - (NS - 1) * SUBR
            pltpu.sync_copy(acc.at[pl.ds((NS - 1) * SUBR, tail)],
                            out_hbm.at[pl.ds(c * N + (NS - 1) * SUBR, tail)])

    return agg


_agg128 = _make_agg(128, True)
_agg64 = _make_agg(CPAD, False)



def _norms_from(deg_blk):
    d = deg_blk
    return jnp.where(d > 0, lax.rsqrt(jnp.maximum(d, 1e-12)), 0.0)


def _mm_body(x_ref, w_ref, o_ref):
    o_ref[...] = jnp.dot(x_ref[...].astype(jnp.bfloat16),
                         w_ref[...].astype(jnp.bfloat16),
                         preferred_element_type=jnp.float32)


def _tc_matmul(x, w):
    return pl.pallas_call(
        _mm_body,
        grid=(GN,),
        in_specs=[pl.BlockSpec((RB, D), lambda i: (i, 0)),
                  pl.BlockSpec((D, H), lambda i: (0, 0))],
        out_specs=pl.BlockSpec((RB, H), lambda i: (i, 0)),
        out_shape=jax.ShapeDtypeStruct((N, H), jnp.float32),
    )(x, w)


def _scale_split_body(m_ref, degs_ref, o_ref):
    z = pl.program_id(1) == 2
    o_ref[...] = jnp.where(z, 0.0, m_ref[...] * _norms_from(degs_ref[...]))


def _tc_scale_split(m1, deg):
    return pl.pallas_call(
        _scale_split_body,
        grid=(GN, 3),
        in_specs=[pl.BlockSpec((RB, 128),
                               lambda i, j: (i, jnp.minimum(j, 1))),
                  pl.BlockSpec((RB, 1), lambda i, j: (i, 0))],
        out_specs=pl.BlockSpec((RB, 128),
                               lambda i, j: (jnp.minimum(j * GN + i, 2 * GN), 0)),
        out_shape=jax.ShapeDtypeStruct((2 * N + RB, 128), jnp.float32),
    )(m1, deg)


def _layer_body(aggA_ref, aggB_ref, degs_ref, degd_ref, b_ref, w_ref, o_ref):
    nd = _norms_from(degd_ref[...])
    ns = _norms_from(degs_ref[...])
    x = jnp.concatenate([aggA_ref[...], aggB_ref[...]], axis=1)
    x = jax.nn.relu(x * nd + b_ref[...])
    h = jnp.dot(x.astype(jnp.bfloat16), w_ref[...].astype(jnp.bfloat16),
                preferred_element_type=jnp.float32) * ns
    o_ref[...] = jnp.where(pl.program_id(1) == 2, 0.0, h)


def _tc_layer(agg, deg, b_row, w):
    return pl.pallas_call(
        _layer_body,
        grid=(GN, 3),
        in_specs=[pl.BlockSpec((RB, 128), lambda i, j: (i, 0)),
                  pl.BlockSpec((RB, 128), lambda i, j: (GN + i, 0)),
                  pl.BlockSpec((RB, 1), lambda i, j: (i, 0)),
                  pl.BlockSpec((RB, 1), lambda i, j: (GN + i, 0)),
                  pl.BlockSpec((1, H), lambda i, j: (0, 0)),
                  pl.BlockSpec((H, 128), lambda i, j: (0, jnp.minimum(j, 1)))],
        out_specs=pl.BlockSpec((RB, 128),
                               lambda i, j: (jnp.minimum(j * GN + i, 2 * GN), 0)),
        out_shape=jax.ShapeDtypeStruct((2 * N + RB, 128), jnp.float32),
    )(agg, agg, deg, deg, b_row, w)


def _layer3_body(aggA_ref, aggB_ref, degs_ref, degd_ref, b_ref, w_ref, o_ref):
    nd = _norms_from(degd_ref[...])
    ns = _norms_from(degs_ref[...])
    x = jnp.concatenate([aggA_ref[...], aggB_ref[...]], axis=1)
    x = jax.nn.relu(x * nd + b_ref[...])
    h = jnp.dot(x.astype(jnp.bfloat16), w_ref[...].astype(jnp.bfloat16),
                preferred_element_type=jnp.float32) * ns
    o_ref[...] = jnp.where(pl.program_id(0) == GN, 0.0, h)


def _tc_layer3(agg, deg, b_row, w_pad):
    return pl.pallas_call(
        _layer3_body,
        grid=(GN + 1,),
        in_specs=[pl.BlockSpec((RB, 128), lambda i: (jnp.minimum(i, GN - 1), 0)),
                  pl.BlockSpec((RB, 128), lambda i: (GN + jnp.minimum(i, GN - 1), 0)),
                  pl.BlockSpec((RB, 1), lambda i: (jnp.minimum(i, GN - 1), 0)),
                  pl.BlockSpec((RB, 1), lambda i: (GN + jnp.minimum(i, GN - 1), 0)),
                  pl.BlockSpec((1, H), lambda i: (0, 0)),
                  pl.BlockSpec((H, CPAD), lambda i: (0, 0))],
        out_specs=pl.BlockSpec((RB, CPAD), lambda i: (i, 0)),
        out_shape=jax.ShapeDtypeStruct((N + RB, CPAD), jnp.float32),
    )(agg, agg, deg, deg, b_row, w_pad)


def _final_body(p0_ref, p1_ref, degd_ref, b_ref, o_ref):
    nd = _norms_from(degd_ref[...])
    full = (p0_ref[...] + p1_ref[...]) * nd + b_ref[...]
    o_ref[...] = full[:, :C]


def _tc_final(p3, deg, b3_row):
    return pl.pallas_call(
        _final_body,
        grid=(GN,),
        in_specs=[pl.BlockSpec((RB, CPAD), lambda i: (i, 0)),
                  pl.BlockSpec((RB, CPAD), lambda i: (GN + i, 0)),
                  pl.BlockSpec((RB, 1), lambda i: (GN + i, 0)),
                  pl.BlockSpec((1, CPAD), lambda i: (0, 0))],
        out_specs=pl.BlockSpec((RB, C), lambda i: (i, 0)),
        out_shape=jax.ShapeDtypeStruct((N, C), jnp.float32),
    )(p3, p3, deg, b3_row)



def kernel(features, edge_index, W1, b1, W2, b2, W3, b3):
    src = edge_index[0]
    dst = edge_index[1]
    ovr = jnp.zeros((256,), jnp.int32)
    src_d = jnp.concatenate([src, ovr])
    dst_d = jnp.concatenate([dst, ovr])

    ex = jnp.zeros((256,), jnp.int32)
    p16 = CH16 - E // NS
    zrow16 = (2 * N + (jnp.arange(p16)[None, :] * NS
                       + jnp.arange(NS)[:, None]) % RB).astype(jnp.int32)
    t16 = ((jnp.arange(p16)[None, :] * NS
            + jnp.arange(NS)[:, None]) % N).astype(jnp.int32)
    s0 = src.reshape(NS, E // NS)
    srcA = jnp.concatenate(
        [jnp.concatenate([s0, zrow16], 1).reshape(-1), ex])
    srcB = jnp.concatenate(
        [jnp.concatenate([s0 + N, zrow16], 1).reshape(-1), ex])
    src2 = jnp.concatenate([srcA, srcB])
    dst_p = jnp.concatenate(
        [jnp.concatenate([dst.reshape(NS, E // NS), t16], 1).reshape(-1), ex])
    nw = NC * NS
    p32 = CH32 - E // nw
    zrow32 = (N + (jnp.arange(p32)[None, :] * nw
                   + jnp.arange(nw)[:, None]) % RB).astype(jnp.int32)
    t32 = ((jnp.arange(p32)[None, :] * nw
            + jnp.arange(nw)[:, None]) % N).astype(jnp.int32)
    src_q = jnp.concatenate(
        [jnp.concatenate([src.reshape(nw, E // nw), zrow32], 1).reshape(-1), ex])
    dst_q = jnp.concatenate(
        [jnp.concatenate([dst.reshape(nw, E // nw), t32], 1).reshape(-1), ex])

    z128 = jnp.zeros((SUBR, 128), jnp.float32)
    z64 = z128

    b1_row = b1.reshape(1, H)
    b2_row = b2.reshape(1, H)
    b3_row = jnp.pad(b3, (0, CPAD - C)).reshape(1, CPAD)
    W3p = jnp.pad(W3, ((0, 0), (0, CPAD - C)))

    deg = _deg_kernel(src_d, dst_d).reshape(2 * N, 1)
    m1 = _tc_matmul(features, W1)
    h1 = _tc_scale_split(m1, deg)
    a1 = _agg128(h1, src2, dst_p, z128)
    h2 = _tc_layer(a1, deg, b1_row, W2)
    a2 = _agg128(h2, src2, dst_p, z128)
    h3 = _tc_layer3(a2, deg, b2_row, W3p)
    p3 = _agg64(h3, src_q, dst_q, z64)
    return _tc_final(p3, deg, b3_row)

# --- scband reference (transcript-rebuilt; emitter-appended) ---
"""Pipeline reference for scband-basic-gcnsegmentation-23089744183693 (READ-ONLY COPY).

The authoritative reference and input builder live on the scoring server;
editing this copy changes nothing except your own understanding.
"""

import jax, jax.numpy as jnp
import numpy as np

N = 10000
E = 160000
D = 256
H = 256
C = 40


def setup_inputs(seed: int = 0) -> dict:
    key = jax.random.key(seed)
    ks = jax.random.split(key, 9)
    features = jax.random.normal(ks[0], (N, D), dtype=jnp.float32)
    edge_index = jax.random.randint(ks[1], (2, E), 0, N, dtype=jnp.int32)
    W1 = jax.random.normal(ks[2], (D, H), dtype=jnp.float32) * (1.0 / np.sqrt(D))
    b1 = jnp.zeros((H,), dtype=jnp.float32)
    W2 = jax.random.normal(ks[3], (H, H), dtype=jnp.float32) * (1.0 / np.sqrt(H))
    b2 = jnp.zeros((H,), dtype=jnp.float32)
    W3 = jax.random.normal(ks[4], (H, C), dtype=jnp.float32) * (1.0 / np.sqrt(H))
    b3 = jnp.zeros((C,), dtype=jnp.float32)
    return {"features": features, "edge_index": edge_index,
            "W1": W1, "b1": b1, "W2": W2, "b2": b2, "W3": W3, "b3": b3}


def _gcn_layer(x, W, b, src, dst, norm_src, norm_dst):
    # DGL GraphConv with norm='both': D^{-1/2} A D^{-1/2} X W + b
    h = x @ W
    h = h * norm_src[:, None]
    msg = jnp.take(h, src, axis=0)
    agg = jax.ops.segment_sum(msg, dst, num_segments=N)
    return agg * norm_dst[:, None] + b


def reference(features, edge_index, W1, b1, W2, b2, W3, b3):
    src = edge_index[0]
    dst = edge_index[1]
    ones = jnp.ones((E,), dtype=jnp.float32)
    deg_out = jax.ops.segment_sum(ones, src, num_segments=N)
    deg_in = jax.ops.segment_sum(ones, dst, num_segments=N)
    norm_src = jnp.where(deg_out > 0, jax.lax.rsqrt(jnp.maximum(deg_out, 1e-12)), 0.0)
    norm_dst = jnp.where(deg_in > 0, jax.lax.rsqrt(jnp.maximum(deg_in, 1e-12)), 0.0)
    h = jax.nn.relu(_gcn_layer(features, W1, b1, src, dst, norm_src, norm_dst))
    h = jax.nn.relu(_gcn_layer(h, W2, b2, src, dst, norm_src, norm_dst))
    out = _gcn_layer(h, W3, b3, src, dst, norm_src, norm_dst)
    return out

if __name__ == "__main__":
    import jax
    _d = setup_inputs()
    print(jax.jit(kernel)(*tuple(_d.values())))

</pallas_src>

<mosaic_0001>
#map = affine_map<(d0, d1) -> (0, 0)>
#map1 = affine_map<(d0, d1) -> (0)>
module attributes {stable_mosaic.version = 14 : i64} {
  func.func @agg(%arg0: i32, %arg1: i32, %arg2: memref<21000x128xf32, #tpu.memory_space<hbm>>, %arg3: memref<328192xi32, #tpu.memory_space<hbm>>, %arg4: memref<164096xi32, #tpu.memory_space<hbm>>, %arg5: memref<640x128xf32, #tpu.memory_space<hbm>>, %arg6: memref<20000x128xf32, #tpu.memory_space<hbm>>, %arg7: memref<128xi32, #tpu.memory_space<vmem>>, %arg8: memref<128xi32, #tpu.memory_space<vmem>>, %arg9: memref<128xi32, #tpu.memory_space<vmem>>, %arg10: memref<128xi32, #tpu.memory_space<vmem>>, %arg11: memref<128x128xf32, #tpu.memory_space<vmem>>, %arg12: memref<128x128xf32, #tpu.memory_space<vmem>>, %arg13: memref<10000x128xf32, #tpu.memory_space<vmem_shared>>, %arg14: memref<!tpu.dma_semaphore, #tpu.memory_space<semaphore_mem>>, %arg15: memref<!tpu.dma_semaphore, #tpu.memory_space<semaphore_mem>>, %arg16: memref<!tpu.dma_semaphore, #tpu.memory_space<semaphore_mem>>, %arg17: memref<!tpu.dma_semaphore, #tpu.memory_space<semaphore_mem>>, %arg18: memref<!tpu.dma_semaphore, #tpu.memory_space<semaphore_mem>>, %arg19: memref<!tpu.dma_semaphore, #tpu.memory_space<semaphore_mem>>) attributes {dimension_semantics = [#tpu.dimension_semantics<core_parallel>, #tpu.dimension_semantics<subcore_parallel>], iteration_bounds = array<i64: 2, 16>, scalar_prefetch = 0 : i64, scratch_operands = 13 : i64, tpu.core_type = #tpu.core_type<sc_vector_subcore>, window_params = [{transform_indices = #map}, {transform_indices = #map1}, {transform_indices = #map1}, {transform_indices = #map}, {transform_indices = #map}]} {
    %lt3A = arith.constant 15 : i32
    %lt3A_0 = arith.cmpi slt, %arg1, %lt3A : i32
    %convert_element_type3A = arith.extui %lt3A_0 : i1 to i32
    %cond3A = arith.constant 0 : i32
    %cond3A_1 = arith.cmpi ne, %convert_element_type3A, %cond3A : i32
    scf.if %cond3A_1 {
      %mul3A_60 = arith.constant 640 : i32
      %mul3A_61 = arith.muli %arg1, %mul3A_60 : i32
      "tpu.region"() ({
        %run_scoped3A = tpu.sem_alloc : memref<!tpu.dma_semaphore, #tpu.memory_space<semaphore_mem>>
        %dma_start3A_62 = arith.constant 0 : i32
        %dma_start3A_63 = tpu.memref_slice %arg13[%mul3A_61, %dma_start3A_62] : memref<10000x128xf32, #tpu.memory_space<vmem_shared>> -> memref<640x128xf32, #tpu.memory_space<vmem_shared>>
        tpu.enqueue_dma source(%arg5 : memref<640x128xf32, #tpu.memory_space<hbm>>) target(%dma_start3A_63 : memref<640x128xf32, #tpu.memory_space<vmem_shared>>) target_semaphore(%run_scoped3A : memref<!tpu.dma_semaphore, #tpu.memory_space<semaphore_mem>>)
        %dma_wait3A_64 = arith.constant 0 : i32
        %dma_wait3A_65 = tpu.memref_slice %arg13[%mul3A_61, %dma_wait3A_64] : memref<10000x128xf32, #tpu.memory_space<vmem_shared>> -> memref<640x128xf32, #tpu.memory_space<vmem_shared>>
        tpu.wait_dma2 semaphore(%run_scoped3A : memref<!tpu.dma_semaphore, #tpu.memory_space<semaphore_mem>>) src(%arg5 : memref<640x128xf32, #tpu.memory_space<hbm>>) dst(%dma_wait3A_65 : memref<640x128xf32, #tpu.memory_space<vmem_shared>>)
        tpu.yield
      }) : () -> ()
    } else {
    }
    %eq3A = arith.constant 15 : i32
    %eq3A_2 = arith.cmpi eq, %arg1, %eq3A : i32
    %convert_element_type3A_3 = arith.extui %eq3A_2 : i1 to i32
    %cond3A_4 = arith.constant 0 : i32
    %cond3A_5 = arith.cmpi ne, %convert_element_type3A_3, %cond3A_4 : i32
    scf.if %cond3A_5 {
      "tpu.region"() ({
        %run_scoped3A = tpu.sem_alloc : memref<!tpu.dma_semaphore, #tpu.memory_space<semaphore_mem>>
        %dma_start3A_60 = arith.constant 9600 : i32
        %dma_start3A_61 = arith.constant 0 : i32
        %dma_start3A_62 = tpu.memref_slice %arg13[%dma_start3A_60, %dma_start3A_61] : memref<10000x128xf32, #tpu.memory_space<vmem_shared>> -> memref<400x128xf32, #tpu.memory_space<vmem_shared>>
        %dma_start3A_63 = arith.constant 0 : i32
        %dma_start3A_64 = arith.constant 0 : i32
        %dma_start3A_65 = tpu.memref_slice %arg5[%dma_start3A_63, %dma_start3A_64] : memref<640x128xf32, #tpu.memory_space<hbm>> -> memref<400x128xf32, #tpu.memory_space<hbm>>
        tpu.enqueue_dma source(%dma_start3A_65 : memref<400x128xf32, #tpu.memory_space<hbm>>) target(%dma_start3A_62 : memref<400x128xf32, #tpu.memory_space<vmem_shared>>) target_semaphore(%run_scoped3A : memref<!tpu.dma_semaphore, #tpu.memory_space<semaphore_mem>>)
        %dma_wait3A_66 = arith.constant 9600 : i32
        %dma_wait3A_67 = arith.constant 0 : i32
        %dma_wait3A_68 = tpu.memref_slice %arg13[%dma_wait3A_66, %dma_wait3A_67] : memref<10000x128xf32, #tpu.memory_space<vmem_shared>> -> memref<400x128xf32, #tpu.memory_space<vmem_shared>>
        %dma_wait3A_69 = arith.constant 0 : i32
        %dma_wait3A_70 = arith.constant 0 : i32
        %dma_wait3A_71 = tpu.memref_slice %arg5[%dma_wait3A_69, %dma_wait3A_70] : memref<640x128xf32, #tpu.memory_space<hbm>> -> memref<400x128xf32, #tpu.memory_space<hbm>>
        tpu.wait_dma2 semaphore(%run_scoped3A : memref<!tpu.dma_semaphore, #tpu.memory_space<semaphore_mem>>) src(%dma_wait3A_71 : memref<400x128xf32, #tpu.memory_space<hbm>>) dst(%dma_wait3A_68 : memref<400x128xf32, #tpu.memory_space<vmem_shared>>)
        tpu.yield
      }) : () -> ()
    } else {
    }
    %barrier3A = arith.constant 0 : index
    tpu.barrier barrier_id(%barrier3A)
    %mul3A = arith.constant 10240 : i32
    %mul3A_6 = arith.muli %arg1, %mul3A : i32
    %mul3A_7 = arith.constant 164096 : i32
    %mul3A_8 = arith.muli %arg0, %mul3A_7 : i32
    %add3A = arith.addi %mul3A_8, %mul3A_6 : i32
    %add3A_9 = arith.constant 0 : i32
    %add3A_10 = arith.addi %add3A, %add3A_9 : i32
    %dma_start3A = tpu.memref_slice %arg3[%add3A_10] : memref<328192xi32, #tpu.memory_space<hbm>> -> memref<128xi32, #tpu.memory_space<hbm>>
    %dma_start3A_11 = tpu.memref_slice %arg3[%add3A_10] : memref<328192xi32, #tpu.memory_space<hbm>> -> memref<128xi32, #tpu.memory_space<hbm>>
    tpu.enqueue_dma source(%dma_start3A_11 : memref<128xi32, #tpu.memory_space<hbm>>) target(%arg7 : memref<128xi32, #tpu.memory_space<vmem>>) target_semaphore(%arg14 : memref<!tpu.dma_semaphore, #tpu.memory_space<semaphore_mem>>)
    %add3A_12 = arith.constant 0 : i32
    %add3A_13 = arith.addi %mul3A_6, %add3A_12 : i32
    %dma_start3A_14 = tpu.memref_slice %arg4[%add3A_13] : memref<164096xi32, #tpu.memory_space<hbm>> -> memref<128xi32, #tpu.memory_space<hbm>>
    %dma_start3A_15 = tpu.memref_slice %arg4[%add3A_13] : memref<164096xi32, #tpu.memory_space<hbm>> -> memref<128xi32, #tpu.memory_space<hbm>>
    tpu.enqueue_dma source(%dma_start3A_15 : memref<128xi32, #tpu.memory_space<hbm>>) target(%arg9 : memref<128xi32, #tpu.memory_space<vmem>>) target_semaphore(%arg14 : memref<!tpu.dma_semaphore, #tpu.memory_space<semaphore_mem>>)
    %add3A_16 = arith.constant 128 : i32
    %add3A_17 = arith.addi %add3A, %add3A_16 : i32
    %dma_start3A_18 = tpu.memref_slice %arg3[%add3A_17] : memref<328192xi32, #tpu.memory_space<hbm>> -> memref<128xi32, #tpu.memory_space<hbm>>
    %dma_start3A_19 = tpu.memref_slice %arg3[%add3A_17] : memref<328192xi32, #tpu.memory_space<hbm>> -> memref<128xi32, #tpu.memory_space<hbm>>
    tpu.enqueue_dma source(%dma_start3A_19 : memref<128xi32, #tpu.memory_space<hbm>>) target(%arg8 : memref<128xi32, #tpu.memory_space<vmem>>) target_semaphore(%arg15 : memref<!tpu.dma_semaphore, #tpu.memory_space<semaphore_mem>>)
    %add3A_20 = arith.constant 128 : i32
    %add3A_21 = arith.addi %mul3A_6, %add3A_20 : i32
    %dma_start3A_22 = tpu.memref_slice %arg4[%add3A_21] : memref<164096xi32, #tpu.memory_space<hbm>> -> memref<128xi32, #tpu.memory_space<hbm>>
    %dma_start3A_23 = tpu.memref_slice %arg4[%add3A_21] : memref<164096xi32, #tpu.memory_space<hbm>> -> memref<128xi32, #tpu.memory_space<hbm>>
    tpu.enqueue_dma source(%dma_start3A_23 : memref<128xi32, #tpu.memory_space<hbm>>) target(%arg10 : memref<128xi32, #tpu.memory_space<vmem>>) target_semaphore(%arg15 : memref<!tpu.dma_semaphore, #tpu.memory_space<semaphore_mem>>)
    %add3A_24 = arith.constant 0 : i32
    %add3A_25 = arith.addi %add3A, %add3A_24 : i32
    %dma_wait3A = tpu.memref_slice %arg3[%add3A_25] : memref<328192xi32, #tpu.memory_space<hbm>> -> memref<128xi32, #tpu.memory_space<hbm>>
    %dma_wait3A_26 = tpu.memref_slice %arg3[%add3A_25] : memref<328192xi32, #tpu.memory_space<hbm>> -> memref<128xi32, #tpu.memory_space<hbm>>
    tpu.wait_dma2 semaphore(%arg14 : memref<!tpu.dma_semaphore, #tpu.memory_space<semaphore_mem>>) src(%dma_wait3A_26 : memref<128xi32, #tpu.memory_space<hbm>>) dst(%arg7 : memref<128xi32, #tpu.memory_space<vmem>>)
    %add3A_27 = arith.constant 0 : i32
    %add3A_28 = arith.addi %mul3A_6, %add3A_27 : i32
    %dma_wait3A_29 = tpu.memref_slice %arg4[%add3A_28] : memref<164096xi32, #tpu.memory_space<hbm>> -> memref<128xi32, #tpu.memory_space<hbm>>
    %dma_wait3A_30 = tpu.memref_slice %arg4[%add3A_28] : memref<164096xi32, #tpu.memory_space<hbm>> -> memref<128xi32, #tpu.memory_space<hbm>>
    tpu.wait_dma2 semaphore(%arg14 : memref<!tpu.dma_semaphore, #tpu.memory_space<semaphore_mem>>) src(%dma_wait3A_30 : memref<128xi32, #tpu.memory_space<hbm>>) dst(%arg9 : memref<128xi32, #tpu.memory_space<vmem>>)
    %dma_start3A_31 = arith.constant 0 : i32
    %dma_start3A_32 = arith.constant 0 : i32
    %dma_start3A_33 = tpu.memref_slice %arg2[%dma_start3A_31, %dma_start3A_32] : memref<21000x128xf32, #tpu.memory_space<hbm>> -> memref<21000x128xf32, #tpu.memory_space<hbm>>
    tpu.enqueue_indirect_dma source(%dma_start3A_33 : memref<21000x128xf32, #tpu.memory_space<hbm>>) target(%arg11 : memref<128x128xf32, #tpu.memory_space<vmem>>) offsets(%arg7 : memref<128xi32, #tpu.memory_space<vmem>>) semaphore(%arg16 : memref<!tpu.dma_semaphore, #tpu.memory_space<semaphore_mem>>)
    %scan3A = arith.constant 0 : i32
    %scan3A_34 = arith.constant 40 : i32
    %scan3A_35 = arith.addi %scan3A, %scan3A_34 : i32
    %scan3A_36 = arith.constant 1 : i32
    scf.for %scan3A_60 = %scan3A to %scan3A_35 step %scan3A_36  : i32 {
      %mul3A_61 = arith.constant 1 : i32
      %mul3A_62 = arith.muli %scan3A_60, %mul3A_61 : i32
      %add3A_63 = arith.constant 0 : i32
      %add3A_64 = arith.addi %add3A_63, %mul3A_62 : i32
      %mul3A_65 = arith.constant 2 : i32
      %mul3A_66 = arith.muli %mul3A_65, %add3A_64 : i32
      %add3A_67 = arith.constant 1 : i32
      %add3A_68 = arith.addi %mul3A_66, %add3A_67 : i32
      %mul3A_69 = arith.constant 128 : i32
      %mul3A_70 = arith.muli %add3A_68, %mul3A_69 : i32
      %add3A_71 = arith.addi %add3A, %mul3A_70 : i32
      %dma_wait3A_72 = tpu.memref_slice %arg3[%add3A_71] : memref<328192xi32, #tpu.memory_space<hbm>> -> memref<128xi32, #tpu.memory_space<hbm>>
      %dma_wait3A_73 = tpu.memref_slice %arg3[%add3A_71] : memref<328192xi32, #tpu.memory_space<hbm>> -> memref<128xi32, #tpu.memory_space<hbm>>
      tpu.wait_dma2 semaphore(%arg15 : memref<!tpu.dma_semaphore, #tpu.memory_space<semaphore_mem>>) src(%dma_wait3A_73 : memref<128xi32, #tpu.memory_space<hbm>>) dst(%arg8 : memref<128xi32, #tpu.memory_space<vmem>>)
      %mul3A_74 = arith.constant 128 : i32
      %mul3A_75 = arith.muli %add3A_68, %mul3A_74 : i32
      %add3A_76 = arith.addi %mul3A_6, %mul3A_75 : i32
      %dma_wait3A_77 = tpu.memref_slice %arg4[%add3A_76] : memref<164096xi32, #tpu.memory_space<hbm>> -> memref<128xi32, #tpu.memory_space<hbm>>
      %dma_wait3A_78 = tpu.memref_slice %arg4[%add3A_76] : memref<164096xi32, #tpu.memory_space<hbm>> -> memref<128xi32, #tpu.memory_space<hbm>>
      tpu.wait_dma2 semaphore(%arg15 : memref<!tpu.dma_semaphore, #tpu.memory_space<semaphore_mem>>) src(%dma_wait3A_78 : memref<128xi32, #tpu.memory_space<hbm>>) dst(%arg10 : memref<128xi32, #tpu.memory_space<vmem>>)
      %dma_wait3A_79 = arith.constant 0 : i32
      %dma_wait3A_80 = arith.constant 0 : i32
      %dma_wait3A_81 = tpu.memref_slice %arg2[%dma_wait3A_79, %dma_wait3A_80] : memref<21000x128xf32, #tpu.memory_space<hbm>> -> memref<21000x128xf32, #tpu.memory_space<hbm>>
      tpu.wait_indirect_dma semaphore(%arg16 : memref<!tpu.dma_semaphore, #tpu.memory_space<semaphore_mem>>) src(%dma_wait3A_81 : memref<21000x128xf32, #tpu.memory_space<hbm>>) dst(%arg11 : memref<128x128xf32, #tpu.memory_space<vmem>>)
      %dma_start3A_82 = arith.constant 0 : i32
      %dma_start3A_83 = arith.constant 0 : i32
      %dma_start3A_84 = tpu.memref_slice %arg13[%dma_start3A_82, %dma_start3A_83] : memref<10000x128xf32, #tpu.memory_space<vmem_shared>> -> memref<10000x128xf32, #tpu.memory_space<vmem_shared>>
      tpu.enqueue_indirect_dma source(%arg11 : memref<128x128xf32, #tpu.memory_space<vmem>>) target(%dma_start3A_84 : memref<10000x128xf32, #tpu.memory_space<vmem_shared>>) offsets(%arg9 : memref<128xi32, #tpu.memory_space<vmem>>) semaphore(%arg18 : memref<!tpu.dma_semaphore, #tpu.memory_space<semaphore_mem>>) {add = true}
      %dma_start3A_85 = arith.constant 0 : i32
      %dma_start3A_86 = arith.constant 0 : i32
      %dma_start3A_87 = tpu.memref_slice %arg2[%dma_start3A_85, %dma_start3A_86] : memref<21000x128xf32, #tpu.memory_space<hbm>> -> memref<21000x128xf32, #tpu.memory_space<hbm>>
      tpu.enqueue_indirect_dma source(%dma_start3A_87 : memref<21000x128xf32, #tpu.memory_space<hbm>>) target(%arg12 : memref<128x128xf32, #tpu.memory_space<vmem>>) offsets(%arg8 : memref<128xi32, #tpu.memory_space<vmem>>) semaphore(%arg17 : memref<!tpu.dma_semaphore, #tpu.memory_space<semaphore_mem>>)
      %dma_wait3A_88 = arith.constant 0 : i32
      %dma_wait3A_89 = arith.constant 0 : i32
      %dma_wait3A_90 = tpu.memref_slice %arg13[%dma_wait3A_88, %dma_wait3A_89] : memref<10000x128xf32, #tpu.memory_space<vmem_shared>> -> memref<10000x128xf32, #tpu.memory_space<vmem_shared>>
      tpu.wait_indirect_dma semaphore(%arg18 : memref<!tpu.dma_semaphore, #tpu.memory_space<semaphore_mem>>) src(%arg11 : memref<128x128xf32, #tpu.memory_space<vmem>>) dst(%dma_wait3A_90 : memref<10000x128xf32, #tpu.memory_space<vmem_shared>>)
      %add3A_91 = arith.constant 2 : i32
      %add3A_92 = arith.addi %mul3A_66, %add3A_91 : i32
      %mul3A_93 = arith.constant 128 : i32
      %mul3A_94 = arith.muli %add3A_92, %mul3A_93 : i32
      %add3A_95 = arith.addi %add3A, %mul3A_94 : i32
      %dma_start3A_96 = tpu.memref_slice %arg3[%add3A_95] : memref<328192xi32, #tpu.memory_space<hbm>> -> memref<128xi32, #tpu.memory_space<hbm>>
      %dma_start3A_97 = tpu.memref_slice %arg3[%add3A_95] : memref<328192xi32, #tpu.memory_space<hbm>> -> memref<128xi32, #tpu.memory_space<hbm>>
      tpu.enqueue_dma source(%dma_start3A_97 : memref<128xi32, #tpu.memory_space<hbm>>) target(%arg7 : memref<128xi32, #tpu.memory_space<vmem>>) target_semaphore(%arg14 : memref<!tpu.dma_semaphore, #tpu.memory_space<semaphore_mem>>)
      %mul3A_98 = arith.constant 128 : i32
      %mul3A_99 = arith.muli %add3A_92, %mul3A_98 : i32
      %add3A_100 = arith.addi %mul3A_6, %mul3A_99 : i32
      %dma_start3A_101 = tpu.memref_slice %arg4[%add3A_100] : memref<164096xi32, #tpu.memory_space<hbm>> -> memref<128xi32, #tpu.memory_space<hbm>>
      %dma_start3A_102 = tpu.memref_slice %arg4[%add3A_100] : memref<164096xi32, #tpu.memory_space<hbm>> -> memref<128xi32, #tpu.memory_space<hbm>>
      tpu.enqueue_dma source(%dma_start3A_102 : memref<128xi32, #tpu.memory_space<hbm>>) target(%arg9 : memref<128xi32, #tpu.memory_space<vmem>>) target_semaphore(%arg14 : memref<!tpu.dma_semaphore, #tpu.memory_space<semaphore_mem>>)
      %dma_wait3A_103 = arith.constant 0 : i32
      %dma_wait3A_104 = arith.constant 0 : i32
      %dma_wait3A_105 = tpu.memref_slice %arg2[%dma_wait3A_103, %dma_wait3A_104] : memref<21000x128xf32, #tpu.memory_space<hbm>> -> memref<21000x128xf32, #tpu.memory_space<hbm>>
      tpu.wait_indirect_dma semaphore(%arg17 : memref<!tpu.dma_semaphore, #tpu.memory_space<semaphore_mem>>) src(%dma_wait3A_105 : memref<21000x128xf32, #tpu.memory_space<hbm>>) dst(%arg12 : memref<128x128xf32, #tpu.memory_space<vmem>>)
      %dma_start3A_106 = arith.constant 0 : i32
      %dma_start3A_107 = arith.constant 0 : i32
      %dma_start3A_108 = tpu.memref_slice %arg13[%dma_start3A_106, %dma_start3A_107] : memref<10000x128xf32, #tpu.memory_space<vmem_shared>> -> memref<10000x128xf32, #tpu.memory_space<vmem_shared>>
      tpu.enqueue_indirect_dma source(%arg12 : memref<128x128xf32, #tpu.memory_space<vmem>>) target(%dma_start3A_108 : memref<10000x128xf32, #tpu.memory_space<vmem_shared>>) offsets(%arg10 : memref<128xi32, #tpu.memory_space<vmem>>) semaphore(%arg19 : memref<!tpu.dma_semaphore, #tpu.memory_space<semaphore_mem>>) {add = true}
      %add3A_109 = arith.constant 2 : i32
      %add3A_110 = arith.addi %mul3A_66, %add3A_109 : i32
      %mul3A_111 = arith.constant 128 : i32
      %mul3A_112 = arith.muli %add3A_110, %mul3A_111 : i32
      %add3A_113 = arith.addi %add3A, %mul3A_112 : i32
      %dma_wait3A_114 = tpu.memref_slice %arg3[%add3A_113] : memref<328192xi32, #tpu.memory_space<hbm>> -> memref<128xi32, #tpu.memory_space<hbm>>
      %dma_wait3A_115 = tpu.memref_slice %arg3[%add3A_113] : memref<328192xi32, #tpu.memory_space<hbm>> -> memref<128xi32, #tpu.memory_space<hbm>>
      tpu.wait_dma2 semaphore(%arg14 : memref<!tpu.dma_semaphore, #tpu.memory_space<semaphore_mem>>) src(%dma_wait3A_115 : memref<128xi32, #tpu.memory_space<hbm>>) dst(%arg7 : memref<128xi32, #tpu.memory_space<vmem>>)
      %mul3A_116 = arith.constant 128 : i32
      %mul3A_117 = arith.muli %add3A_110, %mul3A_116 : i32
      %add3A_118 = arith.addi %mul3A_6, %mul3A_117 : i32
      %dma_wait3A_119 = tpu.memref_slice %arg4[%add3A_118] : memref<164096xi32, #tpu.memory_space<hbm>> -> memref<128xi32, #tpu.memory_space<hbm>>
      %dma_wait3A_120 = tpu.memref_slice %arg4[%add3A_118] : memref<164096xi32, #tpu.memory_space<hbm>> -> memref<128xi32, #tpu.memory_space<hbm>>
      tpu.wait_dma2 semaphore(%arg14 : memref<!tpu.dma_semaphore, #tpu.memory_space<semaphore_mem>>) src(%dma_wait3A_120 : memref<128xi32, #tpu.memory_space<hbm>>) dst(%arg9 : memref<128xi32, #tpu.memory_space<vmem>>)
      %dma_start3A_121 = arith.constant 0 : i32
      %dma_start3A_122 = arith.constant 0 : i32
      %dma_start3A_123 = tpu.memref_slice %arg2[%dma_start3A_121, %dma_start3A_122] : memref<21000x128xf32, #tpu.memory_space<hbm>> -> memref<21000x128xf32, #tpu.memory_space<hbm>>
      tpu.enqueue_indirect_dma source(%dma_start3A_123 : memref<21000x128xf32, #tpu.memory_space<hbm>>) target(%arg11 : memref<128x128xf32, #tpu.memory_space<vmem>>) offsets(%arg7 : memref<128xi32, #tpu.memory_space<vmem>>) semaphore(%arg16 : memref<!tpu.dma_semaphore, #tpu.memory_space<semaphore_mem>>)
      %dma_wait3A_124 = arith.constant 0 : i32
      %dma_wait3A_125 = arith.constant 0 : i32
      %dma_wait3A_126 = tpu.memref_slice %arg13[%dma_wait3A_124, %dma_wait3A_125] : memref<10000x128xf32, #tpu.memory_space<vmem_shared>> -> memref<10000x128xf32, #tpu.memory_space<vmem_shared>>
      tpu.wait_indirect_dma semaphore(%arg19 : memref<!tpu.dma_semaphore, #tpu.memory_space<semaphore_mem>>) src(%arg12 : memref<128x128xf32, #tpu.memory_space<vmem>>) dst(%dma_wait3A_126 : memref<10000x128xf32, #tpu.memory_space<vmem_shared>>)
      %add3A_127 = arith.constant 2 : i32
      %add3A_128 = arith.addi %add3A_68, %add3A_127 : i32
      %mul3A_129 = arith.constant 128 : i32
      %mul3A_130 = arith.muli %add3A_128, %mul3A_129 : i32
      %add3A_131 = arith.addi %add3A, %mul3A_130 : i32
      %dma_start3A_132 = tpu.memref_slice %arg3[%add3A_131] : memref<328192xi32, #tpu.memory_space<hbm>> -> memref<128xi32, #tpu.memory_space<hbm>>
      %dma_start3A_133 = tpu.memref_slice %arg3[%add3A_131] : memref<328192xi32, #tpu.memory_space<hbm>> -> memref<128xi32, #tpu.memory_space<hbm>>
      tpu.enqueue_dma source(%dma_start3A_133 : memref<128xi32, #tpu.memory_space<hbm>>) target(%arg8 : memref<128xi32, #tpu.memory_space<vmem>>) target_semaphore(%arg15 : memref<!tpu.dma_semaphore, #tpu.memory_space<semaphore_mem>>)
      %mul3A_134 = arith.constant 128 : i32
      %mul3A_135 = arith.muli %add3A_128, %mul3A_134 : i32
      %add3A_136 = arith.addi %mul3A_6, %mul3A_135 : i32
      %dma_start3A_137 = tpu.memref_slice %arg4[%add3A_136] : memref<164096xi32, #tpu.memory_space<hbm>> -> memref<128xi32, #tpu.memory_space<hbm>>
      %dma_start3A_138 = tpu.memref_slice %arg4[%add3A_136] : memref<164096xi32, #tpu.memory_space<hbm>> -> memref<128xi32, #tpu.memory_space<hbm>>
      tpu.enqueue_dma source(%dma_start3A_138 : memref<128xi32, #tpu.memory_space<hbm>>) target(%arg10 : memref<128xi32, #tpu.memory_space<vmem>>) target_semaphore(%arg15 : memref<!tpu.dma_semaphore, #tpu.memory_space<semaphore_mem>>)
    }
    %scan3A_37 = arith.constant 40 : i32
    %dma_wait3A_38 = arith.constant 0 : i32
    %dma_wait3A_39 = arith.constant 0 : i32
    %dma_wait3A_40 = tpu.memref_slice %arg2[%dma_wait3A_38, %dma_wait3A_39] : memref<21000x128xf32, #tpu.memory_space<hbm>> -> memref<21000x128xf32, #tpu.memory_space<hbm>>
    tpu.wait_indirect_dma semaphore(%arg16 : memref<!tpu.dma_semaphore, #tpu.memory_space<semaphore_mem>>) src(%dma_wait3A_40 : memref<21000x128xf32, #tpu.memory_space<hbm>>) dst(%arg11 : memref<128x128xf32, #tpu.memory_space<vmem>>)
    %add3A_41 = arith.constant 10368 : i32
    %add3A_42 = arith.addi %add3A, %add3A_41 : i32
    %dma_wait3A_43 = tpu.memref_slice %arg3[%add3A_42] : memref<328192xi32, #tpu.memory_space<hbm>> -> memref<128xi32, #tpu.memory_space<hbm>>
    %dma_wait3A_44 = tpu.memref_slice %arg3[%add3A_42] : memref<328192xi32, #tpu.memory_space<hbm>> -> memref<128xi32, #tpu.memory_space<hbm>>
    tpu.wait_dma2 semaphore(%arg15 : memref<!tpu.dma_semaphore, #tpu.memory_space<semaphore_mem>>) src(%dma_wait3A_44 : memref<128xi32, #tpu.memory_space<hbm>>) dst(%arg8 : memref<128xi32, #tpu.memory_space<vmem>>)
    %add3A_45 = arith.constant 10368 : i32
    %add3A_46 = arith.addi %mul3A_6, %add3A_45 : i32
    %dma_wait3A_47 = tpu.memref_slice %arg4[%add3A_46] : memref<164096xi32, #tpu.memory_space<hbm>> -> memref<128xi32, #tpu.memory_space<hbm>>
    %dma_wait3A_48 = tpu.memref_slice %arg4[%add3A_46] : memref<164096xi32, #tpu.memory_space<hbm>> -> memref<128xi32, #tpu.memory_space<hbm>>
    tpu.wait_dma2 semaphore(%arg15 : memref<!tpu.dma_semaphore, #tpu.memory_space<semaphore_mem>>) src(%dma_wait3A_48 : memref<128xi32, #tpu.memory_space<hbm>>) dst(%arg10 : memref<128xi32, #tpu.memory_space<vmem>>)
    %barrier3A_49 = arith.constant 0 : index
    tpu.barrier barrier_id(%barrier3A_49)
    %lt3A_50 = arith.constant 15 : i32
    %lt3A_51 = arith.cmpi slt, %arg1, %lt3A_50 : i32
    %convert_element_type3A_52 = arith.extui %lt3A_51 : i1 to i32
    %cond3A_53 = arith.constant 0 : i32
    %cond3A_54 = arith.cmpi ne, %convert_element_type3A_52, %cond3A_53 : i32
    scf.if %cond3A_54 {
      %mul3A_60 = arith.constant 640 : i32
      %mul3A_61 = arith.muli %arg1, %mul3A_60 : i32
      %mul3A_62 = arith.constant 10000 : i32
      %mul3A_63 = arith.muli %arg0, %mul3A_62 : i32
      %mul3A_64 = arith.constant 640 : i32
      %mul3A_65 = arith.muli %arg1, %mul3A_64 : i32
      %add3A_66 = arith.addi %mul3A_63, %mul3A_65 : i32
      "tpu.region"() ({
        %run_scoped3A = tpu.sem_alloc : memref<!tpu.dma_semaphore, #tpu.memory_space<semaphore_mem>>
        %dma_start3A_67 = arith.constant 0 : i32
        %dma_start3A_68 = tpu.memref_slice %arg6[%add3A_66, %dma_start3A_67] : memref<20000x128xf32, #tpu.memory_space<hbm>> -> memref<640x128xf32, #tpu.memory_space<hbm>>
        %dma_start3A_69 = arith.constant 0 : i32
        %dma_start3A_70 = tpu.memref_slice %arg13[%mul3A_61, %dma_start3A_69] : memref<10000x128xf32, #tpu.memory_space<vmem_shared>> -> memref<640x128xf32, #tpu.memory_space<vmem_shared>>
        tpu.enqueue_dma source(%dma_start3A_70 : memref<640x128xf32, #tpu.memory_space<vmem_shared>>) target(%dma_start3A_68 : memref<640x128xf32, #tpu.memory_space<hbm>>) target_semaphore(%run_scoped3A : memref<!tpu.dma_semaphore, #tpu.memory_space<semaphore_mem>>)
        %dma_wait3A_71 = arith.constant 0 : i32
        %dma_wait3A_72 = tpu.memref_slice %arg6[%add3A_66, %dma_wait3A_71] : memref<20000x128xf32, #tpu.memory_space<hbm>> -> memref<640x128xf32, #tpu.memory_space<hbm>>
        %dma_wait3A_73 = arith.constant 0 : i32
        %dma_wait3A_74 = tpu.memref_slice %arg13[%mul3A_61, %dma_wait3A_73] : memref<10000x128xf32, #tpu.memory_space<vmem_shared>> -> memref<640x128xf32, #tpu.memory_space<vmem_shared>>
        tpu.wait_dma2 semaphore(%run_scoped3A : memref<!tpu.dma_semaphore, #tpu.memory_space<semaphore_mem>>) src(%dma_wait3A_74 : memref<640x128xf32, #tpu.memory_space<vmem_shared>>) dst(%dma_wait3A_72 : memref<640x128xf32, #tpu.memory_space<hbm>>)
        tpu.yield
      }) : () -> ()
    } else {
    }
    %eq3A_55 = arith.constant 15 : i32
    %eq3A_56 = arith.cmpi eq, %arg1, %eq3A_55 : i32
    %convert_element_type3A_57 = arith.extui %eq3A_56 : i1 to i32
    %cond3A_58 = arith.constant 0 : i32
    %cond3A_59 = arith.cmpi ne, %convert_element_type3A_57, %cond3A_58 : i32
    scf.if %cond3A_59 {
      %mul3A_60 = arith.constant 10000 : i32
      %mul3A_61 = arith.muli %arg0, %mul3A_60 : i32
      %add3A_62 = arith.constant 9600 : i32
      %add3A_63 = arith.addi %mul3A_61, %add3A_62 : i32
      "tpu.region"() ({
        %run_scoped3A = tpu.sem_alloc : memref<!tpu.dma_semaphore, #tpu.memory_space<semaphore_mem>>
        %dma_start3A_64 = arith.constant 0 : i32
        %dma_start3A_65 = tpu.memref_slice %arg6[%add3A_63, %dma_start3A_64] : memref<20000x128xf32, #tpu.memory_space<hbm>> -> memref<400x128xf32, #tpu.memory_space<hbm>>
        %dma_start3A_66 = arith.constant 9600 : i32
        %dma_start3A_67 = arith.constant 0 : i32
        %dma_start3A_68 = tpu.memref_slice %arg13[%dma_start3A_66, %dma_start3A_67] : memref<10000x128xf32, #tpu.memory_space<vmem_shared>> -> memref<400x128xf32, #tpu.memory_space<vmem_shared>>
        tpu.enqueue_dma source(%dma_start3A_68 : memref<400x128xf32, #tpu.memory_space<vmem_shared>>) target(%dma_start3A_65 : memref<400x128xf32, #tpu.memory_space<hbm>>) target_semaphore(%run_scoped3A : memref<!tpu.dma_semaphore, #tpu.memory_space<semaphore_mem>>)
        %dma_wait3A_69 = arith.constant 0 : i32
        %dma_wait3A_70 = tpu.memref_slice %arg6[%add3A_63, %dma_wait3A_69] : memref<20000x128xf32, #tpu.memory_space<hbm>> -> memref<400x128xf32, #tpu.memory_space<hbm>>
        %dma_wait3A_71 = arith.constant 9600 : i32
        %dma_wait3A_72 = arith.constant 0 : i32
        %dma_wait3A_73 = tpu.memref_slice %arg13[%dma_wait3A_71, %dma_wait3A_72] : memref<10000x128xf32, #tpu.memory_space<vmem_shared>> -> memref<400x128xf32, #tpu.memory_space<vmem_shared>>
        tpu.wait_dma2 semaphore(%run_scoped3A : memref<!tpu.dma_semaphore, #tpu.memory_space<semaphore_mem>>) src(%dma_wait3A_73 : memref<400x128xf32, #tpu.memory_space<vmem_shared>>) dst(%dma_wait3A_70 : memref<400x128xf32, #tpu.memory_space<hbm>>)
        tpu.yield
      }) : () -> ()
    } else {
    }
    return
  }
}

#map = affine_map<(d0, d1) -> (0)>
module attributes {stable_mosaic.version = 14 : i64} {
  func.func @_deg_kernel(%arg0: i32, %arg1: i32, %arg2: memref<160256xi32, #tpu.memory_space<hbm>>, %arg3: memref<160256xi32, #tpu.memory_space<hbm>>, %arg4: memref<20000xf32, #tpu.memory_space<hbm>>, %arg5: memref<80xi32, #tpu.memory_space<vmem>>, %arg6: memref<80xi32, #tpu.memory_space<vmem>>, %arg7: memref<80xf32, #tpu.memory_space<vmem>>, %arg8: memref<640xf32, #tpu.memory_space<vmem>>, %arg9: memref<10000xf32, #tpu.memory_space<vmem_shared>>, %arg10: memref<!tpu.dma_semaphore, #tpu.memory_space<semaphore_mem>>, %arg11: memref<!tpu.dma_semaphore, #tpu.memory_space<semaphore_mem>>, %arg12: memref<!tpu.dma_semaphore, #tpu.memory_space<semaphore_mem>>, %arg13: memref<!tpu.dma_semaphore, #tpu.memory_space<semaphore_mem>>) attributes {dimension_semantics = [#tpu.dimension_semantics<core_parallel>, #tpu.dimension_semantics<subcore_parallel>], iteration_bounds = array<i64: 2, 16>, scalar_prefetch = 0 : i64, scratch_operands = 9 : i64, tpu.core_type = #tpu.core_type<sc_vector_subcore>, window_params = [{transform_indices = #map}, {transform_indices = #map}, {transform_indices = #map}]} {
    %scan3A = arith.constant 0 : i32
    %scan3A_0 = arith.constant 40 : i32
    %scan3A_1 = arith.addi %scan3A, %scan3A_0 : i32
    %scan3A_2 = arith.constant 1 : i32
    scf.for %scan3A_37 = %scan3A to %scan3A_1 step %scan3A_2  : i32 {
      %mul3A_38 = arith.constant 1 : i32
      %mul3A_39 = arith.muli %scan3A_37, %mul3A_38 : i32
      %add3A = arith.constant 0 : i32
      %add3A_40 = arith.addi %add3A, %mul3A_39 : i32
      %broadcast_in_dim3A = arith.constant 0.000000e+00 : f32
      %broadcast_in_dim3A_41 = vector.broadcast %broadcast_in_dim3A : f32 to vector<16xf32>
      %mul3A_42 = arith.constant 16 : i32
      %mul3A_43 = arith.muli %add3A_40, %mul3A_42 : i32
      %swap3A = arith.index_cast %mul3A_43 : i32 to index
      %swap3A_44 = tpu.vector_load %arg8[%swap3A] {strides = array<i32>} : memref<640xf32, #tpu.memory_space<vmem>>, vector<16xf32>,
      %swap3A_45 = vector.shape_cast %swap3A_44 : vector<16xf32> to vector<16xf32>
      %swap3A_46 = vector.shape_cast %broadcast_in_dim3A_41 : vector<16xf32> to vector<16xf32>
      tpu.vector_store %arg8[%swap3A], %swap3A_46 {strides = array<i32>} : memref<640xf32, #tpu.memory_space<vmem>>, vector<16xf32>,
    }
    %scan3A_3 = arith.constant 40 : i32
    %scan3A_4 = arith.constant 0 : i32
    %scan3A_5 = arith.constant 5 : i32
    %scan3A_6 = arith.addi %scan3A_4, %scan3A_5 : i32
    %scan3A_7 = arith.constant 1 : i32
    scf.for %scan3A_37 = %scan3A_4 to %scan3A_6 step %scan3A_7  : i32 {
      %mul3A_38 = arith.constant 1 : i32
      %mul3A_39 = arith.muli %scan3A_37, %mul3A_38 : i32
      %add3A = arith.constant 0 : i32
      %add3A_40 = arith.addi %add3A, %mul3A_39 : i32
      %broadcast_in_dim3A = arith.constant 1.000000e+00 : f32
      %broadcast_in_dim3A_41 = vector.broadcast %broadcast_in_dim3A : f32 to vector<16xf32>
      %mul3A_42 = arith.constant 16 : i32
      %mul3A_43 = arith.muli %add3A_40, %mul3A_42 : i32
      %swap3A = arith.index_cast %mul3A_43 : i32 to index
      %swap3A_44 = tpu.vector_load %arg7[%swap3A] {strides = array<i32>} : memref<80xf32, #tpu.memory_space<vmem>>, vector<16xf32>,
      %swap3A_45 = vector.shape_cast %swap3A_44 : vector<16xf32> to vector<16xf32>
      %swap3A_46 = vector.shape_cast %broadcast_in_dim3A_41 : vector<16xf32> to vector<16xf32>
      tpu.vector_store %arg7[%swap3A], %swap3A_46 {strides = array<i32>} : memref<80xf32, #tpu.memory_space<vmem>>, vector<16xf32>,
    }
    %scan3A_8 = arith.constant 5 : i32
    %lt3A = arith.constant 15 : i32
    %lt3A_9 = arith.cmpi slt, %arg1, %lt3A : i32
    %convert_element_type3A = arith.extui %lt3A_9 : i1 to i32
    %cond3A = arith.constant 0 : i32
    %cond3A_10 = arith.cmpi ne, %convert_element_type3A, %cond3A : i32
    scf.if %cond3A_10 {
      %mul3A_37 = arith.constant 640 : i32
      %mul3A_38 = arith.muli %arg1, %mul3A_37 : i32
      "tpu.region"() ({
        %run_scoped3A = tpu.sem_alloc : memref<!tpu.dma_semaphore, #tpu.memory_space<semaphore_mem>>
        %dma_start3A = tpu.memref_slice %arg9[%mul3A_38] : memref<10000xf32, #tpu.memory_space<vmem_shared>> -> memref<640xf32, #tpu.memory_space<vmem_shared>>
        %dma_start3A_39 = tpu.memref_slice %arg9[%mul3A_38] : memref<10000xf32, #tpu.memory_space<vmem_shared>> -> memref<640xf32, #tpu.memory_space<vmem_shared>>
        tpu.enqueue_dma source(%arg8 : memref<640xf32, #tpu.memory_space<vmem>>) target(%dma_start3A_39 : memref<640xf32, #tpu.memory_space<vmem_shared>>) target_semaphore(%run_scoped3A : memref<!tpu.dma_semaphore, #tpu.memory_space<semaphore_mem>>)
        %dma_wait3A = tpu.memref_slice %arg9[%mul3A_38] : memref<10000xf32, #tpu.memory_space<vmem_shared>> -> memref<640xf32, #tpu.memory_space<vmem_shared>>
        %dma_wait3A_40 = tpu.memref_slice %arg9[%mul3A_38] : memref<10000xf32, #tpu.memory_space<vmem_shared>> -> memref<640xf32, #tpu.memory_space<vmem_shared>>
        tpu.wait_dma2 semaphore(%run_scoped3A : memref<!tpu.dma_semaphore, #tpu.memory_space<semaphore_mem>>) src(%arg8 : memref<640xf32, #tpu.memory_space<vmem>>) dst(%dma_wait3A_40 : memref<640xf32, #tpu.memory_space<vmem_shared>>)
        tpu.yield
      }) : () -> ()
    } else {
    }
    %eq3A = arith.constant 15 : i32
    %eq3A_11 = arith.cmpi eq, %arg1, %eq3A : i32
    %convert_element_type3A_12 = arith.extui %eq3A_11 : i1 to i32
    %cond3A_13 = arith.constant 0 : i32
    %cond3A_14 = arith.cmpi ne, %convert_element_type3A_12, %cond3A_13 : i32
    scf.if %cond3A_14 {
      "tpu.region"() ({
        %run_scoped3A = tpu.sem_alloc : memref<!tpu.dma_semaphore, #tpu.memory_space<semaphore_mem>>
        %dma_start3A = arith.constant 0 : i32
        %dma_start3A_37 = tpu.memref_slice %arg8[%dma_start3A] : memref<640xf32, #tpu.memory_space<vmem>> -> memref<400xf32, #tpu.memory_space<vmem>>
        %dma_start3A_38 = arith.constant 9600 : i32
        %dma_start3A_39 = tpu.memref_slice %arg9[%dma_start3A_38] : memref<10000xf32, #tpu.memory_space<vmem_shared>> -> memref<400xf32, #tpu.memory_space<vmem_shared>>
        %dma_start3A_40 = arith.constant 9600 : i32
        %dma_start3A_41 = tpu.memref_slice %arg9[%dma_start3A_40] : memref<10000xf32, #tpu.memory_space<vmem_shared>> -> memref<400xf32, #tpu.memory_space<vmem_shared>>
        %dma_start3A_42 = arith.constant 0 : i32
        %dma_start3A_43 = tpu.memref_slice %arg8[%dma_start3A_42] : memref<640xf32, #tpu.memory_space<vmem>> -> memref<400xf32, #tpu.memory_space<vmem>>
        tpu.enqueue_dma source(%dma_start3A_43 : memref<400xf32, #tpu.memory_space<vmem>>) target(%dma_start3A_41 : memref<400xf32, #tpu.memory_space<vmem_shared>>) target_semaphore(%run_scoped3A : memref<!tpu.dma_semaphore, #tpu.memory_space<semaphore_mem>>)
        %dma_wait3A = arith.constant 0 : i32
        %dma_wait3A_44 = tpu.memref_slice %arg8[%dma_wait3A] : memref<640xf32, #tpu.memory_space<vmem>> -> memref<400xf32, #tpu.memory_space<vmem>>
        %dma_wait3A_45 = arith.constant 9600 : i32
        %dma_wait3A_46 = tpu.memref_slice %arg9[%dma_wait3A_45] : memref<10000xf32, #tpu.memory_space<vmem_shared>> -> memref<400xf32, #tpu.memory_space<vmem_shared>>
        %dma_wait3A_47 = arith.constant 9600 : i32
        %dma_wait3A_48 = tpu.memref_slice %arg9[%dma_wait3A_47] : memref<10000xf32, #tpu.memory_space<vmem_shared>> -> memref<400xf32, #tpu.memory_space<vmem_shared>>
        %dma_wait3A_49 = arith.constant 0 : i32
        %dma_wait3A_50 = tpu.memref_slice %arg8[%dma_wait3A_49] : memref<640xf32, #tpu.memory_space<vmem>> -> memref<400xf32, #tpu.memory_space<vmem>>
        tpu.wait_dma2 semaphore(%run_scoped3A : memref<!tpu.dma_semaphore, #tpu.memory_space<semaphore_mem>>) src(%dma_wait3A_50 : memref<400xf32, #tpu.memory_space<vmem>>) dst(%dma_wait3A_48 : memref<400xf32, #tpu.memory_space<vmem_shared>>)
        tpu.yield
      }) : () -> ()
    } else {
    }
    %barrier3A = arith.constant 0 : index
    tpu.barrier barrier_id(%barrier3A)
    %mul3A = arith.constant 10000 : i32
    %mul3A_15 = arith.muli %arg1, %mul3A : i32
    %eq3A_16 = arith.constant 0 : i32
    %eq3A_17 = arith.cmpi eq, %arg0, %eq3A_16 : i32
    %convert_element_type3A_18 = arith.extui %eq3A_17 : i1 to i32
    %cond3A_19 = arith.constant 0 : i32
    %cond3A_20 = arith.cmpi ne, %convert_element_type3A_18, %cond3A_19 : i32
    scf.if %cond3A_20 {
      %add3A = arith.constant 0 : i32
      %add3A_37 = arith.addi %mul3A_15, %add3A : i32
      %dma_start3A = tpu.memref_slice %arg2[%add3A_37] : memref<160256xi32, #tpu.memory_space<hbm>> -> memref<80xi32, #tpu.memory_space<hbm>>
      %dma_start3A_38 = tpu.memref_slice %arg2[%add3A_37] : memref<160256xi32, #tpu.memory_space<hbm>> -> memref<80xi32, #tpu.memory_space<hbm>>
      tpu.enqueue_dma source(%dma_start3A_38 : memref<80xi32, #tpu.memory_space<hbm>>) target(%arg5 : memref<80xi32, #tpu.memory_space<vmem>>) target_semaphore(%arg10 : memref<!tpu.dma_semaphore, #tpu.memory_space<semaphore_mem>>)
      %add3A_39 = arith.constant 80 : i32
      %add3A_40 = arith.addi %mul3A_15, %add3A_39 : i32
      %dma_start3A_41 = tpu.memref_slice %arg2[%add3A_40] : memref<160256xi32, #tpu.memory_space<hbm>> -> memref<80xi32, #tpu.memory_space<hbm>>
      %dma_start3A_42 = tpu.memref_slice %arg2[%add3A_40] : memref<160256xi32, #tpu.memory_space<hbm>> -> memref<80xi32, #tpu.memory_space<hbm>>
      tpu.enqueue_dma source(%dma_start3A_42 : memref<80xi32, #tpu.memory_space<hbm>>) target(%arg6 : memref<80xi32, #tpu.memory_space<vmem>>) target_semaphore(%arg11 : memref<!tpu.dma_semaphore, #tpu.memory_space<semaphore_mem>>)
      %scan3A_43 = arith.constant 0 : i32
      %scan3A_44 = arith.constant 62 : i32
      %scan3A_45 = arith.addi %scan3A_43, %scan3A_44 : i32
      %scan3A_46 = arith.constant 1 : i32
      scf.for %scan3A_59 = %scan3A_43 to %scan3A_45 step %scan3A_46  : i32 {
        %mul3A_60 = arith.constant 1 : i32
        %mul3A_61 = arith.muli %scan3A_59, %mul3A_60 : i32
        %add3A_62 = arith.constant 0 : i32
        %add3A_63 = arith.addi %add3A_62, %mul3A_61 : i32
        %mul3A_64 = arith.constant 2 : i32
        %mul3A_65 = arith.muli %mul3A_64, %add3A_63 : i32
        %mul3A_66 = arith.constant 80 : i32
        %mul3A_67 = arith.muli %mul3A_65, %mul3A_66 : i32
        %add3A_68 = arith.addi %mul3A_15, %mul3A_67 : i32
        %dma_wait3A_69 = tpu.memref_slice %arg2[%add3A_68] : memref<160256xi32, #tpu.memory_space<hbm>> -> memref<80xi32, #tpu.memory_space<hbm>>
        %dma_wait3A_70 = tpu.memref_slice %arg2[%add3A_68] : memref<160256xi32, #tpu.memory_space<hbm>> -> memref<80xi32, #tpu.memory_space<hbm>>
        tpu.wait_dma2 semaphore(%arg10 : memref<!tpu.dma_semaphore, #tpu.memory_space<semaphore_mem>>) src(%dma_wait3A_70 : memref<80xi32, #tpu.memory_space<hbm>>) dst(%arg5 : memref<80xi32, #tpu.memory_space<vmem>>)
        %dma_start3A_71 = arith.constant 0 : i32
        %dma_start3A_72 = tpu.memref_slice %arg9[%dma_start3A_71] : memref<10000xf32, #tpu.memory_space<vmem_shared>> -> memref<10000xf32, #tpu.memory_space<vmem_shared>>
        tpu.enqueue_indirect_dma source(%arg7 : memref<80xf32, #tpu.memory_space<vmem>>) target(%dma_start3A_72 : memref<10000xf32, #tpu.memory_space<vmem_shared>>) offsets(%arg5 : memref<80xi32, #tpu.memory_space<vmem>>) semaphore(%arg12 : memref<!tpu.dma_semaphore, #tpu.memory_space<semaphore_mem>>) {add = true}
        %mul3A_73 = arith.constant 2 : i32
        %mul3A_74 = arith.muli %mul3A_73, %add3A_63 : i32
        %add3A_75 = arith.constant 1 : i32
        %add3A_76 = arith.addi %mul3A_74, %add3A_75 : i32
        %mul3A_77 = arith.constant 80 : i32
        %mul3A_78 = arith.muli %add3A_76, %mul3A_77 : i32
        %add3A_79 = arith.addi %mul3A_15, %mul3A_78 : i32
        %dma_wait3A_80 = tpu.memref_slice %arg2[%add3A_79] : memref<160256xi32, #tpu.memory_space<hbm>> -> memref<80xi32, #tpu.memory_space<hbm>>
        %dma_wait3A_81 = tpu.memref_slice %arg2[%add3A_79] : memref<160256xi32, #tpu.memory_space<hbm>> -> memref<80xi32, #tpu.memory_space<hbm>>
        tpu.wait_dma2 semaphore(%arg11 : memref<!tpu.dma_semaphore, #tpu.memory_space<semaphore_mem>>) src(%dma_wait3A_81 : memref<80xi32, #tpu.memory_space<hbm>>) dst(%arg6 : memref<80xi32, #tpu.memory_space<vmem>>)
        %dma_start3A_82 = arith.constant 0 : i32
        %dma_start3A_83 = tpu.memref_slice %arg9[%dma_start3A_82] : memref<10000xf32, #tpu.memory_space<vmem_shared>> -> memref<10000xf32, #tpu.memory_space<vmem_shared>>
        tpu.enqueue_indirect_dma source(%arg7 : memref<80xf32, #tpu.memory_space<vmem>>) target(%dma_start3A_83 : memref<10000xf32, #tpu.memory_space<vmem_shared>>) offsets(%arg6 : memref<80xi32, #tpu.memory_space<vmem>>) semaphore(%arg13 : memref<!tpu.dma_semaphore, #tpu.memory_space<semaphore_mem>>) {add = true}
        %dma_wait3A_84 = arith.constant 0 : i32
        %dma_wait3A_85 = tpu.memref_slice %arg9[%dma_wait3A_84] : memref<10000xf32, #tpu.memory_space<vmem_shared>> -> memref<10000xf32, #tpu.memory_space<vmem_shared>>
        tpu.wait_indirect_dma semaphore(%arg12 : memref<!tpu.dma_semaphore, #tpu.memory_space<semaphore_mem>>) src(%arg7 : memref<80xf32, #tpu.memory_space<vmem>>) dst(%dma_wait3A_85 : memref<10000xf32, #tpu.memory_space<vmem_shared>>)
        %mul3A_86 = arith.constant 2 : i32
        %mul3A_87 = arith.muli %mul3A_86, %add3A_63 : i32
        %add3A_88 = arith.constant 2 : i32
        %add3A_89 = arith.addi %mul3A_87, %add3A_88 : i32
        %mul3A_90 = arith.constant 80 : i32
        %mul3A_91 = arith.muli %add3A_89, %mul3A_90 : i32
        %add3A_92 = arith.addi %mul3A_15, %mul3A_91 : i32
        %dma_start3A_93 = tpu.memref_slice %arg2[%add3A_92] : memref<160256xi32, #tpu.memory_space<hbm>> -> memref<80xi32, #tpu.memory_space<hbm>>
        %dma_start3A_94 = tpu.memref_slice %arg2[%add3A_92] : memref<160256xi32, #tpu.memory_space<hbm>> -> memref<80xi32, #tpu.memory_space<hbm>>
        tpu.enqueue_dma source(%dma_start3A_94 : memref<80xi32, #tpu.memory_space<hbm>>) target(%arg5 : memref<80xi32, #tpu.memory_space<vmem>>) target_semaphore(%arg10 : memref<!tpu.dma_semaphore, #tpu.memory_space<semaphore_mem>>)
        %dma_wait3A_95 = arith.constant 0 : i32
        %dma_wait3A_96 = tpu.memref_slice %arg9[%dma_wait3A_95] : memref<10000xf32, #tpu.memory_space<vmem_shared>> -> memref<10000xf32, #tpu.memory_space<vmem_shared>>
        tpu.wait_indirect_dma semaphore(%arg13 : memref<!tpu.dma_semaphore, #tpu.memory_space<semaphore_mem>>) src(%arg7 : memref<80xf32, #tpu.memory_space<vmem>>) dst(%dma_wait3A_96 : memref<10000xf32, #tpu.memory_space<vmem_shared>>)
        %mul3A_97 = arith.constant 2 : i32
        %mul3A_98 = arith.muli %mul3A_97, %add3A_63 : i32
        %add3A_99 = arith.constant 3 : i32
        %add3A_100 = arith.addi %mul3A_98, %add3A_99 : i32
        %mul3A_101 = arith.constant 80 : i32
        %mul3A_102 = arith.muli %add3A_100, %mul3A_101 : i32
        %add3A_103 = arith.addi %mul3A_15, %mul3A_102 : i32
        %dma_start3A_104 = tpu.memref_slice %arg2[%add3A_103] : memref<160256xi32, #tpu.memory_space<hbm>> -> memref<80xi32, #tpu.memory_space<hbm>>
        %dma_start3A_105 = tpu.memref_slice %arg2[%add3A_103] : memref<160256xi32, #tpu.memory_space<hbm>> -> memref<80xi32, #tpu.memory_space<hbm>>
        tpu.enqueue_dma source(%dma_start3A_105 : memref<80xi32, #tpu.memory_space<hbm>>) target(%arg6 : memref<80xi32, #tpu.memory_space<vmem>>) target_semaphore(%arg11 : memref<!tpu.dma_semaphore, #tpu.memory_space<semaphore_mem>>)
      }
      %scan3A_47 = arith.constant 62 : i32
      %add3A_48 = arith.constant 9920 : i32
      %add3A_49 = arith.addi %mul3A_15, %add3A_48 : i32
      %dma_wait3A = tpu.memref_slice %arg2[%add3A_49] : memref<160256xi32, #tpu.memory_space<hbm>> -> memref<80xi32, #tpu.memory_space<hbm>>
      %dma_wait3A_50 = tpu.memref_slice %arg2[%add3A_49] : memref<160256xi32, #tpu.memory_space<hbm>> -> memref<80xi32, #tpu.memory_space<hbm>>
      tpu.wait_dma2 semaphore(%arg10 : memref<!tpu.dma_semaphore, #tpu.memory_space<semaphore_mem>>) src(%dma_wait3A_50 : memref<80xi32, #tpu.memory_space<hbm>>) dst(%arg5 : memref<80xi32, #tpu.memory_space<vmem>>)
      %dma_start3A_51 = arith.constant 0 : i32
      %dma_start3A_52 = tpu.memref_slice %arg9[%dma_start3A_51] : memref<10000xf32, #tpu.memory_space<vmem_shared>> -> memref<10000xf32, #tpu.memory_space<vmem_shared>>
      tpu.enqueue_indirect_dma source(%arg7 : memref<80xf32, #tpu.memory_space<vmem>>) target(%dma_start3A_52 : memref<10000xf32, #tpu.memory_space<vmem_shared>>) offsets(%arg5 : memref<80xi32, #tpu.memory_space<vmem>>) semaphore(%arg12 : memref<!tpu.dma_semaphore, #tpu.memory_space<semaphore_mem>>) {add = true}
      %add3A_53 = arith.constant 10000 : i32
      %add3A_54 = arith.addi %mul3A_15, %add3A_53 : i32
      %dma_wait3A_55 = tpu.memref_slice %arg2[%add3A_54] : memref<160256xi32, #tpu.memory_space<hbm>> -> memref<80xi32, #tpu.memory_space<hbm>>
      %dma_wait3A_56 = tpu.memref_slice %arg2[%add3A_54] : memref<160256xi32, #tpu.memory_space<hbm>> -> memref<80xi32, #tpu.memory_space<hbm>>
      tpu.wait_dma2 semaphore(%arg11 : memref<!tpu.dma_semaphore, #tpu.memory_space<semaphore_mem>>) src(%dma_wait3A_56 : memref<80xi32, #tpu.memory_space<hbm>>) dst(%arg6 : memref<80xi32, #tpu.memory_space<vmem>>)
      %dma_wait3A_57 = arith.constant 0 : i32
      %dma_wait3A_58 = tpu.memref_slice %arg9[%dma_wait3A_57] : memref<10000xf32, #tpu.memory_space<vmem_shared>> -> memref<10000xf32, #tpu.memory_space<vmem_shared>>
      tpu.wait_indirect_dma semaphore(%arg12 : memref<!tpu.dma_semaphore, #tpu.memory_space<semaphore_mem>>) src(%arg7 : memref<80xf32, #tpu.memory_space<vmem>>) dst(%dma_wait3A_58 : memref<10000xf32, #tpu.memory_space<vmem_shared>>)
    } else {
    }
    %eq3A_21 = arith.constant 1 : i32
    %eq3A_22 = arith.cmpi eq, %arg0, %eq3A_21 : i32
    %convert_element_type3A_23 = arith.extui %eq3A_22 : i1 to i32
    %cond3A_24 = arith.constant 0 : i32
    %cond3A_25 = arith.cmpi ne, %convert_element_type3A_23, %cond3A_24 : i32
    scf.if %cond3A_25 {
      %add3A = arith.constant 0 : i32
      %add3A_37 = arith.addi %mul3A_15, %add3A : i32
      %dma_start3A = tpu.memref_slice %arg3[%add3A_37] : memref<160256xi32, #tpu.memory_space<hbm>> -> memref<80xi32, #tpu.memory_space<hbm>>
      %dma_start3A_38 = tpu.memref_slice %arg3[%add3A_37] : memref<160256xi32, #tpu.memory_space<hbm>> -> memref<80xi32, #tpu.memory_space<hbm>>
      tpu.enqueue_dma source(%dma_start3A_38 : memref<80xi32, #tpu.memory_space<hbm>>) target(%arg5 : memref<80xi32, #tpu.memory_space<vmem>>) target_semaphore(%arg10 : memref<!tpu.dma_semaphore, #tpu.memory_space<semaphore_mem>>)
      %add3A_39 = arith.constant 80 : i32
      %add3A_40 = arith.addi %mul3A_15, %add3A_39 : i32
      %dma_start3A_41 = tpu.memref_slice %arg3[%add3A_40] : memref<160256xi32, #tpu.memory_space<hbm>> -> memref<80xi32, #tpu.memory_space<hbm>>
      %dma_start3A_42 = tpu.memref_slice %arg3[%add3A_40] : memref<160256xi32, #tpu.memory_space<hbm>> -> memref<80xi32, #tpu.memory_space<hbm>>
      tpu.enqueue_dma source(%dma_start3A_42 : memref<80xi32, #tpu.memory_space<hbm>>) target(%arg6 : memref<80xi32, #tpu.memory_space<vmem>>) target_semaphore(%arg11 : memref<!tpu.dma_semaphore, #tpu.memory_space<semaphore_mem>>)
      %scan3A_43 = arith.constant 0 : i32
      %scan3A_44 = arith.constant 62 : i32
      %scan3A_45 = arith.addi %scan3A_43, %scan3A_44 : i32
      %scan3A_46 = arith.constant 1 : i32
      scf.for %scan3A_59 = %scan3A_43 to %scan3A_45 step %scan3A_46  : i32 {
        %mul3A_60 = arith.constant 1 : i32
        %mul3A_61 = arith.muli %scan3A_59, %mul3A_60 : i32
        %add3A_62 = arith.constant 0 : i32
        %add3A_63 = arith.addi %add3A_62, %mul3A_61 : i32
        %mul3A_64 = arith.constant 2 : i32
        %mul3A_65 = arith.muli %mul3A_64, %add3A_63 : i32
        %mul3A_66 = arith.constant 80 : i32
        %mul3A_67 = arith.muli %mul3A_65, %mul3A_66 : i32
        %add3A_68 = arith.addi %mul3A_15, %mul3A_67 : i32
        %dma_wait3A_69 = tpu.memref_slice %arg3[%add3A_68] : memref<160256xi32, #tpu.memory_space<hbm>> -> memref<80xi32, #tpu.memory_space<hbm>>
        %dma_wait3A_70 = tpu.memref_slice %arg3[%add3A_68] : memref<160256xi32, #tpu.memory_space<hbm>> -> memref<80xi32, #tpu.memory_space<hbm>>
        tpu.wait_dma2 semaphore(%arg10 : memref<!tpu.dma_semaphore, #tpu.memory_space<semaphore_mem>>) src(%dma_wait3A_70 : memref<80xi32, #tpu.memory_space<hbm>>) dst(%arg5 : memref<80xi32, #tpu.memory_space<vmem>>)
        %dma_start3A_71 = arith.constant 0 : i32
        %dma_start3A_72 = tpu.memref_slice %arg9[%dma_start3A_71] : memref<10000xf32, #tpu.memory_space<vmem_shared>> -> memref<10000xf32, #tpu.memory_space<vmem_shared>>
        tpu.enqueue_indirect_dma source(%arg7 : memref<80xf32, #tpu.memory_space<vmem>>) target(%dma_start3A_72 : memref<10000xf32, #tpu.memory_space<vmem_shared>>) offsets(%arg5 : memref<80xi32, #tpu.memory_space<vmem>>) semaphore(%arg12 : memref<!tpu.dma_semaphore, #tpu.memory_space<semaphore_mem>>) {add = true}
        %mul3A_73 = arith.constant 2 : i32
        %mul3A_74 = arith.muli %mul3A_73, %add3A_63 : i32
        %add3A_75 = arith.constant 1 : i32
        %add3A_76 = arith.addi %mul3A_74, %add3A_75 : i32
        %mul3A_77 = arith.constant 80 : i32
        %mul3A_78 = arith.muli %add3A_76, %mul3A_77 : i32
        %add3A_79 = arith.addi %mul3A_15, %mul3A_78 : i32
        %dma_wait3A_80 = tpu.memref_slice %arg3[%add3A_79] : memref<160256xi32, #tpu.memory_space<hbm>> -> memref<80xi32, #tpu.memory_space<hbm>>
        %dma_wait3A_81 = tpu.memref_slice %arg3[%add3A_79] : memref<160256xi32, #tpu.memory_space<hbm>> -> memref<80xi32, #tpu.memory_space<hbm>>
        tpu.wait_dma2 semaphore(%arg11 : memref<!tpu.dma_semaphore, #tpu.memory_space<semaphore_mem>>) src(%dma_wait3A_81 : memref<80xi32, #tpu.memory_space<hbm>>) dst(%arg6 : memref<80xi32, #tpu.memory_space<vmem>>)
        %dma_start3A_82 = arith.constant 0 : i32
        %dma_start3A_83 = tpu.memref_slice %arg9[%dma_start3A_82] : memref<10000xf32, #tpu.memory_space<vmem_shared>> -> memref<10000xf32, #tpu.memory_space<vmem_shared>>
        tpu.enqueue_indirect_dma source(%arg7 : memref<80xf32, #tpu.memory_space<vmem>>) target(%dma_start3A_83 : memref<10000xf32, #tpu.memory_space<vmem_shared>>) offsets(%arg6 : memref<80xi32, #tpu.memory_space<vmem>>) semaphore(%arg13 : memref<!tpu.dma_semaphore, #tpu.memory_space<semaphore_mem>>) {add = true}
        %dma_wait3A_84 = arith.constant 0 : i32
        %dma_wait3A_85 = tpu.memref_slice %arg9[%dma_wait3A_84] : memref<10000xf32, #tpu.memory_space<vmem_shared>> -> memref<10000xf32, #tpu.memory_space<vmem_shared>>
        tpu.wait_indirect_dma semaphore(%arg12 : memref<!tpu.dma_semaphore, #tpu.memory_space<semaphore_mem>>) src(%arg7 : memref<80xf32, #tpu.memory_space<vmem>>) dst(%dma_wait3A_85 : memref<10000xf32, #tpu.memory_space<vmem_shared>>)
        %mul3A_86 = arith.constant 2 : i32
        %mul3A_87 = arith.muli %mul3A_86, %add3A_63 : i32
        %add3A_88 = arith.constant 2 : i32
        %add3A_89 = arith.addi %mul3A_87, %add3A_88 : i32
        %mul3A_90 = arith.constant 80 : i32
        %mul3A_91 = arith.muli %add3A_89, %mul3A_90 : i32
        %add3A_92 = arith.addi %mul3A_15, %mul3A_91 : i32
        %dma_start3A_93 = tpu.memref_slice %arg3[%add3A_92] : memref<160256xi32, #tpu.memory_space<hbm>> -> memref<80xi32, #tpu.memory_space<hbm>>
        %dma_start3A_94 = tpu.memref_slice %arg3[%add3A_92] : memref<160256xi32, #tpu.memory_space<hbm>> -> memref<80xi32, #tpu.memory_space<hbm>>
        tpu.enqueue_dma source(%dma_start3A_94 : memref<80xi32, #tpu.memory_space<hbm>>) target(%arg5 : memref<80xi32, #tpu.memory_space<vmem>>) target_semaphore(%arg10 : memref<!tpu.dma_semaphore, #tpu.memory_space<semaphore_mem>>)
        %dma_wait3A_95 = arith.constant 0 : i32
        %dma_wait3A_96 = tpu.memref_slice %arg9[%dma_wait3A_95] : memref<10000xf32, #tpu.memory_space<vmem_shared>> -> memref<10000xf32, #tpu.memory_space<vmem_shared>>
        tpu.wait_indirect_dma semaphore(%arg13 : memref<!tpu.dma_semaphore, #tpu.memory_space<semaphore_mem>>) src(%arg7 : memref<80xf32, #tpu.memory_space<vmem>>) dst(%dma_wait3A_96 : memref<10000xf32, #tpu.memory_space<vmem_shared>>)
        %mul3A_97 = arith.constant 2 : i32
        %mul3A_98 = arith.muli %mul3A_97, %add3A_63 : i32
        %add3A_99 = arith.constant 3 : i32
        %add3A_100 = arith.addi %mul3A_98, %add3A_99 : i32
        %mul3A_101 = arith.constant 80 : i32
        %mul3A_102 = arith.muli %add3A_100, %mul3A_101 : i32
        %add3A_103 = arith.addi %mul3A_15, %mul3A_102 : i32
        %dma_start3A_104 = tpu.memref_slice %arg3[%add3A_103] : memref<160256xi32, #tpu.memory_space<hbm>> -> memref<80xi32, #tpu.memory_space<hbm>>
        %dma_start3A_105 = tpu.memref_slice %arg3[%add3A_103] : memref<160256xi32, #tpu.memory_space<hbm>> -> memref<80xi32, #tpu.memory_space<hbm>>
        tpu.enqueue_dma source(%dma_start3A_105 : memref<80xi32, #tpu.memory_space<hbm>>) target(%arg6 : memref<80xi32, #tpu.memory_space<vmem>>) target_semaphore(%arg11 : memref<!tpu.dma_semaphore, #tpu.memory_space<semaphore_mem>>)
      }
      %scan3A_47 = arith.constant 62 : i32
      %add3A_48 = arith.constant 9920 : i32
      %add3A_49 = arith.addi %mul3A_15, %add3A_48 : i32
      %dma_wait3A = tpu.memref_slice %arg3[%add3A_49] : memref<160256xi32, #tpu.memory_space<hbm>> -> memref<80xi32, #tpu.memory_space<hbm>>
      %dma_wait3A_50 = tpu.memref_slice %arg3[%add3A_49] : memref<160256xi32, #tpu.memory_space<hbm>> -> memref<80xi32, #tpu.memory_space<hbm>>
      tpu.wait_dma2 semaphore(%arg10 : memref<!tpu.dma_semaphore, #tpu.memory_space<semaphore_mem>>) src(%dma_wait3A_50 : memref<80xi32, #tpu.memory_space<hbm>>) dst(%arg5 : memref<80xi32, #tpu.memory_space<vmem>>)
      %dma_start3A_51 = arith.constant 0 : i32
      %dma_start3A_52 = tpu.memref_slice %arg9[%dma_start3A_51] : memref<10000xf32, #tpu.memory_space<vmem_shared>> -> memref<10000xf32, #tpu.memory_space<vmem_shared>>
      tpu.enqueue_indirect_dma source(%arg7 : memref<80xf32, #tpu.memory_space<vmem>>) target(%dma_start3A_52 : memref<10000xf32, #tpu.memory_space<vmem_shared>>) offsets(%arg5 : memref<80xi32, #tpu.memory_space<vmem>>) semaphore(%arg12 : memref<!tpu.dma_semaphore, #tpu.memory_space<semaphore_mem>>) {add = true}
      %add3A_53 = arith.constant 10000 : i32
      %add3A_54 = arith.addi %mul3A_15, %add3A_53 : i32
      %dma_wait3A_55 = tpu.memref_slice %arg3[%add3A_54] : memref<160256xi32, #tpu.memory_space<hbm>> -> memref<80xi32, #tpu.memory_space<hbm>>
      %dma_wait3A_56 = tpu.memref_slice %arg3[%add3A_54] : memref<160256xi32, #tpu.memory_space<hbm>> -> memref<80xi32, #tpu.memory_space<hbm>>
      tpu.wait_dma2 semaphore(%arg11 : memref<!tpu.dma_semaphore, #tpu.memory_space<semaphore_mem>>) src(%dma_wait3A_56 : memref<80xi32, #tpu.memory_space<hbm>>) dst(%arg6 : memref<80xi32, #tpu.memory_space<vmem>>)
      %dma_wait3A_57 = arith.constant 0 : i32
      %dma_wait3A_58 = tpu.memref_slice %arg9[%dma_wait3A_57] : memref<10000xf32, #tpu.memory_space<vmem_shared>> -> memref<10000xf32, #tpu.memory_space<vmem_shared>>
      tpu.wait_indirect_dma semaphore(%arg12 : memref<!tpu.dma_semaphore, #tpu.memory_space<semaphore_mem>>) src(%arg7 : memref<80xf32, #tpu.memory_space<vmem>>) dst(%dma_wait3A_58 : memref<10000xf32, #tpu.memory_space<vmem_shared>>)
    } else {
    }
    %barrier3A_26 = arith.constant 0 : index
    tpu.barrier barrier_id(%barrier3A_26)
    %lt3A_27 = arith.constant 15 : i32
    %lt3A_28 = arith.cmpi slt, %arg1, %lt3A_27 : i32
    %convert_element_type3A_29 = arith.extui %lt3A_28 : i1 to i32
    %cond3A_30 = arith.constant 0 : i32
    %cond3A_31 = arith.cmpi ne, %convert_element_type3A_29, %cond3A_30 : i32
    scf.if %cond3A_31 {
      %mul3A_37 = arith.constant 640 : i32
      %mul3A_38 = arith.muli %arg1, %mul3A_37 : i32
      "tpu.region"() ({
        %run_scoped3A = tpu.sem_alloc : memref<!tpu.dma_semaphore, #tpu.memory_space<semaphore_mem>>
        %dma_start3A = tpu.memref_slice %arg9[%mul3A_38] : memref<10000xf32, #tpu.memory_space<vmem_shared>> -> memref<640xf32, #tpu.memory_space<vmem_shared>>
        %dma_start3A_43 = tpu.memref_slice %arg9[%mul3A_38] : memref<10000xf32, #tpu.memory_space<vmem_shared>> -> memref<640xf32, #tpu.memory_space<vmem_shared>>
        tpu.enqueue_dma source(%dma_start3A_43 : memref<640xf32, #tpu.memory_space<vmem_shared>>) target(%arg8 : memref<640xf32, #tpu.memory_space<vmem>>) target_semaphore(%run_scoped3A : memref<!tpu.dma_semaphore, #tpu.memory_space<semaphore_mem>>)
        %dma_wait3A = tpu.memref_slice %arg9[%mul3A_38] : memref<10000xf32, #tpu.memory_space<vmem_shared>> -> memref<640xf32, #tpu.memory_space<vmem_shared>>
        %dma_wait3A_44 = tpu.memref_slice %arg9[%mul3A_38] : memref<10000xf32, #tpu.memory_space<vmem_shared>> -> memref<640xf32, #tpu.memory_space<vmem_shared>>
        tpu.wait_dma2 semaphore(%run_scoped3A : memref<!tpu.dma_semaphore, #tpu.memory_space<semaphore_mem>>) src(%dma_wait3A_44 : memref<640xf32, #tpu.memory_space<vmem_shared>>) dst(%arg8 : memref<640xf32, #tpu.memory_space<vmem>>)
        tpu.yield
      }) : () -> ()
      %mul3A_39 = arith.constant 10000 : i32
      %mul3A_40 = arith.muli %arg0, %mul3A_39 : i32
      %mul3A_41 = arith.constant 640 : i32
      %mul3A_42 = arith.muli %arg1, %mul3A_41 : i32
      %add3A = arith.addi %mul3A_40, %mul3A_42 : i32
      "tpu.region"() ({
        %run_scoped3A = tpu.sem_alloc : memref<!tpu.dma_semaphore, #tpu.memory_space<semaphore_mem>>
        %dma_start3A = tpu.memref_slice %arg4[%add3A] : memref<20000xf32, #tpu.memory_space<hbm>> -> memref<640xf32, #tpu.memory_space<hbm>>
        %dma_start3A_43 = tpu.memref_slice %arg4[%add3A] : memref<20000xf32, #tpu.memory_space<hbm>> -> memref<640xf32, #tpu.memory_space<hbm>>
        tpu.enqueue_dma source(%arg8 : memref<640xf32, #tpu.memory_space<vmem>>) target(%dma_start3A_43 : memref<640xf32, #tpu.memory_space<hbm>>) target_semaphore(%run_scoped3A : memref<!tpu.dma_semaphore, #tpu.memory_space<semaphore_mem>>)
        %dma_wait3A = tpu.memref_slice %arg4[%add3A] : memref<20000xf32, #tpu.memory_space<hbm>> -> memref<640xf32, #tpu.memory_space<hbm>>
        %dma_wait3A_44 = tpu.memref_slice %arg4[%add3A] : memref<20000xf32, #tpu.memory_space<hbm>> -> memref<640xf32, #tpu.memory_space<hbm>>
        tpu.wait_dma2 semaphore(%run_scoped3A : memref<!tpu.dma_semaphore, #tpu.memory_space<semaphore_mem>>) src(%arg8 : memref<640xf32, #tpu.memory_space<vmem>>) dst(%dma_wait3A_44 : memref<640xf32, #tpu.memory_space<hbm>>)
        tpu.yield
      }) : () -> ()
    } else {
    }
    %eq3A_32 = arith.constant 15 : i32
    %eq3A_33 = arith.cmpi eq, %arg1, %eq3A_32 : i32
    %convert_element_type3A_34 = arith.extui %eq3A_33 : i1 to i32
    %cond3A_35 = arith.constant 0 : i32
    %cond3A_36 = arith.cmpi ne, %convert_element_type3A_34, %cond3A_35 : i32
    scf.if %cond3A_36 {
      "tpu.region"() ({
        %run_scoped3A = tpu.sem_alloc : memref<!tpu.dma_semaphore, #tpu.memory_space<semaphore_mem>>
        %dma_start3A = arith.constant 0 : i32
        %dma_start3A_40 = tpu.memref_slice %arg8[%dma_start3A] : memref<640xf32, #tpu.memory_space<vmem>> -> memref<400xf32, #tpu.memory_space<vmem>>
        %dma_start3A_41 = arith.constant 9600 : i32
        %dma_start3A_42 = tpu.memref_slice %arg9[%dma_start3A_41] : memref<10000xf32, #tpu.memory_space<vmem_shared>> -> memref<400xf32, #tpu.memory_space<vmem_shared>>
        %dma_start3A_43 = arith.constant 0 : i32
        %dma_start3A_44 = tpu.memref_slice %arg8[%dma_start3A_43] : memref<640xf32, #tpu.memory_space<vmem>> -> memref<400xf32, #tpu.memory_space<vmem>>
        %dma_start3A_45 = arith.constant 9600 : i32
        %dma_start3A_46 = tpu.memref_slice %arg9[%dma_start3A_45] : memref<10000xf32, #tpu.memory_space<vmem_shared>> -> memref<400xf32, #tpu.memory_space<vmem_shared>>
        tpu.enqueue_dma source(%dma_start3A_46 : memref<400xf32, #tpu.memory_space<vmem_shared>>) target(%dma_start3A_44 : memref<400xf32, #tpu.memory_space<vmem>>) target_semaphore(%run_scoped3A : memref<!tpu.dma_semaphore, #tpu.memory_space<semaphore_mem>>)
        %dma_wait3A = arith.constant 0 : i32
        %dma_wait3A_47 = tpu.memref_slice %arg8[%dma_wait3A] : memref<640xf32, #tpu.memory_space<vmem>> -> memref<400xf32, #tpu.memory_space<vmem>>
        %dma_wait3A_48 = arith.constant 9600 : i32
        %dma_wait3A_49 = tpu.memref_slice %arg9[%dma_wait3A_48] : memref<10000xf32, #tpu.memory_space<vmem_shared>> -> memref<400xf32, #tpu.memory_space<vmem_shared>>
        %dma_wait3A_50 = arith.constant 0 : i32
        %dma_wait3A_51 = tpu.memref_slice %arg8[%dma_wait3A_50] : memref<640xf32, #tpu.memory_space<vmem>> -> memref<400xf32, #tpu.memory_space<vmem>>
        %dma_wait3A_52 = arith.constant 9600 : i32
        %dma_wait3A_53 = tpu.memref_slice %arg9[%dma_wait3A_52] : memref<10000xf32, #tpu.memory_space<vmem_shared>> -> memref<400xf32, #tpu.memory_space<vmem_shared>>
        tpu.wait_dma2 semaphore(%run_scoped3A : memref<!tpu.dma_semaphore, #tpu.memory_space<semaphore_mem>>) src(%dma_wait3A_53 : memref<400xf32, #tpu.memory_space<vmem_shared>>) dst(%dma_wait3A_51 : memref<400xf32, #tpu.memory_space<vmem>>)
        tpu.yield
      }) : () -> ()
      %mul3A_37 = arith.constant 10000 : i32
      %mul3A_38 = arith.muli %arg0, %mul3A_37 : i32
      %add3A = arith.constant 9600 : i32
      %add3A_39 = arith.addi %mul3A_38, %add3A : i32
      "tpu.region"() ({
        %run_scoped3A = tpu.sem_alloc : memref<!tpu.dma_semaphore, #tpu.memory_space<semaphore_mem>>
        %dma_start3A = arith.constant 0 : i32
        %dma_start3A_40 = tpu.memref_slice %arg8[%dma_start3A] : memref<640xf32, #tpu.memory_space<vmem>> -> memref<400xf32, #tpu.memory_space<vmem>>
        %dma_start3A_41 = tpu.memref_slice %arg4[%add3A_39] : memref<20000xf32, #tpu.memory_space<hbm>> -> memref<400xf32, #tpu.memory_space<hbm>>
        %dma_start3A_42 = tpu.memref_slice %arg4[%add3A_39] : memref<20000xf32, #tpu.memory_space<hbm>> -> memref<400xf32, #tpu.memory_space<hbm>>
        %dma_start3A_43 = arith.constant 0 : i32
        %dma_start3A_44 = tpu.memref_slice %arg8[%dma_start3A_43] : memref<640xf32, #tpu.memory_space<vmem>> -> memref<400xf32, #tpu.memory_space<vmem>>
        tpu.enqueue_dma source(%dma_start3A_44 : memref<400xf32, #tpu.memory_space<vmem>>) target(%dma_start3A_42 : memref<400xf32, #tpu.memory_space<hbm>>) target_semaphore(%run_scoped3A : memref<!tpu.dma_semaphore, #tpu.memory_space<semaphore_mem>>)
        %dma_wait3A = arith.constant 0 : i32
        %dma_wait3A_45 = tpu.memref_slice %arg8[%dma_wait3A] : memref<640xf32, #tpu.memory_space<vmem>> -> memref<400xf32, #tpu.memory_space<vmem>>
        %dma_wait3A_46 = tpu.memref_slice %arg4[%add3A_39] : memref<20000xf32, #tpu.memory_space<hbm>> -> memref<400xf32, #tpu.memory_space<hbm>>
        %dma_wait3A_47 = tpu.memref_slice %arg4[%add3A_39] : memref<20000xf32, #tpu.memory_space<hbm>> -> memref<400xf32, #tpu.memory_space<hbm>>
        %dma_wait3A_48 = arith.constant 0 : i32
        %dma_wait3A_49 = tpu.memref_slice %arg8[%dma_wait3A_48] : memref<640xf32, #tpu.memory_space<vmem>> -> memref<400xf32, #tpu.memory_space<vmem>>
        tpu.wait_dma2 semaphore(%run_scoped3A : memref<!tpu.dma_semaphore, #tpu.memory_space<semaphore_mem>>) src(%dma_wait3A_49 : memref<400xf32, #tpu.memory_space<vmem>>) dst(%dma_wait3A_47 : memref<400xf32, #tpu.memory_space<hbm>>)
        tpu.yield
      }) : () -> ()
    } else {
    }
    return
  }
}

#map = affine_map<(d0, d1) -> (0, 0)>
#map1 = affine_map<(d0, d1) -> (0)>
module attributes {stable_mosaic.version = 14 : i64} {
  func.func @agg(%arg0: i32, %arg1: i32, %arg2: memref<11000x128xf32, #tpu.memory_space<hbm>>, %arg3: memref<164096xi32, #tpu.memory_space<hbm>>, %arg4: memref<164096xi32, #tpu.memory_space<hbm>>, %arg5: memref<640x128xf32, #tpu.memory_space<hbm>>, %arg6: memref<20000x128xf32, #tpu.memory_space<hbm>>, %arg7: memref<128xi32, #tpu.memory_space<vmem>>, %arg8: memref<128xi32, #tpu.memory_space<vmem>>, %arg9: memref<128xi32, #tpu.memory_space<vmem>>, %arg10: memref<128xi32, #tpu.memory_space<vmem>>, %arg11: memref<128x128xf32, #tpu.memory_space<vmem>>, %arg12: memref<128x128xf32, #tpu.memory_space<vmem>>, %arg13: memref<10000x128xf32, #tpu.memory_space<vmem_shared>>, %arg14: memref<!tpu.dma_semaphore, #tpu.memory_space<semaphore_mem>>, %arg15: memref<!tpu.dma_semaphore, #tpu.memory_space<semaphore_mem>>, %arg16: memref<!tpu.dma_semaphore, #tpu.memory_space<semaphore_mem>>, %arg17: memref<!tpu.dma_semaphore, #tpu.memory_space<semaphore_mem>>, %arg18: memref<!tpu.dma_semaphore, #tpu.memory_space<semaphore_mem>>, %arg19: memref<!tpu.dma_semaphore, #tpu.memory_space<semaphore_mem>>) attributes {dimension_semantics = [#tpu.dimension_semantics<core_parallel>, #tpu.dimension_semantics<subcore_parallel>], iteration_bounds = array<i64: 2, 16>, scalar_prefetch = 0 : i64, scratch_operands = 13 : i64, tpu.core_type = #tpu.core_type<sc_vector_subcore>, window_params = [{transform_indices = #map}, {transform_indices = #map1}, {transform_indices = #map1}, {transform_indices = #map}, {transform_indices = #map}]} {
    %lt3A = arith.constant 15 : i32
    %lt3A_0 = arith.cmpi slt, %arg1, %lt3A : i32
    %convert_element_type3A = arith.extui %lt3A_0 : i1 to i32
    %cond3A = arith.constant 0 : i32
    %cond3A_1 = arith.cmpi ne, %convert_element_type3A, %cond3A : i32
    scf.if %cond3A_1 {
      %mul3A_60 = arith.constant 640 : i32
      %mul3A_61 = arith.muli %arg1, %mul3A_60 : i32
      "tpu.region"() ({
        %run_scoped3A = tpu.sem_alloc : memref<!tpu.dma_semaphore, #tpu.memory_space<semaphore_mem>>
        %dma_start3A_62 = arith.constant 0 : i32
        %dma_start3A_63 = tpu.memref_slice %arg13[%mul3A_61, %dma_start3A_62] : memref<10000x128xf32, #tpu.memory_space<vmem_shared>> -> memref<640x128xf32, #tpu.memory_space<vmem_shared>>
        tpu.enqueue_dma source(%arg5 : memref<640x128xf32, #tpu.memory_space<hbm>>) target(%dma_start3A_63 : memref<640x128xf32, #tpu.memory_space<vmem_shared>>) target_semaphore(%run_scoped3A : memref<!tpu.dma_semaphore, #tpu.memory_space<semaphore_mem>>)
        %dma_wait3A_64 = arith.constant 0 : i32
        %dma_wait3A_65 = tpu.memref_slice %arg13[%mul3A_61, %dma_wait3A_64] : memref<10000x128xf32, #tpu.memory_space<vmem_shared>> -> memref<640x128xf32, #tpu.memory_space<vmem_shared>>
        tpu.wait_dma2 semaphore(%run_scoped3A : memref<!tpu.dma_semaphore, #tpu.memory_space<semaphore_mem>>) src(%arg5 : memref<640x128xf32, #tpu.memory_space<hbm>>) dst(%dma_wait3A_65 : memref<640x128xf32, #tpu.memory_space<vmem_shared>>)
        tpu.yield
      }) : () -> ()
    } else {
    }
    %eq3A = arith.constant 15 : i32
    %eq3A_2 = arith.cmpi eq, %arg1, %eq3A : i32
    %convert_element_type3A_3 = arith.extui %eq3A_2 : i1 to i32
    %cond3A_4 = arith.constant 0 : i32
    %cond3A_5 = arith.cmpi ne, %convert_element_type3A_3, %cond3A_4 : i32
    scf.if %cond3A_5 {
      "tpu.region"() ({
        %run_scoped3A = tpu.sem_alloc : memref<!tpu.dma_semaphore, #tpu.memory_space<semaphore_mem>>
        %dma_start3A_60 = arith.constant 9600 : i32
        %dma_start3A_61 = arith.constant 0 : i32
        %dma_start3A_62 = tpu.memref_slice %arg13[%dma_start3A_60, %dma_start3A_61] : memref<10000x128xf32, #tpu.memory_space<vmem_shared>> -> memref<400x128xf32, #tpu.memory_space<vmem_shared>>
        %dma_start3A_63 = arith.constant 0 : i32
        %dma_start3A_64 = arith.constant 0 : i32
        %dma_start3A_65 = tpu.memref_slice %arg5[%dma_start3A_63, %dma_start3A_64] : memref<640x128xf32, #tpu.memory_space<hbm>> -> memref<400x128xf32, #tpu.memory_space<hbm>>
        tpu.enqueue_dma source(%dma_start3A_65 : memref<400x128xf32, #tpu.memory_space<hbm>>) target(%dma_start3A_62 : memref<400x128xf32, #tpu.memory_space<vmem_shared>>) target_semaphore(%run_scoped3A : memref<!tpu.dma_semaphore, #tpu.memory_space<semaphore_mem>>)
        %dma_wait3A_66 = arith.constant 9600 : i32
        %dma_wait3A_67 = arith.constant 0 : i32
        %dma_wait3A_68 = tpu.memref_slice %arg13[%dma_wait3A_66, %dma_wait3A_67] : memref<10000x128xf32, #tpu.memory_space<vmem_shared>> -> memref<400x128xf32, #tpu.memory_space<vmem_shared>>
        %dma_wait3A_69 = arith.constant 0 : i32
        %dma_wait3A_70 = arith.constant 0 : i32
        %dma_wait3A_71 = tpu.memref_slice %arg5[%dma_wait3A_69, %dma_wait3A_70] : memref<640x128xf32, #tpu.memory_space<hbm>> -> memref<400x128xf32, #tpu.memory_space<hbm>>
        tpu.wait_dma2 semaphore(%run_scoped3A : memref<!tpu.dma_semaphore, #tpu.memory_space<semaphore_mem>>) src(%dma_wait3A_71 : memref<400x128xf32, #tpu.memory_space<hbm>>) dst(%dma_wait3A_68 : memref<400x128xf32, #tpu.memory_space<vmem_shared>>)
        tpu.yield
      }) : () -> ()
    } else {
    }
    %barrier3A = arith.constant 0 : index
    tpu.barrier barrier_id(%barrier3A)
    %mul3A = arith.constant 16 : i32
    %mul3A_6 = arith.muli %arg0, %mul3A : i32
    %add3A = arith.addi %mul3A_6, %arg1 : i32
    %mul3A_7 = arith.constant 5120 : i32
    %mul3A_8 = arith.muli %add3A, %mul3A_7 : i32
    %add3A_9 = arith.constant 0 : i32
    %add3A_10 = arith.addi %mul3A_8, %add3A_9 : i32
    %dma_start3A = tpu.memref_slice %arg3[%add3A_10] : memref<164096xi32, #tpu.memory_space<hbm>> -> memref<128xi32, #tpu.memory_space<hbm>>
    %dma_start3A_11 = tpu.memref_slice %arg3[%add3A_10] : memref<164096xi32, #tpu.memory_space<hbm>> -> memref<128xi32, #tpu.memory_space<hbm>>
    tpu.enqueue_dma source(%dma_start3A_11 : memref<128xi32, #tpu.memory_space<hbm>>) target(%arg7 : memref<128xi32, #tpu.memory_space<vmem>>) target_semaphore(%arg14 : memref<!tpu.dma_semaphore, #tpu.memory_space<semaphore_mem>>)
    %add3A_12 = arith.constant 0 : i32
    %add3A_13 = arith.addi %mul3A_8, %add3A_12 : i32
    %dma_start3A_14 = tpu.memref_slice %arg4[%add3A_13] : memref<164096xi32, #tpu.memory_space<hbm>> -> memref<128xi32, #tpu.memory_space<hbm>>
    %dma_start3A_15 = tpu.memref_slice %arg4[%add3A_13] : memref<164096xi32, #tpu.memory_space<hbm>> -> memref<128xi32, #tpu.memory_space<hbm>>
    tpu.enqueue_dma source(%dma_start3A_15 : memref<128xi32, #tpu.memory_space<hbm>>) target(%arg9 : memref<128xi32, #tpu.memory_space<vmem>>) target_semaphore(%arg14 : memref<!tpu.dma_semaphore, #tpu.memory_space<semaphore_mem>>)
    %add3A_16 = arith.constant 128 : i32
    %add3A_17 = arith.addi %mul3A_8, %add3A_16 : i32
    %dma_start3A_18 = tpu.memref_slice %arg3[%add3A_17] : memref<164096xi32, #tpu.memory_space<hbm>> -> memref<128xi32, #tpu.memory_space<hbm>>
    %dma_start3A_19 = tpu.memref_slice %arg3[%add3A_17] : memref<164096xi32, #tpu.memory_space<hbm>> -> memref<128xi32, #tpu.memory_space<hbm>>
    tpu.enqueue_dma source(%dma_start3A_19 : memref<128xi32, #tpu.memory_space<hbm>>) target(%arg8 : memref<128xi32, #tpu.memory_space<vmem>>) target_semaphore(%arg15 : memref<!tpu.dma_semaphore, #tpu.memory_space<semaphore_mem>>)
    %add3A_20 = arith.constant 128 : i32
    %add3A_21 = arith.addi %mul3A_8, %add3A_20 : i32
    %dma_start3A_22 = tpu.memref_slice %arg4[%add3A_21] : memref<164096xi32, #tpu.memory_space<hbm>> -> memref<128xi32, #tpu.memory_space<hbm>>
    %dma_start3A_23 = tpu.memref_slice %arg4[%add3A_21] : memref<164096xi32, #tpu.memory_space<hbm>> -> memref<128xi32, #tpu.memory_space<hbm>>
    tpu.enqueue_dma source(%dma_start3A_23 : memref<128xi32, #tpu.memory_space<hbm>>) target(%arg10 : memref<128xi32, #tpu.memory_space<vmem>>) target_semaphore(%arg15 : memref<!tpu.dma_semaphore, #tpu.memory_space<semaphore_mem>>)
    %add3A_24 = arith.constant 0 : i32
    %add3A_25 = arith.addi %mul3A_8, %add3A_24 : i32
    %dma_wait3A = tpu.memref_slice %arg3[%add3A_25] : memref<164096xi32, #tpu.memory_space<hbm>> -> memref<128xi32, #tpu.memory_space<hbm>>
    %dma_wait3A_26 = tpu.memref_slice %arg3[%add3A_25] : memref<164096xi32, #tpu.memory_space<hbm>> -> memref<128xi32, #tpu.memory_space<hbm>>
    tpu.wait_dma2 semaphore(%arg14 : memref<!tpu.dma_semaphore, #tpu.memory_space<semaphore_mem>>) src(%dma_wait3A_26 : memref<128xi32, #tpu.memory_space<hbm>>) dst(%arg7 : memref<128xi32, #tpu.memory_space<vmem>>)
    %add3A_27 = arith.constant 0 : i32
    %add3A_28 = arith.addi %mul3A_8, %add3A_27 : i32
    %dma_wait3A_29 = tpu.memref_slice %arg4[%add3A_28] : memref<164096xi32, #tpu.memory_space<hbm>> -> memref<128xi32, #tpu.memory_space<hbm>>
    %dma_wait3A_30 = tpu.memref_slice %arg4[%add3A_28] : memref<164096xi32, #tpu.memory_space<hbm>> -> memref<128xi32, #tpu.memory_space<hbm>>
    tpu.wait_dma2 semaphore(%arg14 : memref<!tpu.dma_semaphore, #tpu.memory_space<semaphore_mem>>) src(%dma_wait3A_30 : memref<128xi32, #tpu.memory_space<hbm>>) dst(%arg9 : memref<128xi32, #tpu.memory_space<vmem>>)
    %dma_start3A_31 = arith.constant 0 : i32
    %dma_start3A_32 = arith.constant 0 : i32
    %dma_start3A_33 = tpu.memref_slice %arg2[%dma_start3A_31, %dma_start3A_32] : memref<11000x128xf32, #tpu.memory_space<hbm>> -> memref<11000x128xf32, #tpu.memory_space<hbm>>
    tpu.enqueue_indirect_dma source(%dma_start3A_33 : memref<11000x128xf32, #tpu.memory_space<hbm>>) target(%arg11 : memref<128x128xf32, #tpu.memory_space<vmem>>) offsets(%arg7 : memref<128xi32, #tpu.memory_space<vmem>>) semaphore(%arg16 : memref<!tpu.dma_semaphore, #tpu.memory_space<semaphore_mem>>)
    %scan3A = arith.constant 0 : i32
    %scan3A_34 = arith.constant 20 : i32
    %scan3A_35 = arith.addi %scan3A, %scan3A_34 : i32
    %scan3A_36 = arith.constant 1 : i32
    scf.for %scan3A_60 = %scan3A to %scan3A_35 step %scan3A_36  : i32 {
      %mul3A_61 = arith.constant 1 : i32
      %mul3A_62 = arith.muli %scan3A_60, %mul3A_61 : i32
      %add3A_63 = arith.constant 0 : i32
      %add3A_64 = arith.addi %add3A_63, %mul3A_62 : i32
      %mul3A_65 = arith.constant 2 : i32
      %mul3A_66 = arith.muli %mul3A_65, %add3A_64 : i32
      %add3A_67 = arith.constant 1 : i32
      %add3A_68 = arith.addi %mul3A_66, %add3A_67 : i32
      %mul3A_69 = arith.constant 128 : i32
      %mul3A_70 = arith.muli %add3A_68, %mul3A_69 : i32
      %add3A_71 = arith.addi %mul3A_8, %mul3A_70 : i32
      %dma_wait3A_72 = tpu.memref_slice %arg3[%add3A_71] : memref<164096xi32, #tpu.memory_space<hbm>> -> memref<128xi32, #tpu.memory_space<hbm>>
      %dma_wait3A_73 = tpu.memref_slice %arg3[%add3A_71] : memref<164096xi32, #tpu.memory_space<hbm>> -> memref<128xi32, #tpu.memory_space<hbm>>
      tpu.wait_dma2 semaphore(%arg15 : memref<!tpu.dma_semaphore, #tpu.memory_space<semaphore_mem>>) src(%dma_wait3A_73 : memref<128xi32, #tpu.memory_space<hbm>>) dst(%arg8 : memref<128xi32, #tpu.memory_space<vmem>>)
      %mul3A_74 = arith.constant 128 : i32
      %mul3A_75 = arith.muli %add3A_68, %mul3A_74 : i32
      %add3A_76 = arith.addi %mul3A_8, %mul3A_75 : i32
      %dma_wait3A_77 = tpu.memref_slice %arg4[%add3A_76] : memref<164096xi32, #tpu.memory_space<hbm>> -> memref<128xi32, #tpu.memory_space<hbm>>
      %dma_wait3A_78 = tpu.memref_slice %arg4[%add3A_76] : memref<164096xi32, #tpu.memory_space<hbm>> -> memref<128xi32, #tpu.memory_space<hbm>>
      tpu.wait_dma2 semaphore(%arg15 : memref<!tpu.dma_semaphore, #tpu.memory_space<semaphore_mem>>) src(%dma_wait3A_78 : memref<128xi32, #tpu.memory_space<hbm>>) dst(%arg10 : memref<128xi32, #tpu.memory_space<vmem>>)
      %dma_wait3A_79 = arith.constant 0 : i32
      %dma_wait3A_80 = arith.constant 0 : i32
      %dma_wait3A_81 = tpu.memref_slice %arg2[%dma_wait3A_79, %dma_wait3A_80] : memref<11000x128xf32, #tpu.memory_space<hbm>> -> memref<11000x128xf32, #tpu.memory_space<hbm>>
      tpu.wait_indirect_dma semaphore(%arg16 : memref<!tpu.dma_semaphore, #tpu.memory_space<semaphore_mem>>) src(%dma_wait3A_81 : memref<11000x128xf32, #tpu.memory_space<hbm>>) dst(%arg11 : memref<128x128xf32, #tpu.memory_space<vmem>>)
      %dma_start3A_82 = arith.constant 0 : i32
      %dma_start3A_83 = arith.constant 0 : i32
      %dma_start3A_84 = tpu.memref_slice %arg13[%dma_start3A_82, %dma_start3A_83] : memref<10000x128xf32, #tpu.memory_space<vmem_shared>> -> memref<10000x128xf32, #tpu.memory_space<vmem_shared>>
      tpu.enqueue_indirect_dma source(%arg11 : memref<128x128xf32, #tpu.memory_space<vmem>>) target(%dma_start3A_84 : memref<10000x128xf32, #tpu.memory_space<vmem_shared>>) offsets(%arg9 : memref<128xi32, #tpu.memory_space<vmem>>) semaphore(%arg18 : memref<!tpu.dma_semaphore, #tpu.memory_space<semaphore_mem>>) {add = true}
      %dma_start3A_85 = arith.constant 0 : i32
      %dma_start3A_86 = arith.constant 0 : i32
      %dma_start3A_87 = tpu.memref_slice %arg2[%dma_start3A_85, %dma_start3A_86] : memref<11000x128xf32, #tpu.memory_space<hbm>> -> memref<11000x128xf32, #tpu.memory_space<hbm>>
      tpu.enqueue_indirect_dma source(%dma_start3A_87 : memref<11000x128xf32, #tpu.memory_space<hbm>>) target(%arg12 : memref<128x128xf32, #tpu.memory_space<vmem>>) offsets(%arg8 : memref<128xi32, #tpu.memory_space<vmem>>) semaphore(%arg17 : memref<!tpu.dma_semaphore, #tpu.memory_space<semaphore_mem>>)
      %dma_wait3A_88 = arith.constant 0 : i32
      %dma_wait3A_89 = arith.constant 0 : i32
      %dma_wait3A_90 = tpu.memref_slice %arg13[%dma_wait3A_88, %dma_wait3A_89] : memref<10000x128xf32, #tpu.memory_space<vmem_shared>> -> memref<10000x128xf32, #tpu.memory_space<vmem_shared>>
      tpu.wait_indirect_dma semaphore(%arg18 : memref<!tpu.dma_semaphore, #tpu.memory_space<semaphore_mem>>) src(%arg11 : memref<128x128xf32, #tpu.memory_space<vmem>>) dst(%dma_wait3A_90 : memref<10000x128xf32, #tpu.memory_space<vmem_shared>>)
      %add3A_91 = arith.constant 2 : i32
      %add3A_92 = arith.addi %mul3A_66, %add3A_91 : i32
      %mul3A_93 = arith.constant 128 : i32
      %mul3A_94 = arith.muli %add3A_92, %mul3A_93 : i32
      %add3A_95 = arith.addi %mul3A_8, %mul3A_94 : i32
      %dma_start3A_96 = tpu.memref_slice %arg3[%add3A_95] : memref<164096xi32, #tpu.memory_space<hbm>> -> memref<128xi32, #tpu.memory_space<hbm>>
      %dma_start3A_97 = tpu.memref_slice %arg3[%add3A_95] : memref<164096xi32, #tpu.memory_space<hbm>> -> memref<128xi32, #tpu.memory_space<hbm>>
      tpu.enqueue_dma source(%dma_start3A_97 : memref<128xi32, #tpu.memory_space<hbm>>) target(%arg7 : memref<128xi32, #tpu.memory_space<vmem>>) target_semaphore(%arg14 : memref<!tpu.dma_semaphore, #tpu.memory_space<semaphore_mem>>)
      %mul3A_98 = arith.constant 128 : i32
      %mul3A_99 = arith.muli %add3A_92, %mul3A_98 : i32
      %add3A_100 = arith.addi %mul3A_8, %mul3A_99 : i32
      %dma_start3A_101 = tpu.memref_slice %arg4[%add3A_100] : memref<164096xi32, #tpu.memory_space<hbm>> -> memref<128xi32, #tpu.memory_space<hbm>>
      %dma_start3A_102 = tpu.memref_slice %arg4[%add3A_100] : memref<164096xi32, #tpu.memory_space<hbm>> -> memref<128xi32, #tpu.memory_space<hbm>>
      tpu.enqueue_dma source(%dma_start3A_102 : memref<128xi32, #tpu.memory_space<hbm>>) target(%arg9 : memref<128xi32, #tpu.memory_space<vmem>>) target_semaphore(%arg14 : memref<!tpu.dma_semaphore, #tpu.memory_space<semaphore_mem>>)
      %dma_wait3A_103 = arith.constant 0 : i32
      %dma_wait3A_104 = arith.constant 0 : i32
      %dma_wait3A_105 = tpu.memref_slice %arg2[%dma_wait3A_103, %dma_wait3A_104] : memref<11000x128xf32, #tpu.memory_space<hbm>> -> memref<11000x128xf32, #tpu.memory_space<hbm>>
      tpu.wait_indirect_dma semaphore(%arg17 : memref<!tpu.dma_semaphore, #tpu.memory_space<semaphore_mem>>) src(%dma_wait3A_105 : memref<11000x128xf32, #tpu.memory_space<hbm>>) dst(%arg12 : memref<128x128xf32, #tpu.memory_space<vmem>>)
      %dma_start3A_106 = arith.constant 0 : i32
      %dma_start3A_107 = arith.constant 0 : i32
      %dma_start3A_108 = tpu.memref_slice %arg13[%dma_start3A_106, %dma_start3A_107] : memref<10000x128xf32, #tpu.memory_space<vmem_shared>> -> memref<10000x128xf32, #tpu.memory_space<vmem_shared>>
      tpu.enqueue_indirect_dma source(%arg12 : memref<128x128xf32, #tpu.memory_space<vmem>>) target(%dma_start3A_108 : memref<10000x128xf32, #tpu.memory_space<vmem_shared>>) offsets(%arg10 : memref<128xi32, #tpu.memory_space<vmem>>) semaphore(%arg19 : memref<!tpu.dma_semaphore, #tpu.memory_space<semaphore_mem>>) {add = true}
      %add3A_109 = arith.constant 2 : i32
      %add3A_110 = arith.addi %mul3A_66, %add3A_109 : i32
      %mul3A_111 = arith.constant 128 : i32
      %mul3A_112 = arith.muli %add3A_110, %mul3A_111 : i32
      %add3A_113 = arith.addi %mul3A_8, %mul3A_112 : i32
      %dma_wait3A_114 = tpu.memref_slice %arg3[%add3A_113] : memref<164096xi32, #tpu.memory_space<hbm>> -> memref<128xi32, #tpu.memory_space<hbm>>
      %dma_wait3A_115 = tpu.memref_slice %arg3[%add3A_113] : memref<164096xi32, #tpu.memory_space<hbm>> -> memref<128xi32, #tpu.memory_space<hbm>>
      tpu.wait_dma2 semaphore(%arg14 : memref<!tpu.dma_semaphore, #tpu.memory_space<semaphore_mem>>) src(%dma_wait3A_115 : memref<128xi32, #tpu.memory_space<hbm>>) dst(%arg7 : memref<128xi32, #tpu.memory_space<vmem>>)
      %mul3A_116 = arith.constant 128 : i32
      %mul3A_117 = arith.muli %add3A_110, %mul3A_116 : i32
      %add3A_118 = arith.addi %mul3A_8, %mul3A_117 : i32
      %dma_wait3A_119 = tpu.memref_slice %arg4[%add3A_118] : memref<164096xi32, #tpu.memory_space<hbm>> -> memref<128xi32, #tpu.memory_space<hbm>>
      %dma_wait3A_120 = tpu.memref_slice %arg4[%add3A_118] : memref<164096xi32, #tpu.memory_space<hbm>> -> memref<128xi32, #tpu.memory_space<hbm>>
      tpu.wait_dma2 semaphore(%arg14 : memref<!tpu.dma_semaphore, #tpu.memory_space<semaphore_mem>>) src(%dma_wait3A_120 : memref<128xi32, #tpu.memory_space<hbm>>) dst(%arg9 : memref<128xi32, #tpu.memory_space<vmem>>)
      %dma_start3A_121 = arith.constant 0 : i32
      %dma_start3A_122 = arith.constant 0 : i32
      %dma_start3A_123 = tpu.memref_slice %arg2[%dma_start3A_121, %dma_start3A_122] : memref<11000x128xf32, #tpu.memory_space<hbm>> -> memref<11000x128xf32, #tpu.memory_space<hbm>>
      tpu.enqueue_indirect_dma source(%dma_start3A_123 : memref<11000x128xf32, #tpu.memory_space<hbm>>) target(%arg11 : memref<128x128xf32, #tpu.memory_space<vmem>>) offsets(%arg7 : memref<128xi32, #tpu.memory_space<vmem>>) semaphore(%arg16 : memref<!tpu.dma_semaphore, #tpu.memory_space<semaphore_mem>>)
      %dma_wait3A_124 = arith.constant 0 : i32
      %dma_wait3A_125 = arith.constant 0 : i32
      %dma_wait3A_126 = tpu.memref_slice %arg13[%dma_wait3A_124, %dma_wait3A_125] : memref<10000x128xf32, #tpu.memory_space<vmem_shared>> -> memref<10000x128xf32, #tpu.memory_space<vmem_shared>>
      tpu.wait_indirect_dma semaphore(%arg19 : memref<!tpu.dma_semaphore, #tpu.memory_space<semaphore_mem>>) src(%arg12 : memref<128x128xf32, #tpu.memory_space<vmem>>) dst(%dma_wait3A_126 : memref<10000x128xf32, #tpu.memory_space<vmem_shared>>)
      %add3A_127 = arith.constant 2 : i32
      %add3A_128 = arith.addi %add3A_68, %add3A_127 : i32
      %mul3A_129 = arith.constant 128 : i32
      %mul3A_130 = arith.muli %add3A_128, %mul3A_129 : i32
      %add3A_131 = arith.addi %mul3A_8, %mul3A_130 : i32
      %dma_start3A_132 = tpu.memref_slice %arg3[%add3A_131] : memref<164096xi32, #tpu.memory_space<hbm>> -> memref<128xi32, #tpu.memory_space<hbm>>
      %dma_start3A_133 = tpu.memref_slice %arg3[%add3A_131] : memref<164096xi32, #tpu.memory_space<hbm>> -> memref<128xi32, #tpu.memory_space<hbm>>
      tpu.enqueue_dma source(%dma_start3A_133 : memref<128xi32, #tpu.memory_space<hbm>>) target(%arg8 : memref<128xi32, #tpu.memory_space<vmem>>) target_semaphore(%arg15 : memref<!tpu.dma_semaphore, #tpu.memory_space<semaphore_mem>>)
      %mul3A_134 = arith.constant 128 : i32
      %mul3A_135 = arith.muli %add3A_128, %mul3A_134 : i32
      %add3A_136 = arith.addi %mul3A_8, %mul3A_135 : i32
      %dma_start3A_137 = tpu.memref_slice %arg4[%add3A_136] : memref<164096xi32, #tpu.memory_space<hbm>> -> memref<128xi32, #tpu.memory_space<hbm>>
      %dma_start3A_138 = tpu.memref_slice %arg4[%add3A_136] : memref<164096xi32, #tpu.memory_space<hbm>> -> memref<128xi32, #tpu.memory_space<hbm>>
      tpu.enqueue_dma source(%dma_start3A_138 : memref<128xi32, #tpu.memory_space<hbm>>) target(%arg10 : memref<128xi32, #tpu.memory_space<vmem>>) target_semaphore(%arg15 : memref<!tpu.dma_semaphore, #tpu.memory_space<semaphore_mem>>)
    }
    %scan3A_37 = arith.constant 20 : i32
    %dma_wait3A_38 = arith.constant 0 : i32
    %dma_wait3A_39 = arith.constant 0 : i32
    %dma_wait3A_40 = tpu.memref_slice %arg2[%dma_wait3A_38, %dma_wait3A_39] : memref<11000x128xf32, #tpu.memory_space<hbm>> -> memref<11000x128xf32, #tpu.memory_space<hbm>>
    tpu.wait_indirect_dma semaphore(%arg16 : memref<!tpu.dma_semaphore, #tpu.memory_space<semaphore_mem>>) src(%dma_wait3A_40 : memref<11000x128xf32, #tpu.memory_space<hbm>>) dst(%arg11 : memref<128x128xf32, #tpu.memory_space<vmem>>)
    %add3A_41 = arith.constant 5248 : i32
    %add3A_42 = arith.addi %mul3A_8, %add3A_41 : i32
    %dma_wait3A_43 = tpu.memref_slice %arg3[%add3A_42] : memref<164096xi32, #tpu.memory_space<hbm>> -> memref<128xi32, #tpu.memory_space<hbm>>
    %dma_wait3A_44 = tpu.memref_slice %arg3[%add3A_42] : memref<164096xi32, #tpu.memory_space<hbm>> -> memref<128xi32, #tpu.memory_space<hbm>>
    tpu.wait_dma2 semaphore(%arg15 : memref<!tpu.dma_semaphore, #tpu.memory_space<semaphore_mem>>) src(%dma_wait3A_44 : memref<128xi32, #tpu.memory_space<hbm>>) dst(%arg8 : memref<128xi32, #tpu.memory_space<vmem>>)
    %add3A_45 = arith.constant 5248 : i32
    %add3A_46 = arith.addi %mul3A_8, %add3A_45 : i32
    %dma_wait3A_47 = tpu.memref_slice %arg4[%add3A_46] : memref<164096xi32, #tpu.memory_space<hbm>> -> memref<128xi32, #tpu.memory_space<hbm>>
    %dma_wait3A_48 = tpu.memref_slice %arg4[%add3A_46] : memref<164096xi32, #tpu.memory_space<hbm>> -> memref<128xi32, #tpu.memory_space<hbm>>
    tpu.wait_dma2 semaphore(%arg15 : memref<!tpu.dma_semaphore, #tpu.memory_space<semaphore_mem>>) src(%dma_wait3A_48 : memref<128xi32, #tpu.memory_space<hbm>>) dst(%arg10 : memref<128xi32, #tpu.memory_space<vmem>>)
    %barrier3A_49 = arith.constant 0 : index
    tpu.barrier barrier_id(%barrier3A_49)
    %lt3A_50 = arith.constant 15 : i32
    %lt3A_51 = arith.cmpi slt, %arg1, %lt3A_50 : i32
    %convert_element_type3A_52 = arith.extui %lt3A_51 : i1 to i32
    %cond3A_53 = arith.constant 0 : i32
    %cond3A_54 = arith.cmpi ne, %convert_element_type3A_52, %cond3A_53 : i32
    scf.if %cond3A_54 {
      %mul3A_60 = arith.constant 640 : i32
      %mul3A_61 = arith.muli %arg1, %mul3A_60 : i32
      %mul3A_62 = arith.constant 10000 : i32
      %mul3A_63 = arith.muli %arg0, %mul3A_62 : i32
      %mul3A_64 = arith.constant 640 : i32
      %mul3A_65 = arith.muli %arg1, %mul3A_64 : i32
      %add3A_66 = arith.addi %mul3A_63, %mul3A_65 : i32
      "tpu.region"() ({
        %run_scoped3A = tpu.sem_alloc : memref<!tpu.dma_semaphore, #tpu.memory_space<semaphore_mem>>
        %dma_start3A_67 = arith.constant 0 : i32
        %dma_start3A_68 = tpu.memref_slice %arg6[%add3A_66, %dma_start3A_67] : memref<20000x128xf32, #tpu.memory_space<hbm>> -> memref<640x128xf32, #tpu.memory_space<hbm>>
        %dma_start3A_69 = arith.constant 0 : i32
        %dma_start3A_70 = tpu.memref_slice %arg13[%mul3A_61, %dma_start3A_69] : memref<10000x128xf32, #tpu.memory_space<vmem_shared>> -> memref<640x128xf32, #tpu.memory_space<vmem_shared>>
        tpu.enqueue_dma source(%dma_start3A_70 : memref<640x128xf32, #tpu.memory_space<vmem_shared>>) target(%dma_start3A_68 : memref<640x128xf32, #tpu.memory_space<hbm>>) target_semaphore(%run_scoped3A : memref<!tpu.dma_semaphore, #tpu.memory_space<semaphore_mem>>)
        %dma_wait3A_71 = arith.constant 0 : i32
        %dma_wait3A_72 = tpu.memref_slice %arg6[%add3A_66, %dma_wait3A_71] : memref<20000x128xf32, #tpu.memory_space<hbm>> -> memref<640x128xf32, #tpu.memory_space<hbm>>
        %dma_wait3A_73 = arith.constant 0 : i32
        %dma_wait3A_74 = tpu.memref_slice %arg13[%mul3A_61, %dma_wait3A_73] : memref<10000x128xf32, #tpu.memory_space<vmem_shared>> -> memref<640x128xf32, #tpu.memory_space<vmem_shared>>
        tpu.wait_dma2 semaphore(%run_scoped3A : memref<!tpu.dma_semaphore, #tpu.memory_space<semaphore_mem>>) src(%dma_wait3A_74 : memref<640x128xf32, #tpu.memory_space<vmem_shared>>) dst(%dma_wait3A_72 : memref<640x128xf32, #tpu.memory_space<hbm>>)
        tpu.yield
      }) : () -> ()
    } else {
    }
    %eq3A_55 = arith.constant 15 : i32
    %eq3A_56 = arith.cmpi eq, %arg1, %eq3A_55 : i32
    %convert_element_type3A_57 = arith.extui %eq3A_56 : i1 to i32
    %cond3A_58 = arith.constant 0 : i32
    %cond3A_59 = arith.cmpi ne, %convert_element_type3A_57, %cond3A_58 : i32
    scf.if %cond3A_59 {
      %mul3A_60 = arith.constant 10000 : i32
      %mul3A_61 = arith.muli %arg0, %mul3A_60 : i32
      %add3A_62 = arith.constant 9600 : i32
      %add3A_63 = arith.addi %mul3A_61, %add3A_62 : i32
      "tpu.region"() ({
        %run_scoped3A = tpu.sem_alloc : memref<!tpu.dma_semaphore, #tpu.memory_space<semaphore_mem>>
        %dma_start3A_64 = arith.constant 0 : i32
        %dma_start3A_65 = tpu.memref_slice %arg6[%add3A_63, %dma_start3A_64] : memref<20000x128xf32, #tpu.memory_space<hbm>> -> memref<400x128xf32, #tpu.memory_space<hbm>>
        %dma_start3A_66 = arith.constant 9600 : i32
        %dma_start3A_67 = arith.constant 0 : i32
        %dma_start3A_68 = tpu.memref_slice %arg13[%dma_start3A_66, %dma_start3A_67] : memref<10000x128xf32, #tpu.memory_space<vmem_shared>> -> memref<400x128xf32, #tpu.memory_space<vmem_shared>>
        tpu.enqueue_dma source(%dma_start3A_68 : memref<400x128xf32, #tpu.memory_space<vmem_shared>>) target(%dma_start3A_65 : memref<400x128xf32, #tpu.memory_space<hbm>>) target_semaphore(%run_scoped3A : memref<!tpu.dma_semaphore, #tpu.memory_space<semaphore_mem>>)
        %dma_wait3A_69 = arith.constant 0 : i32
        %dma_wait3A_70 = tpu.memref_slice %arg6[%add3A_63, %dma_wait3A_69] : memref<20000x128xf32, #tpu.memory_space<hbm>> -> memref<400x128xf32, #tpu.memory_space<hbm>>
        %dma_wait3A_71 = arith.constant 9600 : i32
        %dma_wait3A_72 = arith.constant 0 : i32
        %dma_wait3A_73 = tpu.memref_slice %arg13[%dma_wait3A_71, %dma_wait3A_72] : memref<10000x128xf32, #tpu.memory_space<vmem_shared>> -> memref<400x128xf32, #tpu.memory_space<vmem_shared>>
        tpu.wait_dma2 semaphore(%run_scoped3A : memref<!tpu.dma_semaphore, #tpu.memory_space<semaphore_mem>>) src(%dma_wait3A_73 : memref<400x128xf32, #tpu.memory_space<vmem_shared>>) dst(%dma_wait3A_70 : memref<400x128xf32, #tpu.memory_space<hbm>>)
        tpu.yield
      }) : () -> ()
    } else {
    }
    return
  }
}

#map = affine_map<(d0, d1) -> (0, 0)>
#map1 = affine_map<(d0, d1) -> (0)>
module attributes {stable_mosaic.version = 14 : i64} {
  func.func @agg(%arg0: i32, %arg1: i32, %arg2: memref<21000x128xf32, #tpu.memory_space<hbm>>, %arg3: memref<328192xi32, #tpu.memory_space<hbm>>, %arg4: memref<164096xi32, #tpu.memory_space<hbm>>, %arg5: memref<640x128xf32, #tpu.memory_space<hbm>>, %arg6: memref<20000x128xf32, #tpu.memory_space<hbm>>, %arg7: memref<128xi32, #tpu.memory_space<vmem>>, %arg8: memref<128xi32, #tpu.memory_space<vmem>>, %arg9: memref<128xi32, #tpu.memory_space<vmem>>, %arg10: memref<128xi32, #tpu.memory_space<vmem>>, %arg11: memref<128x128xf32, #tpu.memory_space<vmem>>, %arg12: memref<128x128xf32, #tpu.memory_space<vmem>>, %arg13: memref<10000x128xf32, #tpu.memory_space<vmem_shared>>, %arg14: memref<!tpu.dma_semaphore, #tpu.memory_space<semaphore_mem>>, %arg15: memref<!tpu.dma_semaphore, #tpu.memory_space<semaphore_mem>>, %arg16: memref<!tpu.dma_semaphore, #tpu.memory_space<semaphore_mem>>, %arg17: memref<!tpu.dma_semaphore, #tpu.memory_space<semaphore_mem>>, %arg18: memref<!tpu.dma_semaphore, #tpu.memory_space<semaphore_mem>>, %arg19: memref<!tpu.dma_semaphore, #tpu.memory_space<semaphore_mem>>) attributes {dimension_semantics = [#tpu.dimension_semantics<core_parallel>, #tpu.dimension_semantics<subcore_parallel>], iteration_bounds = array<i64: 2, 16>, scalar_prefetch = 0 : i64, scratch_operands = 13 : i64, tpu.core_type = #tpu.core_type<sc_vector_subcore>, window_params = [{transform_indices = #map}, {transform_indices = #map1}, {transform_indices = #map1}, {transform_indices = #map}, {transform_indices = #map}]} {
    %lt3A = arith.constant 15 : i32
    %lt3A_0 = arith.cmpi slt, %arg1, %lt3A : i32
    %convert_element_type3A = arith.extui %lt3A_0 : i1 to i32
    %cond3A = arith.constant 0 : i32
    %cond3A_1 = arith.cmpi ne, %convert_element_type3A, %cond3A : i32
    scf.if %cond3A_1 {
      %mul3A_60 = arith.constant 640 : i32
      %mul3A_61 = arith.muli %arg1, %mul3A_60 : i32
      "tpu.region"() ({
        %run_scoped3A = tpu.sem_alloc : memref<!tpu.dma_semaphore, #tpu.memory_space<semaphore_mem>>
        %dma_start3A_62 = arith.constant 0 : i32
        %dma_start3A_63 = tpu.memref_slice %arg13[%mul3A_61, %dma_start3A_62] : memref<10000x128xf32, #tpu.memory_space<vmem_shared>> -> memref<640x128xf32, #tpu.memory_space<vmem_shared>>
        tpu.enqueue_dma source(%arg5 : memref<640x128xf32, #tpu.memory_space<hbm>>) target(%dma_start3A_63 : memref<640x128xf32, #tpu.memory_space<vmem_shared>>) target_semaphore(%run_scoped3A : memref<!tpu.dma_semaphore, #tpu.memory_space<semaphore_mem>>)
        %dma_wait3A_64 = arith.constant 0 : i32
        %dma_wait3A_65 = tpu.memref_slice %arg13[%mul3A_61, %dma_wait3A_64] : memref<10000x128xf32, #tpu.memory_space<vmem_shared>> -> memref<640x128xf32, #tpu.memory_space<vmem_shared>>
        tpu.wait_dma2 semaphore(%run_scoped3A : memref<!tpu.dma_semaphore, #tpu.memory_space<semaphore_mem>>) src(%arg5 : memref<640x128xf32, #tpu.memory_space<hbm>>) dst(%dma_wait3A_65 : memref<640x128xf32, #tpu.memory_space<vmem_shared>>)
        tpu.yield
      }) : () -> ()
    } else {
    }
    %eq3A = arith.constant 15 : i32
    %eq3A_2 = arith.cmpi eq, %arg1, %eq3A : i32
    %convert_element_type3A_3 = arith.extui %eq3A_2 : i1 to i32
    %cond3A_4 = arith.constant 0 : i32
    %cond3A_5 = arith.cmpi ne, %convert_element_type3A_3, %cond3A_4 : i32
    scf.if %cond3A_5 {
      "tpu.region"() ({
        %run_scoped3A = tpu.sem_alloc : memref<!tpu.dma_semaphore, #tpu.memory_space<semaphore_mem>>
        %dma_start3A_60 = arith.constant 9600 : i32
        %dma_start3A_61 = arith.constant 0 : i32
        %dma_start3A_62 = tpu.memref_slice %arg13[%dma_start3A_60, %dma_start3A_61] : memref<10000x128xf32, #tpu.memory_space<vmem_shared>> -> memref<400x128xf32, #tpu.memory_space<vmem_shared>>
        %dma_start3A_63 = arith.constant 0 : i32
        %dma_start3A_64 = arith.constant 0 : i32
        %dma_start3A_65 = tpu.memref_slice %arg5[%dma_start3A_63, %dma_start3A_64] : memref<640x128xf32, #tpu.memory_space<hbm>> -> memref<400x128xf32, #tpu.memory_space<hbm>>
        tpu.enqueue_dma source(%dma_start3A_65 : memref<400x128xf32, #tpu.memory_space<hbm>>) target(%dma_start3A_62 : memref<400x128xf32, #tpu.memory_space<vmem_shared>>) target_semaphore(%run_scoped3A : memref<!tpu.dma_semaphore, #tpu.memory_space<semaphore_mem>>)
        %dma_wait3A_66 = arith.constant 9600 : i32
        %dma_wait3A_67 = arith.constant 0 : i32
        %dma_wait3A_68 = tpu.memref_slice %arg13[%dma_wait3A_66, %dma_wait3A_67] : memref<10000x128xf32, #tpu.memory_space<vmem_shared>> -> memref<400x128xf32, #tpu.memory_space<vmem_shared>>
        %dma_wait3A_69 = arith.constant 0 : i32
        %dma_wait3A_70 = arith.constant 0 : i32
        %dma_wait3A_71 = tpu.memref_slice %arg5[%dma_wait3A_69, %dma_wait3A_70] : memref<640x128xf32, #tpu.memory_space<hbm>> -> memref<400x128xf32, #tpu.memory_space<hbm>>
        tpu.wait_dma2 semaphore(%run_scoped3A : memref<!tpu.dma_semaphore, #tpu.memory_space<semaphore_mem>>) src(%dma_wait3A_71 : memref<400x128xf32, #tpu.memory_space<hbm>>) dst(%dma_wait3A_68 : memref<400x128xf32, #tpu.memory_space<vmem_shared>>)
        tpu.yield
      }) : () -> ()
    } else {
    }
    %barrier3A = arith.constant 0 : index
    tpu.barrier barrier_id(%barrier3A)
    %mul3A = arith.constant 10240 : i32
    %mul3A_6 = arith.muli %arg1, %mul3A : i32
    %mul3A_7 = arith.constant 164096 : i32
    %mul3A_8 = arith.muli %arg0, %mul3A_7 : i32
    %add3A = arith.addi %mul3A_8, %mul3A_6 : i32
    %add3A_9 = arith.constant 0 : i32
    %add3A_10 = arith.addi %add3A, %add3A_9 : i32
    %dma_start3A = tpu.memref_slice %arg3[%add3A_10] : memref<328192xi32, #tpu.memory_space<hbm>> -> memref<128xi32, #tpu.memory_space<hbm>>
    %dma_start3A_11 = tpu.memref_slice %arg3[%add3A_10] : memref<328192xi32, #tpu.memory_space<hbm>> -> memref<128xi32, #tpu.memory_space<hbm>>
    tpu.enqueue_dma source(%dma_start3A_11 : memref<128xi32, #tpu.memory_space<hbm>>) target(%arg7 : memref<128xi32, #tpu.memory_space<vmem>>) target_semaphore(%arg14 : memref<!tpu.dma_semaphore, #tpu.memory_space<semaphore_mem>>)
    %add3A_12 = arith.constant 0 : i32
    %add3A_13 = arith.addi %mul3A_6, %add3A_12 : i32
    %dma_start3A_14 = tpu.memref_slice %arg4[%add3A_13] : memref<164096xi32, #tpu.memory_space<hbm>> -> memref<128xi32, #tpu.memory_space<hbm>>
    %dma_start3A_15 = tpu.memref_slice %arg4[%add3A_13] : memref<164096xi32, #tpu.memory_space<hbm>> -> memref<128xi32, #tpu.memory_space<hbm>>
    tpu.enqueue_dma source(%dma_start3A_15 : memref<128xi32, #tpu.memory_space<hbm>>) target(%arg9 : memref<128xi32, #tpu.memory_space<vmem>>) target_semaphore(%arg14 : memref<!tpu.dma_semaphore, #tpu.memory_space<semaphore_mem>>)
    %add3A_16 = arith.constant 128 : i32
    %add3A_17 = arith.addi %add3A, %add3A_16 : i32
    %dma_start3A_18 = tpu.memref_slice %arg3[%add3A_17] : memref<328192xi32, #tpu.memory_space<hbm>> -> memref<128xi32, #tpu.memory_space<hbm>>
    %dma_start3A_19 = tpu.memref_slice %arg3[%add3A_17] : memref<328192xi32, #tpu.memory_space<hbm>> -> memref<128xi32, #tpu.memory_space<hbm>>
    tpu.enqueue_dma source(%dma_start3A_19 : memref<128xi32, #tpu.memory_space<hbm>>) target(%arg8 : memref<128xi32, #tpu.memory_space<vmem>>) target_semaphore(%arg15 : memref<!tpu.dma_semaphore, #tpu.memory_space<semaphore_mem>>)
    %add3A_20 = arith.constant 128 : i32
    %add3A_21 = arith.addi %mul3A_6, %add3A_20 : i32
    %dma_start3A_22 = tpu.memref_slice %arg4[%add3A_21] : memref<164096xi32, #tpu.memory_space<hbm>> -> memref<128xi32, #tpu.memory_space<hbm>>
    %dma_start3A_23 = tpu.memref_slice %arg4[%add3A_21] : memref<164096xi32, #tpu.memory_space<hbm>> -> memref<128xi32, #tpu.memory_space<hbm>>
    tpu.enqueue_dma source(%dma_start3A_23 : memref<128xi32, #tpu.memory_space<hbm>>) target(%arg10 : memref<128xi32, #tpu.memory_space<vmem>>) target_semaphore(%arg15 : memref<!tpu.dma_semaphore, #tpu.memory_space<semaphore_mem>>)
    %add3A_24 = arith.constant 0 : i32
    %add3A_25 = arith.addi %add3A, %add3A_24 : i32
    %dma_wait3A = tpu.memref_slice %arg3[%add3A_25] : memref<328192xi32, #tpu.memory_space<hbm>> -> memref<128xi32, #tpu.memory_space<hbm>>
    %dma_wait3A_26 = tpu.memref_slice %arg3[%add3A_25] : memref<328192xi32, #tpu.memory_space<hbm>> -> memref<128xi32, #tpu.memory_space<hbm>>
    tpu.wait_dma2 semaphore(%arg14 : memref<!tpu.dma_semaphore, #tpu.memory_space<semaphore_mem>>) src(%dma_wait3A_26 : memref<128xi32, #tpu.memory_space<hbm>>) dst(%arg7 : memref<128xi32, #tpu.memory_space<vmem>>)
    %add3A_27 = arith.constant 0 : i32
    %add3A_28 = arith.addi %mul3A_6, %add3A_27 : i32
    %dma_wait3A_29 = tpu.memref_slice %arg4[%add3A_28] : memref<164096xi32, #tpu.memory_space<hbm>> -> memref<128xi32, #tpu.memory_space<hbm>>
    %dma_wait3A_30 = tpu.memref_slice %arg4[%add3A_28] : memref<164096xi32, #tpu.memory_space<hbm>> -> memref<128xi32, #tpu.memory_space<hbm>>
    tpu.wait_dma2 semaphore(%arg14 : memref<!tpu.dma_semaphore, #tpu.memory_space<semaphore_mem>>) src(%dma_wait3A_30 : memref<128xi32, #tpu.memory_space<hbm>>) dst(%arg9 : memref<128xi32, #tpu.memory_space<vmem>>)
    %dma_start3A_31 = arith.constant 0 : i32
    %dma_start3A_32 = arith.constant 0 : i32
    %dma_start3A_33 = tpu.memref_slice %arg2[%dma_start3A_31, %dma_start3A_32] : memref<21000x128xf32, #tpu.memory_space<hbm>> -> memref<21000x128xf32, #tpu.memory_space<hbm>>
    tpu.enqueue_indirect_dma source(%dma_start3A_33 : memref<21000x128xf32, #tpu.memory_space<hbm>>) target(%arg11 : memref<128x128xf32, #tpu.memory_space<vmem>>) offsets(%arg7 : memref<128xi32, #tpu.memory_space<vmem>>) semaphore(%arg16 : memref<!tpu.dma_semaphore, #tpu.memory_space<semaphore_mem>>)
    %scan3A = arith.constant 0 : i32
    %scan3A_34 = arith.constant 40 : i32
    %scan3A_35 = arith.addi %scan3A, %scan3A_34 : i32
    %scan3A_36 = arith.constant 1 : i32
    scf.for %scan3A_60 = %scan3A to %scan3A_35 step %scan3A_36  : i32 {
      %mul3A_61 = arith.constant 1 : i32
      %mul3A_62 = arith.muli %scan3A_60, %mul3A_61 : i32
      %add3A_63 = arith.constant 0 : i32
      %add3A_64 = arith.addi %add3A_63, %mul3A_62 : i32
      %mul3A_65 = arith.constant 2 : i32
      %mul3A_66 = arith.muli %mul3A_65, %add3A_64 : i32
      %add3A_67 = arith.constant 1 : i32
      %add3A_68 = arith.addi %mul3A_66, %add3A_67 : i32
      %mul3A_69 = arith.constant 128 : i32
      %mul3A_70 = arith.muli %add3A_68, %mul3A_69 : i32
      %add3A_71 = arith.addi %add3A, %mul3A_70 : i32
      %dma_wait3A_72 = tpu.memref_slice %arg3[%add3A_71] : memref<328192xi32, #tpu.memory_space<hbm>> -> memref<128xi32, #tpu.memory_space<hbm>>
      %dma_wait3A_73 = tpu.memref_slice %arg3[%add3A_71] : memref<328192xi32, #tpu.memory_space<hbm>> -> memref<128xi32, #tpu.memory_space<hbm>>
      tpu.wait_dma2 semaphore(%arg15 : memref<!tpu.dma_semaphore, #tpu.memory_space<semaphore_mem>>) src(%dma_wait3A_73 : memref<128xi32, #tpu.memory_space<hbm>>) dst(%arg8 : memref<128xi32, #tpu.memory_space<vmem>>)
      %mul3A_74 = arith.constant 128 : i32
      %mul3A_75 = arith.muli %add3A_68, %mul3A_74 : i32
      %add3A_76 = arith.addi %mul3A_6, %mul3A_75 : i32
      %dma_wait3A_77 = tpu.memref_slice %arg4[%add3A_76] : memref<164096xi32, #tpu.memory_space<hbm>> -> memref<128xi32, #tpu.memory_space<hbm>>
      %dma_wait3A_78 = tpu.memref_slice %arg4[%add3A_76] : memref<164096xi32, #tpu.memory_space<hbm>> -> memref<128xi32, #tpu.memory_space<hbm>>
      tpu.wait_dma2 semaphore(%arg15 : memref<!tpu.dma_semaphore, #tpu.memory_space<semaphore_mem>>) src(%dma_wait3A_78 : memref<128xi32, #tpu.memory_space<hbm>>) dst(%arg10 : memref<128xi32, #tpu.memory_space<vmem>>)
      %dma_wait3A_79 = arith.constant 0 : i32
      %dma_wait3A_80 = arith.constant 0 : i32
      %dma_wait3A_81 = tpu.memref_slice %arg2[%dma_wait3A_79, %dma_wait3A_80] : memref<21000x128xf32, #tpu.memory_space<hbm>> -> memref<21000x128xf32, #tpu.memory_space<hbm>>
      tpu.wait_indirect_dma semaphore(%arg16 : memref<!tpu.dma_semaphore, #tpu.memory_space<semaphore_mem>>) src(%dma_wait3A_81 : memref<21000x128xf32, #tpu.memory_space<hbm>>) dst(%arg11 : memref<128x128xf32, #tpu.memory_space<vmem>>)
      %dma_start3A_82 = arith.constant 0 : i32
      %dma_start3A_83 = arith.constant 0 : i32
      %dma_start3A_84 = tpu.memref_slice %arg13[%dma_start3A_82, %dma_start3A_83] : memref<10000x128xf32, #tpu.memory_space<vmem_shared>> -> memref<10000x128xf32, #tpu.memory_space<vmem_shared>>
      tpu.enqueue_indirect_dma source(%arg11 : memref<128x128xf32, #tpu.memory_space<vmem>>) target(%dma_start3A_84 : memref<10000x128xf32, #tpu.memory_space<vmem_shared>>) offsets(%arg9 : memref<128xi32, #tpu.memory_space<vmem>>) semaphore(%arg18 : memref<!tpu.dma_semaphore, #tpu.memory_space<semaphore_mem>>) {add = true}
      %dma_start3A_85 = arith.constant 0 : i32
      %dma_start3A_86 = arith.constant 0 : i32
      %dma_start3A_87 = tpu.memref_slice %arg2[%dma_start3A_85, %dma_start3A_86] : memref<21000x128xf32, #tpu.memory_space<hbm>> -> memref<21000x128xf32, #tpu.memory_space<hbm>>
      tpu.enqueue_indirect_dma source(%dma_start3A_87 : memref<21000x128xf32, #tpu.memory_space<hbm>>) target(%arg12 : memref<128x128xf32, #tpu.memory_space<vmem>>) offsets(%arg8 : memref<128xi32, #tpu.memory_space<vmem>>) semaphore(%arg17 : memref<!tpu.dma_semaphore, #tpu.memory_space<semaphore_mem>>)
      %dma_wait3A_88 = arith.constant 0 : i32
      %dma_wait3A_89 = arith.constant 0 : i32
      %dma_wait3A_90 = tpu.memref_slice %arg13[%dma_wait3A_88, %dma_wait3A_89] : memref<10000x128xf32, #tpu.memory_space<vmem_shared>> -> memref<10000x128xf32, #tpu.memory_space<vmem_shared>>
      tpu.wait_indirect_dma semaphore(%arg18 : memref<!tpu.dma_semaphore, #tpu.memory_space<semaphore_mem>>) src(%arg11 : memref<128x128xf32, #tpu.memory_space<vmem>>) dst(%dma_wait3A_90 : memref<10000x128xf32, #tpu.memory_space<vmem_shared>>)
      %add3A_91 = arith.constant 2 : i32
      %add3A_92 = arith.addi %mul3A_66, %add3A_91 : i32
      %mul3A_93 = arith.constant 128 : i32
      %mul3A_94 = arith.muli %add3A_92, %mul3A_93 : i32
      %add3A_95 = arith.addi %add3A, %mul3A_94 : i32
      %dma_start3A_96 = tpu.memref_slice %arg3[%add3A_95] : memref<328192xi32, #tpu.memory_space<hbm>> -> memref<128xi32, #tpu.memory_space<hbm>>
      %dma_start3A_97 = tpu.memref_slice %arg3[%add3A_95] : memref<328192xi32, #tpu.memory_space<hbm>> -> memref<128xi32, #tpu.memory_space<hbm>>
      tpu.enqueue_dma source(%dma_start3A_97 : memref<128xi32, #tpu.memory_space<hbm>>) target(%arg7 : memref<128xi32, #tpu.memory_space<vmem>>) target_semaphore(%arg14 : memref<!tpu.dma_semaphore, #tpu.memory_space<semaphore_mem>>)
      %mul3A_98 = arith.constant 128 : i32
      %mul3A_99 = arith.muli %add3A_92, %mul3A_98 : i32
      %add3A_100 = arith.addi %mul3A_6, %mul3A_99 : i32
      %dma_start3A_101 = tpu.memref_slice %arg4[%add3A_100] : memref<164096xi32, #tpu.memory_space<hbm>> -> memref<128xi32, #tpu.memory_space<hbm>>
      %dma_start3A_102 = tpu.memref_slice %arg4[%add3A_100] : memref<164096xi32, #tpu.memory_space<hbm>> -> memref<128xi32, #tpu.memory_space<hbm>>
      tpu.enqueue_dma source(%dma_start3A_102 : memref<128xi32, #tpu.memory_space<hbm>>) target(%arg9 : memref<128xi32, #tpu.memory_space<vmem>>) target_semaphore(%arg14 : memref<!tpu.dma_semaphore, #tpu.memory_space<semaphore_mem>>)
      %dma_wait3A_103 = arith.constant 0 : i32
      %dma_wait3A_104 = arith.constant 0 : i32
      %dma_wait3A_105 = tpu.memref_slice %arg2[%dma_wait3A_103, %dma_wait3A_104] : memref<21000x128xf32, #tpu.memory_space<hbm>> -> memref<21000x128xf32, #tpu.memory_space<hbm>>
      tpu.wait_indirect_dma semaphore(%arg17 : memref<!tpu.dma_semaphore, #tpu.memory_space<semaphore_mem>>) src(%dma_wait3A_105 : memref<21000x128xf32, #tpu.memory_space<hbm>>) dst(%arg12 : memref<128x128xf32, #tpu.memory_space<vmem>>)
      %dma_start3A_106 = arith.constant 0 : i32
      %dma_start3A_107 = arith.constant 0 : i32
      %dma_start3A_108 = tpu.memref_slice %arg13[%dma_start3A_106, %dma_start3A_107] : memref<10000x128xf32, #tpu.memory_space<vmem_shared>> -> memref<10000x128xf32, #tpu.memory_space<vmem_shared>>
      tpu.enqueue_indirect_dma source(%arg12 : memref<128x128xf32, #tpu.memory_space<vmem>>) target(%dma_start3A_108 : memref<10000x128xf32, #tpu.memory_space<vmem_shared>>) offsets(%arg10 : memref<128xi32, #tpu.memory_space<vmem>>) semaphore(%arg19 : memref<!tpu.dma_semaphore, #tpu.memory_space<semaphore_mem>>) {add = true}
      %add3A_109 = arith.constant 2 : i32
      %add3A_110 = arith.addi %mul3A_66, %add3A_109 : i32
      %mul3A_111 = arith.constant 128 : i32
      %mul3A_112 = arith.muli %add3A_110, %mul3A_111 : i32
      %add3A_113 = arith.addi %add3A, %mul3A_112 : i32
      %dma_wait3A_114 = tpu.memref_slice %arg3[%add3A_113] : memref<328192xi32, #tpu.memory_space<hbm>> -> memref<128xi32, #tpu.memory_space<hbm>>
      %dma_wait3A_115 = tpu.memref_slice %arg3[%add3A_113] : memref<328192xi32, #tpu.memory_space<hbm>> -> memref<128xi32, #tpu.memory_space<hbm>>
      tpu.wait_dma2 semaphore(%arg14 : memref<!tpu.dma_semaphore, #tpu.memory_space<semaphore_mem>>) src(%dma_wait3A_115 : memref<128xi32, #tpu.memory_space<hbm>>) dst(%arg7 : memref<128xi32, #tpu.memory_space<vmem>>)
      %mul3A_116 = arith.constant 128 : i32
      %mul3A_117 = arith.muli %add3A_110, %mul3A_116 : i32
      %add3A_118 = arith.addi %mul3A_6, %mul3A_117 : i32
      %dma_wait3A_119 = tpu.memref_slice %arg4[%add3A_118] : memref<164096xi32, #tpu.memory_space<hbm>> -> memref<128xi32, #tpu.memory_space<hbm>>
      %dma_wait3A_120 = tpu.memref_slice %arg4[%add3A_118] : memref<164096xi32, #tpu.memory_space<hbm>> -> memref<128xi32, #tpu.memory_space<hbm>>
      tpu.wait_dma2 semaphore(%arg14 : memref<!tpu.dma_semaphore, #tpu.memory_space<semaphore_mem>>) src(%dma_wait3A_120 : memref<128xi32, #tpu.memory_space<hbm>>) dst(%arg9 : memref<128xi32, #tpu.memory_space<vmem>>)
      %dma_start3A_121 = arith.constant 0 : i32
      %dma_start3A_122 = arith.constant 0 : i32
      %dma_start3A_123 = tpu.memref_slice %arg2[%dma_start3A_121, %dma_start3A_122] : memref<21000x128xf32, #tpu.memory_space<hbm>> -> memref<21000x128xf32, #tpu.memory_space<hbm>>
      tpu.enqueue_indirect_dma source(%dma_start3A_123 : memref<21000x128xf32, #tpu.memory_space<hbm>>) target(%arg11 : memref<128x128xf32, #tpu.memory_space<vmem>>) offsets(%arg7 : memref<128xi32, #tpu.memory_space<vmem>>) semaphore(%arg16 : memref<!tpu.dma_semaphore, #tpu.memory_space<semaphore_mem>>)
      %dma_wait3A_124 = arith.constant 0 : i32
      %dma_wait3A_125 = arith.constant 0 : i32
      %dma_wait3A_126 = tpu.memref_slice %arg13[%dma_wait3A_124, %dma_wait3A_125] : memref<10000x128xf32, #tpu.memory_space<vmem_shared>> -> memref<10000x128xf32, #tpu.memory_space<vmem_shared>>
      tpu.wait_indirect_dma semaphore(%arg19 : memref<!tpu.dma_semaphore, #tpu.memory_space<semaphore_mem>>) src(%arg12 : memref<128x128xf32, #tpu.memory_space<vmem>>) dst(%dma_wait3A_126 : memref<10000x128xf32, #tpu.memory_space<vmem_shared>>)
      %add3A_127 = arith.constant 2 : i32
      %add3A_128 = arith.addi %add3A_68, %add3A_127 : i32
      %mul3A_129 = arith.constant 128 : i32
      %mul3A_130 = arith.muli %add3A_128, %mul3A_129 : i32
      %add3A_131 = arith.addi %add3A, %mul3A_130 : i32
      %dma_start3A_132 = tpu.memref_slice %arg3[%add3A_131] : memref<328192xi32, #tpu.memory_space<hbm>> -> memref<128xi32, #tpu.memory_space<hbm>>
      %dma_start3A_133 = tpu.memref_slice %arg3[%add3A_131] : memref<328192xi32, #tpu.memory_space<hbm>> -> memref<128xi32, #tpu.memory_space<hbm>>
      tpu.enqueue_dma source(%dma_start3A_133 : memref<128xi32, #tpu.memory_space<hbm>>) target(%arg8 : memref<128xi32, #tpu.memory_space<vmem>>) target_semaphore(%arg15 : memref<!tpu.dma_semaphore, #tpu.memory_space<semaphore_mem>>)
      %mul3A_134 = arith.constant 128 : i32
      %mul3A_135 = arith.muli %add3A_128, %mul3A_134 : i32
      %add3A_136 = arith.addi %mul3A_6, %mul3A_135 : i32
      %dma_start3A_137 = tpu.memref_slice %arg4[%add3A_136] : memref<164096xi32, #tpu.memory_space<hbm>> -> memref<128xi32, #tpu.memory_space<hbm>>
      %dma_start3A_138 = tpu.memref_slice %arg4[%add3A_136] : memref<164096xi32, #tpu.memory_space<hbm>> -> memref<128xi32, #tpu.memory_space<hbm>>
      tpu.enqueue_dma source(%dma_start3A_138 : memref<128xi32, #tpu.memory_space<hbm>>) target(%arg10 : memref<128xi32, #tpu.memory_space<vmem>>) target_semaphore(%arg15 : memref<!tpu.dma_semaphore, #tpu.memory_space<semaphore_mem>>)
    }
    %scan3A_37 = arith.constant 40 : i32
    %dma_wait3A_38 = arith.constant 0 : i32
    %dma_wait3A_39 = arith.constant 0 : i32
    %dma_wait3A_40 = tpu.memref_slice %arg2[%dma_wait3A_38, %dma_wait3A_39] : memref<21000x128xf32, #tpu.memory_space<hbm>> -> memref<21000x128xf32, #tpu.memory_space<hbm>>
    tpu.wait_indirect_dma semaphore(%arg16 : memref<!tpu.dma_semaphore, #tpu.memory_space<semaphore_mem>>) src(%dma_wait3A_40 : memref<21000x128xf32, #tpu.memory_space<hbm>>) dst(%arg11 : memref<128x128xf32, #tpu.memory_space<vmem>>)
    %add3A_41 = arith.constant 10368 : i32
    %add3A_42 = arith.addi %add3A, %add3A_41 : i32
    %dma_wait3A_43 = tpu.memref_slice %arg3[%add3A_42] : memref<328192xi32, #tpu.memory_space<hbm>> -> memref<128xi32, #tpu.memory_space<hbm>>
    %dma_wait3A_44 = tpu.memref_slice %arg3[%add3A_42] : memref<328192xi32, #tpu.memory_space<hbm>> -> memref<128xi32, #tpu.memory_space<hbm>>
    tpu.wait_dma2 semaphore(%arg15 : memref<!tpu.dma_semaphore, #tpu.memory_space<semaphore_mem>>) src(%dma_wait3A_44 : memref<128xi32, #tpu.memory_space<hbm>>) dst(%arg8 : memref<128xi32, #tpu.memory_space<vmem>>)
    %add3A_45 = arith.constant 10368 : i32
    %add3A_46 = arith.addi %mul3A_6, %add3A_45 : i32
    %dma_wait3A_47 = tpu.memref_slice %arg4[%add3A_46] : memref<164096xi32, #tpu.memory_space<hbm>> -> memref<128xi32, #tpu.memory_space<hbm>>
    %dma_wait3A_48 = tpu.memref_slice %arg4[%add3A_46] : memref<164096xi32, #tpu.memory_space<hbm>> -> memref<128xi32, #tpu.memory_space<hbm>>
    tpu.wait_dma2 semaphore(%arg15 : memref<!tpu.dma_semaphore, #tpu.memory_space<semaphore_mem>>) src(%dma_wait3A_48 : memref<128xi32, #tpu.memory_space<hbm>>) dst(%arg10 : memref<128xi32, #tpu.memory_space<vmem>>)
    %barrier3A_49 = arith.constant 0 : index
    tpu.barrier barrier_id(%barrier3A_49)
    %lt3A_50 = arith.constant 15 : i32
    %lt3A_51 = arith.cmpi slt, %arg1, %lt3A_50 : i32
    %convert_element_type3A_52 = arith.extui %lt3A_51 : i1 to i32
    %cond3A_53 = arith.constant 0 : i32
    %cond3A_54 = arith.cmpi ne, %convert_element_type3A_52, %cond3A_53 : i32
    scf.if %cond3A_54 {
      %mul3A_60 = arith.constant 640 : i32
      %mul3A_61 = arith.muli %arg1, %mul3A_60 : i32
      %mul3A_62 = arith.constant 10000 : i32
      %mul3A_63 = arith.muli %arg0, %mul3A_62 : i32
      %mul3A_64 = arith.constant 640 : i32
      %mul3A_65 = arith.muli %arg1, %mul3A_64 : i32
      %add3A_66 = arith.addi %mul3A_63, %mul3A_65 : i32
      "tpu.region"() ({
        %run_scoped3A = tpu.sem_alloc : memref<!tpu.dma_semaphore, #tpu.memory_space<semaphore_mem>>
        %dma_start3A_67 = arith.constant 0 : i32
        %dma_start3A_68 = tpu.memref_slice %arg6[%add3A_66, %dma_start3A_67] : memref<20000x128xf32, #tpu.memory_space<hbm>> -> memref<640x128xf32, #tpu.memory_space<hbm>>
        %dma_start3A_69 = arith.constant 0 : i32
        %dma_start3A_70 = tpu.memref_slice %arg13[%mul3A_61, %dma_start3A_69] : memref<10000x128xf32, #tpu.memory_space<vmem_shared>> -> memref<640x128xf32, #tpu.memory_space<vmem_shared>>
        tpu.enqueue_dma source(%dma_start3A_70 : memref<640x128xf32, #tpu.memory_space<vmem_shared>>) target(%dma_start3A_68 : memref<640x128xf32, #tpu.memory_space<hbm>>) target_semaphore(%run_scoped3A : memref<!tpu.dma_semaphore, #tpu.memory_space<semaphore_mem>>)
        %dma_wait3A_71 = arith.constant 0 : i32
        %dma_wait3A_72 = tpu.memref_slice %arg6[%add3A_66, %dma_wait3A_71] : memref<20000x128xf32, #tpu.memory_space<hbm>> -> memref<640x128xf32, #tpu.memory_space<hbm>>
        %dma_wait3A_73 = arith.constant 0 : i32
        %dma_wait3A_74 = tpu.memref_slice %arg13[%mul3A_61, %dma_wait3A_73] : memref<10000x128xf32, #tpu.memory_space<vmem_shared>> -> memref<640x128xf32, #tpu.memory_space<vmem_shared>>
        tpu.wait_dma2 semaphore(%run_scoped3A : memref<!tpu.dma_semaphore, #tpu.memory_space<semaphore_mem>>) src(%dma_wait3A_74 : memref<640x128xf32, #tpu.memory_space<vmem_shared>>) dst(%dma_wait3A_72 : memref<640x128xf32, #tpu.memory_space<hbm>>)
        tpu.yield
      }) : () -> ()
    } else {
    }
    %eq3A_55 = arith.constant 15 : i32
    %eq3A_56 = arith.cmpi eq, %arg1, %eq3A_55 : i32
    %convert_element_type3A_57 = arith.extui %eq3A_56 : i1 to i32
    %cond3A_58 = arith.constant 0 : i32
    %cond3A_59 = arith.cmpi ne, %convert_element_type3A_57, %cond3A_58 : i32
    scf.if %cond3A_59 {
      %mul3A_60 = arith.constant 10000 : i32
      %mul3A_61 = arith.muli %arg0, %mul3A_60 : i32
      %add3A_62 = arith.constant 9600 : i32
      %add3A_63 = arith.addi %mul3A_61, %add3A_62 : i32
      "tpu.region"() ({
        %run_scoped3A = tpu.sem_alloc : memref<!tpu.dma_semaphore, #tpu.memory_space<semaphore_mem>>
        %dma_start3A_64 = arith.constant 0 : i32
        %dma_start3A_65 = tpu.memref_slice %arg6[%add3A_63, %dma_start3A_64] : memref<20000x128xf32, #tpu.memory_space<hbm>> -> memref<400x128xf32, #tpu.memory_space<hbm>>
        %dma_start3A_66 = arith.constant 9600 : i32
        %dma_start3A_67 = arith.constant 0 : i32
        %dma_start3A_68 = tpu.memref_slice %arg13[%dma_start3A_66, %dma_start3A_67] : memref<10000x128xf32, #tpu.memory_space<vmem_shared>> -> memref<400x128xf32, #tpu.memory_space<vmem_shared>>
        tpu.enqueue_dma source(%dma_start3A_68 : memref<400x128xf32, #tpu.memory_space<vmem_shared>>) target(%dma_start3A_65 : memref<400x128xf32, #tpu.memory_space<hbm>>) target_semaphore(%run_scoped3A : memref<!tpu.dma_semaphore, #tpu.memory_space<semaphore_mem>>)
        %dma_wait3A_69 = arith.constant 0 : i32
        %dma_wait3A_70 = tpu.memref_slice %arg6[%add3A_63, %dma_wait3A_69] : memref<20000x128xf32, #tpu.memory_space<hbm>> -> memref<400x128xf32, #tpu.memory_space<hbm>>
        %dma_wait3A_71 = arith.constant 9600 : i32
        %dma_wait3A_72 = arith.constant 0 : i32
        %dma_wait3A_73 = tpu.memref_slice %arg13[%dma_wait3A_71, %dma_wait3A_72] : memref<10000x128xf32, #tpu.memory_space<vmem_shared>> -> memref<400x128xf32, #tpu.memory_space<vmem_shared>>
        tpu.wait_dma2 semaphore(%run_scoped3A : memref<!tpu.dma_semaphore, #tpu.memory_space<semaphore_mem>>) src(%dma_wait3A_73 : memref<400x128xf32, #tpu.memory_space<vmem_shared>>) dst(%dma_wait3A_70 : memref<400x128xf32, #tpu.memory_space<hbm>>)
        tpu.yield
      }) : () -> ()
    } else {
    }
    return
  }
}

module attributes {stable_mosaic.version = 14 : i64} {
  func.func @_mm_body(%arg0: i32, %arg1: memref<1000x256xf32, #tpu.memory_space<vmem>>, %arg2: memref<256x256xf32, #tpu.memory_space<vmem>>, %arg3: memref<1000x256xf32, #tpu.memory_space<vmem>>) attributes {dimension_semantics = [#tpu.dimension_semantics<arbitrary>], iteration_bounds = array<i64: 10>, scalar_prefetch = 0 : i64, scratch_operands = 0 : i64, tpu.core_type = #tpu.core_type<tc>, window_params = [{transform_indices = @transform_0, window_bounds = array<i64: 1000, 256>}, {pipeline_mode = #tpu.pipeline_mode<synchronous>, transform_indices = @transform_1, window_bounds = array<i64: 256, 256>}, {transform_indices = @transform_2, window_bounds = array<i64: 1000, 256>}]} {
    %get3A = arith.constant 0 : index
    %get3A_0 = arith.constant 0 : index
    %get3A_1 = vector.load %arg1[%get3A, %get3A_0] : memref<1000x256xf32, #tpu.memory_space<vmem>>, vector<1000x256xf32>
    %convert_element_type3A = arith.truncf %get3A_1 : vector<1000x256xf32> to vector<1000x256xbf16>
    %get3A_2 = arith.constant 0 : index
    %get3A_3 = arith.constant 0 : index
    %get3A_4 = vector.load %arg2[%get3A_2, %get3A_3] : memref<256x256xf32, #tpu.memory_space<vmem>>, vector<256x256xf32>
    %convert_element_type3A_5 = arith.truncf %get3A_4 : vector<256x256xf32> to vector<256x256xbf16>
    %dot_general3A = arith.constant dense<0.000000e+00> : vector<1000x256xf32>
    %dot_general3A_6 = tpu.matmul %convert_element_type3A, %convert_element_type3A_5, %dot_general3A {dimension_numbers = #tpu.dot_dimension_numbers<[1], [0], [0], [1], [0, 0, 1, 1], [], []>, transpose_lhs_hint = false} : vector<1000x256xbf16>, vector<256x256xbf16>, vector<1000x256xf32> -> vector<1000x256xf32>
    %swap3A = arith.constant 0 : index
    %swap3A_7 = arith.constant 0 : index
    %swap3A_8 = vector.load %arg3[%swap3A, %swap3A_7] : memref<1000x256xf32, #tpu.memory_space<vmem>>, vector<1000x256xf32>
    tpu.vector_store %arg3[%swap3A, %swap3A_7], %dot_general3A_6 {strides = array<i32>} : memref<1000x256xf32, #tpu.memory_space<vmem>>, vector<1000x256xf32>,
    return
  }
  func.func @transform_0(%arg0: i32) -> (i32, i32) {
    %c0_i32 = arith.constant 0 : i32
    %c0_i32_0 = arith.constant 0 : i32
    return %arg0, %c0_i32 : i32, i32
  }
  func.func @transform_1(%arg0: i32) -> (i32, i32) {
    %c0_i32 = arith.constant 0 : i32
    %c0_i32_0 = arith.constant 0 : i32
    %c0_i32_1 = arith.constant 0 : i32
    return %c0_i32, %c0_i32_0 : i32, i32
  }
  func.func @transform_2(%arg0: i32) -> (i32, i32) {
    %c0_i32 = arith.constant 0 : i32
    %c0_i32_0 = arith.constant 0 : i32
    return %arg0, %c0_i32 : i32, i32
  }
}

module attributes {stable_mosaic.version = 14 : i64} {
  func.func @_scale_split_body(%arg0: i32, %arg1: i32, %arg2: memref<1000x128xf32, #tpu.memory_space<vmem>>, %arg3: memref<1000x1xf32, #tpu.memory_space<vmem>>, %arg4: memref<1000x128xf32, #tpu.memory_space<vmem>>) attributes {dimension_semantics = [#tpu.dimension_semantics<arbitrary>, #tpu.dimension_semantics<arbitrary>], iteration_bounds = array<i64: 10, 3>, scalar_prefetch = 0 : i64, scratch_operands = 0 : i64, tpu.core_type = #tpu.core_type<tc>, window_params = [{transform_indices = @transform_0, window_bounds = array<i64: 1000, 128>}, {transform_indices = @transform_1, window_bounds = array<i64: 1000, 1>}, {transform_indices = @transform_2, window_bounds = array<i64: 1000, 128>}]} {
    %eq3A = arith.constant 2 : i32
    %eq3A_0 = arith.cmpi eq, %arg1, %eq3A : i32
    %get3A = arith.constant 0 : index
    %get3A_1 = arith.constant 0 : index
    %get3A_2 = vector.load %arg2[%get3A, %get3A_1] : memref<1000x128xf32, #tpu.memory_space<vmem>>, vector<1000x128xf32>
    %get3A_3 = arith.constant 0 : index
    %get3A_4 = arith.constant 0 : index
    %get3A_5 = vector.load %arg3[%get3A_3, %get3A_4] : memref<1000x1xf32, #tpu.memory_space<vmem>>, vector<1000x1xf32>
    %gt3A = arith.constant 0.000000e+00 : f32
    %gt3A_6 = vector.broadcast %gt3A : f32 to vector<1000x1xf32>
    %gt3A_7 = arith.cmpf ogt, %get3A_5, %gt3A_6 : vector<1000x1xf32>
    %max3A = arith.constant 9.99999996E-13 : f32
    %max3A_8 = vector.broadcast %max3A : f32 to vector<1000x1xf32>
    %max3A_9 = arith.maximumf %get3A_5, %max3A_8 : vector<1000x1xf32>
    %rsqrt3A = math.rsqrt %max3A_9 : vector<1000x1xf32>
    %jit3A = arith.constant 0.000000e+00 : f32
    %broadcast_in_dim3A = vector.broadcast %jit3A : f32 to vector<1000x1xf32>
    %select_n3A = arith.select %gt3A_7, %rsqrt3A, %broadcast_in_dim3A : vector<1000x1xi1>, vector<1000x1xf32>
    %mul3A = vector.broadcast %select_n3A : vector<1000x1xf32> to vector<1000x128xf32>
    %mul3A_10 = arith.mulf %get3A_2, %mul3A : vector<1000x128xf32>
    %jit3A_11 = arith.constant 0.000000e+00 : f32
    %broadcast_in_dim3A_12 = vector.broadcast %jit3A_11 : f32 to vector<1000x128xf32>
    %select_n3A_13 = arith.select %eq3A_0, %broadcast_in_dim3A_12, %mul3A_10 : vector<1000x128xf32>
    %swap3A = arith.constant 0 : index
    %swap3A_14 = arith.constant 0 : index
    %swap3A_15 = vector.load %arg4[%swap3A, %swap3A_14] : memref<1000x128xf32, #tpu.memory_space<vmem>>, vector<1000x128xf32>
    tpu.vector_store %arg4[%swap3A, %swap3A_14], %select_n3A_13 {strides = array<i32>} : memref<1000x128xf32, #tpu.memory_space<vmem>>, vector<1000x128xf32>,
    return
  }
  func.func @transform_0(%arg0: i32, %arg1: i32) -> (i32, i32) {
    %min3A = arith.constant 1 : i32
    %min3A_0 = arith.minsi %arg1, %min3A : i32
    %c0_i32 = arith.constant 0 : i32
    return %arg0, %min3A_0 : i32, i32
  }
  func.func @transform_1(%arg0: i32, %arg1: i32) -> (i32, i32) {
    %c0_i32 = arith.constant 0 : i32
    %c0_i32_0 = arith.constant 0 : i32
    return %arg0, %c0_i32 : i32, i32
  }
  func.func @transform_2(%arg0: i32, %arg1: i32) -> (i32, i32) {
    %mul3A = arith.constant 10 : i32
    %mul3A_0 = arith.muli %arg1, %mul3A : i32
    %add3A = arith.addi %mul3A_0, %arg0 : i32
    %min3A = arith.constant 20 : i32
    %min3A_1 = arith.minsi %add3A, %min3A : i32
    %c0_i32 = arith.constant 0 : i32
    %c0_i32_2 = arith.constant 0 : i32
    return %min3A_1, %c0_i32 : i32, i32
  }
}

module attributes {stable_mosaic.version = 14 : i64} {
  func.func @_layer_body(%arg0: i32, %arg1: i32, %arg2: memref<1000x128xf32, #tpu.memory_space<vmem>>, %arg3: memref<1000x128xf32, #tpu.memory_space<vmem>>, %arg4: memref<1000x1xf32, #tpu.memory_space<vmem>>, %arg5: memref<1000x1xf32, #tpu.memory_space<vmem>>, %arg6: memref<1x256xf32, #tpu.memory_space<vmem>>, %arg7: memref<256x128xf32, #tpu.memory_space<vmem>>, %arg8: memref<1000x128xf32, #tpu.memory_space<vmem>>) attributes {dimension_semantics = [#tpu.dimension_semantics<arbitrary>, #tpu.dimension_semantics<arbitrary>], iteration_bounds = array<i64: 10, 3>, scalar_prefetch = 0 : i64, scratch_operands = 0 : i64, tpu.core_type = #tpu.core_type<tc>, window_params = [{transform_indices = @transform_0, window_bounds = array<i64: 1000, 128>}, {transform_indices = @transform_1, window_bounds = array<i64: 1000, 128>}, {transform_indices = @transform_2, window_bounds = array<i64: 1000, 1>}, {transform_indices = @transform_3, window_bounds = array<i64: 1000, 1>}, {pipeline_mode = #tpu.pipeline_mode<synchronous>, transform_indices = @transform_4, window_bounds = array<i64: 1, 256>}, {transform_indices = @transform_5, window_bounds = array<i64: 256, 128>}, {transform_indices = @transform_6, window_bounds = array<i64: 1000, 128>}]} {
    %get3A = arith.constant 0 : index
    %get3A_0 = arith.constant 0 : index
    %get3A_1 = vector.load %arg5[%get3A, %get3A_0] : memref<1000x1xf32, #tpu.memory_space<vmem>>, vector<1000x1xf32>
    %gt3A = arith.constant 0.000000e+00 : f32
    %gt3A_2 = vector.broadcast %gt3A : f32 to vector<1000x1xf32>
    %gt3A_3 = arith.cmpf ogt, %get3A_1, %gt3A_2 : vector<1000x1xf32>
    %max3A = arith.constant 9.99999996E-13 : f32
    %max3A_4 = vector.broadcast %max3A : f32 to vector<1000x1xf32>
    %max3A_5 = arith.maximumf %get3A_1, %max3A_4 : vector<1000x1xf32>
    %rsqrt3A = math.rsqrt %max3A_5 : vector<1000x1xf32>
    %jit3A = arith.constant 0.000000e+00 : f32
    %broadcast_in_dim3A = vector.broadcast %jit3A : f32 to vector<1000x1xf32>
    %select_n3A = arith.select %gt3A_3, %rsqrt3A, %broadcast_in_dim3A : vector<1000x1xi1>, vector<1000x1xf32>
    %get3A_6 = arith.constant 0 : index
    %get3A_7 = arith.constant 0 : index
    %get3A_8 = vector.load %arg4[%get3A_6, %get3A_7] : memref<1000x1xf32, #tpu.memory_space<vmem>>, vector<1000x1xf32>
    %gt3A_9 = arith.constant 0.000000e+00 : f32
    %gt3A_10 = vector.broadcast %gt3A_9 : f32 to vector<1000x1xf32>
    %gt3A_11 = arith.cmpf ogt, %get3A_8, %gt3A_10 : vector<1000x1xf32>
    %max3A_12 = arith.constant 9.99999996E-13 : f32
    %max3A_13 = vector.broadcast %max3A_12 : f32 to vector<1000x1xf32>
    %max3A_14 = arith.maximumf %get3A_8, %max3A_13 : vector<1000x1xf32>
    %rsqrt3A_15 = math.rsqrt %max3A_14 : vector<1000x1xf32>
    %jit3A_16 = arith.constant 0.000000e+00 : f32
    %broadcast_in_dim3A_17 = vector.broadcast %jit3A_16 : f32 to vector<1000x1xf32>
    %select_n3A_18 = arith.select %gt3A_11, %rsqrt3A_15, %broadcast_in_dim3A_17 : vector<1000x1xi1>, vector<1000x1xf32>
    %get3A_19 = arith.constant 0 : index
    %get3A_20 = arith.constant 0 : index
    %get3A_21 = vector.load %arg2[%get3A_19, %get3A_20] : memref<1000x128xf32, #tpu.memory_space<vmem>>, vector<1000x128xf32>
    %get3A_22 = arith.constant 0 : index
    %get3A_23 = arith.constant 0 : index
    %get3A_24 = vector.load %arg3[%get3A_22, %get3A_23] : memref<1000x128xf32, #tpu.memory_space<vmem>>, vector<1000x128xf32>
    %concatenate3A = tpu.concatenate %get3A_21, %get3A_24 in 1 : vector<1000x128xf32>, vector<1000x128xf32> -> vector<1000x256xf32>
    %mul3A = vector.broadcast %select_n3A : vector<1000x1xf32> to vector<1000x256xf32>
    %mul3A_25 = arith.mulf %concatenate3A, %mul3A : vector<1000x256xf32>
    %get3A_26 = arith.constant 0 : index
    %get3A_27 = arith.constant 0 : index
    %get3A_28 = vector.load %arg6[%get3A_26, %get3A_27] : memref<1x256xf32, #tpu.memory_space<vmem>>, vector<1x256xf32>
    %add3A = vector.broadcast %get3A_28 : vector<1x256xf32> to vector<1000x256xf32>
    %add3A_29 = arith.addf %mul3A_25, %add3A : vector<1000x256xf32>
    %max3A_30 = arith.constant 0.000000e+00 : f32
    %max3A_31 = vector.broadcast %max3A_30 : f32 to vector<1000x256xf32>
    %max3A_32 = arith.maximumf %add3A_29, %max3A_31 : vector<1000x256xf32>
    %convert_element_type3A = arith.truncf %max3A_32 : vector<1000x256xf32> to vector<1000x256xbf16>
    %get3A_33 = arith.constant 0 : index
    %get3A_34 = arith.constant 0 : index
    %get3A_35 = vector.load %arg7[%get3A_33, %get3A_34] : memref<256x128xf32, #tpu.memory_space<vmem>>, vector<256x128xf32>
    %convert_element_type3A_36 = arith.truncf %get3A_35 : vector<256x128xf32> to vector<256x128xbf16>
    %dot_general3A = arith.constant dense<0.000000e+00> : vector<1000x128xf32>
    %dot_general3A_37 = tpu.matmul %convert_element_type3A, %convert_element_type3A_36, %dot_general3A {dimension_numbers = #tpu.dot_dimension_numbers<[1], [0], [0], [1], [0, 0, 1, 1], [], []>, transpose_lhs_hint = false} : vector<1000x256xbf16>, vector<256x128xbf16>, vector<1000x128xf32> -> vector<1000x128xf32>
    %mul3A_38 = vector.broadcast %select_n3A_18 : vector<1000x1xf32> to vector<1000x128xf32>
    %mul3A_39 = arith.mulf %dot_general3A_37, %mul3A_38 : vector<1000x128xf32>
    %eq3A = arith.constant 2 : i32
    %eq3A_40 = arith.cmpi eq, %arg1, %eq3A : i32
    %jit3A_41 = arith.constant 0.000000e+00 : f32
    %broadcast_in_dim3A_42 = vector.broadcast %jit3A_41 : f32 to vector<1000x128xf32>
    %select_n3A_43 = arith.select %eq3A_40, %broadcast_in_dim3A_42, %mul3A_39 : vector<1000x128xf32>
    %swap3A = arith.constant 0 : index
    %swap3A_44 = arith.constant 0 : index
    %swap3A_45 = vector.load %arg8[%swap3A, %swap3A_44] : memref<1000x128xf32, #tpu.memory_space<vmem>>, vector<1000x128xf32>
    tpu.vector_store %arg8[%swap3A, %swap3A_44], %select_n3A_43 {strides = array<i32>} : memref<1000x128xf32, #tpu.memory_space<vmem>>, vector<1000x128xf32>,
    return
  }
  func.func @transform_0(%arg0: i32, %arg1: i32) -> (i32, i32) {
    %c0_i32 = arith.constant 0 : i32
    %c0_i32_0 = arith.constant 0 : i32
    return %arg0, %c0_i32 : i32, i32
  }
  func.func @transform_1(%arg0: i32, %arg1: i32) -> (i32, i32) {
    %add3A = arith.constant 10 : i32
    %add3A_0 = arith.addi %add3A, %arg0 : i32
    %c0_i32 = arith.constant 0 : i32
    %c0_i32_1 = arith.constant 0 : i32
    return %add3A_0, %c0_i32 : i32, i32
  }
  func.func @transform_2(%arg0: i32, %arg1: i32) -> (i32, i32) {
    %c0_i32 = arith.constant 0 : i32
    %c0_i32_0 = arith.constant 0 : i32
    return %arg0, %c0_i32 : i32, i32
  }
  func.func @transform_3(%arg0: i32, %arg1: i32) -> (i32, i32) {
    %add3A = arith.constant 10 : i32
    %add3A_0 = arith.addi %add3A, %arg0 : i32
    %c0_i32 = arith.constant 0 : i32
    %c0_i32_1 = arith.constant 0 : i32
    return %add3A_0, %c0_i32 : i32, i32
  }
  func.func @transform_4(%arg0: i32, %arg1: i32) -> (i32, i32) {
    %c0_i32 = arith.constant 0 : i32
    %c0_i32_0 = arith.constant 0 : i32
    %c0_i32_1 = arith.constant 0 : i32
    return %c0_i32, %c0_i32_0 : i32, i32
  }
  func.func @transform_5(%arg0: i32, %arg1: i32) -> (i32, i32) {
    %min3A = arith.constant 1 : i32
    %min3A_0 = arith.minsi %arg1, %min3A : i32
    %c0_i32 = arith.constant 0 : i32
    %c0_i32_1 = arith.constant 0 : i32
    return %c0_i32, %min3A_0 : i32, i32
  }
  func.func @transform_6(%arg0: i32, %arg1: i32) -> (i32, i32) {
    %mul3A = arith.constant 10 : i32
    %mul3A_0 = arith.muli %arg1, %mul3A : i32
    %add3A = arith.addi %mul3A_0, %arg0 : i32
    %min3A = arith.constant 20 : i32
    %min3A_1 = arith.minsi %add3A, %min3A : i32
    %c0_i32 = arith.constant 0 : i32
    %c0_i32_2 = arith.constant 0 : i32
    return %min3A_1, %c0_i32 : i32, i32
  }
}

module attributes {stable_mosaic.version = 14 : i64} {
  func.func @_layer3_body(%arg0: i32, %arg1: memref<1000x128xf32, #tpu.memory_space<vmem>>, %arg2: memref<1000x128xf32, #tpu.memory_space<vmem>>, %arg3: memref<1000x1xf32, #tpu.memory_space<vmem>>, %arg4: memref<1000x1xf32, #tpu.memory_space<vmem>>, %arg5: memref<1x256xf32, #tpu.memory_space<vmem>>, %arg6: memref<256x128xf32, #tpu.memory_space<vmem>>, %arg7: memref<1000x128xf32, #tpu.memory_space<vmem>>) attributes {dimension_semantics = [#tpu.dimension_semantics<arbitrary>], iteration_bounds = array<i64: 11>, scalar_prefetch = 0 : i64, scratch_operands = 0 : i64, tpu.core_type = #tpu.core_type<tc>, window_params = [{transform_indices = @transform_0, window_bounds = array<i64: 1000, 128>}, {transform_indices = @transform_1, window_bounds = array<i64: 1000, 128>}, {transform_indices = @transform_2, window_bounds = array<i64: 1000, 1>}, {transform_indices = @transform_3, window_bounds = array<i64: 1000, 1>}, {pipeline_mode = #tpu.pipeline_mode<synchronous>, transform_indices = @transform_4, window_bounds = array<i64: 1, 256>}, {pipeline_mode = #tpu.pipeline_mode<synchronous>, transform_indices = @transform_5, window_bounds = array<i64: 256, 128>}, {transform_indices = @transform_6, window_bounds = array<i64: 1000, 128>}]} {
    %get3A = arith.constant 0 : index
    %get3A_0 = arith.constant 0 : index
    %get3A_1 = vector.load %arg4[%get3A, %get3A_0] : memref<1000x1xf32, #tpu.memory_space<vmem>>, vector<1000x1xf32>
    %gt3A = arith.constant 0.000000e+00 : f32
    %gt3A_2 = vector.broadcast %gt3A : f32 to vector<1000x1xf32>
    %gt3A_3 = arith.cmpf ogt, %get3A_1, %gt3A_2 : vector<1000x1xf32>
    %max3A = arith.constant 9.99999996E-13 : f32
    %max3A_4 = vector.broadcast %max3A : f32 to vector<1000x1xf32>
    %max3A_5 = arith.maximumf %get3A_1, %max3A_4 : vector<1000x1xf32>
    %rsqrt3A = math.rsqrt %max3A_5 : vector<1000x1xf32>
    %jit3A = arith.constant 0.000000e+00 : f32
    %broadcast_in_dim3A = vector.broadcast %jit3A : f32 to vector<1000x1xf32>
    %select_n3A = arith.select %gt3A_3, %rsqrt3A, %broadcast_in_dim3A : vector<1000x1xi1>, vector<1000x1xf32>
    %get3A_6 = arith.constant 0 : index
    %get3A_7 = arith.constant 0 : index
    %get3A_8 = vector.load %arg3[%get3A_6, %get3A_7] : memref<1000x1xf32, #tpu.memory_space<vmem>>, vector<1000x1xf32>
    %gt3A_9 = arith.constant 0.000000e+00 : f32
    %gt3A_10 = vector.broadcast %gt3A_9 : f32 to vector<1000x1xf32>
    %gt3A_11 = arith.cmpf ogt, %get3A_8, %gt3A_10 : vector<1000x1xf32>
    %max3A_12 = arith.constant 9.99999996E-13 : f32
    %max3A_13 = vector.broadcast %max3A_12 : f32 to vector<1000x1xf32>
    %max3A_14 = arith.maximumf %get3A_8, %max3A_13 : vector<1000x1xf32>
    %rsqrt3A_15 = math.rsqrt %max3A_14 : vector<1000x1xf32>
    %jit3A_16 = arith.constant 0.000000e+00 : f32
    %broadcast_in_dim3A_17 = vector.broadcast %jit3A_16 : f32 to vector<1000x1xf32>
    %select_n3A_18 = arith.select %gt3A_11, %rsqrt3A_15, %broadcast_in_dim3A_17 : vector<1000x1xi1>, vector<1000x1xf32>
    %get3A_19 = arith.constant 0 : index
    %get3A_20 = arith.constant 0 : index
    %get3A_21 = vector.load %arg1[%get3A_19, %get3A_20] : memref<1000x128xf32, #tpu.memory_space<vmem>>, vector<1000x128xf32>
    %get3A_22 = arith.constant 0 : index
    %get3A_23 = arith.constant 0 : index
    %get3A_24 = vector.load %arg2[%get3A_22, %get3A_23] : memref<1000x128xf32, #tpu.memory_space<vmem>>, vector<1000x128xf32>
    %concatenate3A = tpu.concatenate %get3A_21, %get3A_24 in 1 : vector<1000x128xf32>, vector<1000x128xf32> -> vector<1000x256xf32>
    %mul3A = vector.broadcast %select_n3A : vector<1000x1xf32> to vector<1000x256xf32>
    %mul3A_25 = arith.mulf %concatenate3A, %mul3A : vector<1000x256xf32>
    %get3A_26 = arith.constant 0 : index
    %get3A_27 = arith.constant 0 : index
    %get3A_28 = vector.load %arg5[%get3A_26, %get3A_27] : memref<1x256xf32, #tpu.memory_space<vmem>>, vector<1x256xf32>
    %add3A = vector.broadcast %get3A_28 : vector<1x256xf32> to vector<1000x256xf32>
    %add3A_29 = arith.addf %mul3A_25, %add3A : vector<1000x256xf32>
    %max3A_30 = arith.constant 0.000000e+00 : f32
    %max3A_31 = vector.broadcast %max3A_30 : f32 to vector<1000x256xf32>
    %max3A_32 = arith.maximumf %add3A_29, %max3A_31 : vector<1000x256xf32>
    %convert_element_type3A = arith.truncf %max3A_32 : vector<1000x256xf32> to vector<1000x256xbf16>
    %get3A_33 = arith.constant 0 : index
    %get3A_34 = arith.constant 0 : index
    %get3A_35 = vector.load %arg6[%get3A_33, %get3A_34] : memref<256x128xf32, #tpu.memory_space<vmem>>, vector<256x128xf32>
    %convert_element_type3A_36 = arith.truncf %get3A_35 : vector<256x128xf32> to vector<256x128xbf16>
    %dot_general3A = arith.constant dense<0.000000e+00> : vector<1000x128xf32>
    %dot_general3A_37 = tpu.matmul %convert_element_type3A, %convert_element_type3A_36, %dot_general3A {dimension_numbers = #tpu.dot_dimension_numbers<[1], [0], [0], [1], [0, 0, 1, 1], [], []>, transpose_lhs_hint = false} : vector<1000x256xbf16>, vector<256x128xbf16>, vector<1000x128xf32> -> vector<1000x128xf32>
    %mul3A_38 = vector.broadcast %select_n3A_18 : vector<1000x1xf32> to vector<1000x128xf32>
    %mul3A_39 = arith.mulf %dot_general3A_37, %mul3A_38 : vector<1000x128xf32>
    %eq3A = arith.constant 10 : i32
    %eq3A_40 = arith.cmpi eq, %arg0, %eq3A : i32
    %jit3A_41 = arith.constant 0.000000e+00 : f32
    %broadcast_in_dim3A_42 = vector.broadcast %jit3A_41 : f32 to vector<1000x128xf32>
    %select_n3A_43 = arith.select %eq3A_40, %broadcast_in_dim3A_42, %mul3A_39 : vector<1000x128xf32>
    %swap3A = arith.constant 0 : index
    %swap3A_44 = arith.constant 0 : index
    %swap3A_45 = vector.load %arg7[%swap3A, %swap3A_44] : memref<1000x128xf32, #tpu.memory_space<vmem>>, vector<1000x128xf32>
    tpu.vector_store %arg7[%swap3A, %swap3A_44], %select_n3A_43 {strides = array<i32>} : memref<1000x128xf32, #tpu.memory_space<vmem>>, vector<1000x128xf32>,
    return
  }
  func.func @transform_0(%arg0: i32) -> (i32, i32) {
    %min3A = arith.constant 9 : i32
    %min3A_0 = arith.minsi %arg0, %min3A : i32
    %c0_i32 = arith.constant 0 : i32
    %c0_i32_1 = arith.constant 0 : i32
    return %min3A_0, %c0_i32 : i32, i32
  }
  func.func @transform_1(%arg0: i32) -> (i32, i32) {
    %min3A = arith.constant 9 : i32
    %min3A_0 = arith.minsi %arg0, %min3A : i32
    %add3A = arith.constant 10 : i32
    %add3A_1 = arith.addi %add3A, %min3A_0 : i32
    %c0_i32 = arith.constant 0 : i32
    %c0_i32_2 = arith.constant 0 : i32
    return %add3A_1, %c0_i32 : i32, i32
  }
  func.func @transform_2(%arg0: i32) -> (i32, i32) {
    %min3A = arith.constant 9 : i32
    %min3A_0 = arith.minsi %arg0, %min3A : i32
    %c0_i32 = arith.constant 0 : i32
    %c0_i32_1 = arith.constant 0 : i32
    return %min3A_0, %c0_i32 : i32, i32
  }
  func.func @transform_3(%arg0: i32) -> (i32, i32) {
    %min3A = arith.constant 9 : i32
    %min3A_0 = arith.minsi %arg0, %min3A : i32
    %add3A = arith.constant 10 : i32
    %add3A_1 = arith.addi %add3A, %min3A_0 : i32
    %c0_i32 = arith.constant 0 : i32
    %c0_i32_2 = arith.constant 0 : i32
    return %add3A_1, %c0_i32 : i32, i32
  }
  func.func @transform_4(%arg0: i32) -> (i32, i32) {
    %c0_i32 = arith.constant 0 : i32
    %c0_i32_0 = arith.constant 0 : i32
    %c0_i32_1 = arith.constant 0 : i32
    return %c0_i32, %c0_i32_0 : i32, i32
  }
  func.func @transform_5(%arg0: i32) -> (i32, i32) {
    %c0_i32 = arith.constant 0 : i32
    %c0_i32_0 = arith.constant 0 : i32
    %c0_i32_1 = arith.constant 0 : i32
    return %c0_i32, %c0_i32_0 : i32, i32
  }
  func.func @transform_6(%arg0: i32) -> (i32, i32) {
    %c0_i32 = arith.constant 0 : i32
    %c0_i32_0 = arith.constant 0 : i32
    return %arg0, %c0_i32 : i32, i32
  }
}

module attributes {stable_mosaic.version = 14 : i64} {
  func.func @_final_body(%arg0: i32, %arg1: memref<1000x128xf32, #tpu.memory_space<vmem>>, %arg2: memref<1000x128xf32, #tpu.memory_space<vmem>>, %arg3: memref<1000x1xf32, #tpu.memory_space<vmem>>, %arg4: memref<1x128xf32, #tpu.memory_space<vmem>>, %arg5: memref<1000x40xf32, #tpu.memory_space<vmem>>) attributes {dimension_semantics = [#tpu.dimension_semantics<arbitrary>], iteration_bounds = array<i64: 10>, scalar_prefetch = 0 : i64, scratch_operands = 0 : i64, tpu.core_type = #tpu.core_type<tc>, window_params = [{transform_indices = @transform_0, window_bounds = array<i64: 1000, 128>}, {transform_indices = @transform_1, window_bounds = array<i64: 1000, 128>}, {transform_indices = @transform_2, window_bounds = array<i64: 1000, 1>}, {pipeline_mode = #tpu.pipeline_mode<synchronous>, transform_indices = @transform_3, window_bounds = array<i64: 1, 128>}, {transform_indices = @transform_4, window_bounds = array<i64: 1000, 40>}]} {
    %get3A = arith.constant 0 : index
    %get3A_0 = arith.constant 0 : index
    %get3A_1 = vector.load %arg3[%get3A, %get3A_0] : memref<1000x1xf32, #tpu.memory_space<vmem>>, vector<1000x1xf32>
    %gt3A = arith.constant 0.000000e+00 : f32
    %gt3A_2 = vector.broadcast %gt3A : f32 to vector<1000x1xf32>
    %gt3A_3 = arith.cmpf ogt, %get3A_1, %gt3A_2 : vector<1000x1xf32>
    %max3A = arith.constant 9.99999996E-13 : f32
    %max3A_4 = vector.broadcast %max3A : f32 to vector<1000x1xf32>
    %max3A_5 = arith.maximumf %get3A_1, %max3A_4 : vector<1000x1xf32>
    %rsqrt3A = math.rsqrt %max3A_5 : vector<1000x1xf32>
    %jit3A = arith.constant 0.000000e+00 : f32
    %broadcast_in_dim3A = vector.broadcast %jit3A : f32 to vector<1000x1xf32>
    %select_n3A = arith.select %gt3A_3, %rsqrt3A, %broadcast_in_dim3A : vector<1000x1xi1>, vector<1000x1xf32>
    %get3A_6 = arith.constant 0 : index
    %get3A_7 = arith.constant 0 : index
    %get3A_8 = vector.load %arg1[%get3A_6, %get3A_7] : memref<1000x128xf32, #tpu.memory_space<vmem>>, vector<1000x128xf32>
    %get3A_9 = arith.constant 0 : index
    %get3A_10 = arith.constant 0 : index
    %get3A_11 = vector.load %arg2[%get3A_9, %get3A_10] : memref<1000x128xf32, #tpu.memory_space<vmem>>, vector<1000x128xf32>
    %add3A = arith.addf %get3A_8, %get3A_11 : vector<1000x128xf32>
    %mul3A = vector.broadcast %select_n3A : vector<1000x1xf32> to vector<1000x128xf32>
    %mul3A_12 = arith.mulf %add3A, %mul3A : vector<1000x128xf32>
    %get3A_13 = arith.constant 0 : index
    %get3A_14 = arith.constant 0 : index
    %get3A_15 = vector.load %arg4[%get3A_13, %get3A_14] : memref<1x128xf32, #tpu.memory_space<vmem>>, vector<1x128xf32>
    %add3A_16 = vector.broadcast %get3A_15 : vector<1x128xf32> to vector<1000x128xf32>
    %add3A_17 = arith.addf %mul3A_12, %add3A_16 : vector<1000x128xf32>
    %slice3A = vector.extract_strided_slice %add3A_17 {offsets = [0, 0], sizes = [1000, 40], strides = [1, 1]} : vector<1000x128xf32> to vector<1000x40xf32>
    %swap3A = arith.constant 0 : index
    %swap3A_18 = arith.constant 0 : index
    %swap3A_19 = vector.load %arg5[%swap3A, %swap3A_18] : memref<1000x40xf32, #tpu.memory_space<vmem>>, vector<1000x40xf32>
    tpu.vector_store %arg5[%swap3A, %swap3A_18], %slice3A {strides = array<i32>} : memref<1000x40xf32, #tpu.memory_space<vmem>>, vector<1000x40xf32>,
    return
  }
  func.func @transform_0(%arg0: i32) -> (i32, i32) {
    %c0_i32 = arith.constant 0 : i32
    %c0_i32_0 = arith.constant 0 : i32
    return %arg0, %c0_i32 : i32, i32
  }
  func.func @transform_1(%arg0: i32) -> (i32, i32) {
    %add3A = arith.constant 10 : i32
    %add3A_0 = arith.addi %add3A, %arg0 : i32
    %c0_i32 = arith.constant 0 : i32
    %c0_i32_1 = arith.constant 0 : i32
    return %add3A_0, %c0_i32 : i32, i32
  }
  func.func @transform_2(%arg0: i32) -> (i32, i32) {
    %add3A = arith.constant 10 : i32
    %add3A_0 = arith.addi %add3A, %arg0 : i32
    %c0_i32 = arith.constant 0 : i32
    %c0_i32_1 = arith.constant 0 : i32
    return %add3A_0, %c0_i32 : i32, i32
  }
  func.func @transform_3(%arg0: i32) -> (i32, i32) {
    %c0_i32 = arith.constant 0 : i32
    %c0_i32_0 = arith.constant 0 : i32
    %c0_i32_1 = arith.constant 0 : i32
    return %c0_i32, %c0_i32_0 : i32, i32
  }
  func.func @transform_4(%arg0: i32) -> (i32, i32) {
    %c0_i32 = arith.constant 0 : i32
    %c0_i32_0 = arith.constant 0 : i32
    return %arg0, %c0_i32 : i32, i32
  }
}

</mosaic_0001>

<sc_bundles>
// kernel: kernel.11.cloned.1.call-start
scs
__scs_entry_jumppad:
0x0: {  	(pc) =	sbr.rel $0x88, $3  }
0x1: {  	(tag) =	ssettag $0x0;
	lr =	simm.s32 $0x1  }
0x2: {  	[smem:$0x3F99] =	sst lr;
	_ =	strace $0xD0000000  }
0x3: {  	_ = 	snop  }
0x4: {  	_ = 	snop  }
0x5: {  	_ = 	snop  }
0x6: {  	_ = 	snop  }
0x7: {  	_ = 	snop  }
__scs_overlays_trampoline_lowered:
0x8: {  	[smem:$0x3FA8] =	sst s0  }
0x9: {  	[smem:$0x3FA9] =	sst s1  }
0xa: {  	[smem:$0x3FAA] =	sst s2  }
0xb: {  	[smem:$0x3FAB] =	sst s3  }
0xc: {  	[smem:$0x3FAC] =	sst s4  }
0xd: {  	[smem:$0x3FAD] =	sst s5  }
0xe: {  	[smem:$0x3FAE] =	sst s6  }
0xf: {  	[smem:$0x3FAF] =	sst s7  }
0x10: {  	[smem:$0x3FB0] =	sst s8  }
0x11: {  	[smem:$0x3FB1] =	sst s9;
	s0 =	simm.s32 @!p0 $0x0  }
0x12: {  	s1 =	sld [smem:$0x3F97];
	s0 =	simm.s32 @p0 $0x1  }
0x13: {  	[smem:$0x3FB2] =	sst s0;
	s0 =	simm.s32 @!p1 $0x0  }
0x14: {  	s2 =	sld [smem:$0x3F96];
	s0 =	simm.s32 @p1 $0x1  }
0x15: {  	[smem:$0x3FB3] =	sst s0;
	s0 =	simm.s32 @!p2 $0x0  }
0x16: {  	s3 =	sld [smem:$0x3FDB];
	s0 =	simm.s32 @p2 $0x1  }
0x17: {  	s4 =	simm.s32 $0x1BF5;
	[smem:$0x3FB5] =	sst s0  }
0x18: {  	s0 =	sld [smem:$0x3F98];
	_ =	swait.ge [sflag:s4], $0x0  }
0x19: {  	s7 =	sld [smem:$0x3F99]  }
0x1a: {  	s8 =	sadd.s32 $0xFFFFE003, lr  }
0x1b: {  	s9 =	sadd.s32 $0xFFFFFEF7, lr;
	s5 =	simm.s32 $0xFFFFFFFF;
	p2 =	slt.u32 s8, $0xFFFFF086  }
0x1c: {  	p1 =	slt.u32 s9, $0xF7A;
	s5 =	simm.s32 @!p2 $0x0  }
0x1d: {  	s5 =	simm.s32 @p1 $0x1;
	p0 =	seq.s32 s7, s2  }
0x1e: {  	s7 =	smul.u32 @!p0 $0xF7A, s2;
	p2 =	seq.s32 @!p0 s5, $0x0  }
0x1f: {  	s9 =	smul.u32 $0xF7A, s1;
	s8 =	simm.s32 @!p0 $0x1BF5;
	p2 =	por !p2, p0  }
0x20: {  	[sflag:s8] =	ssyncset.s32 @!p0 $0xFFFFF086;
	s6 =	sadd.s32 @!p0 s3, s7;
	s7 =	simm.s32 @!p0 $0x108  }
0x21: {  	s3 =	sadd.s32 s3, s9;
	s6 =	sadd.s32 @!p0 $0x88, s6;
	s7 =	simm.s32 @p2 $0x1082  }
0x22: {  	[simem:s7], [sflag:s8] =	dma.local @!p0 [hbm:s6], $0xF7A  }
0x23: {  	s9 =	sor.u32 $0xD0000000, s2;
	s6 =	simm.s32 $0x108;
	_ =	swait.ge @!p0 [sflag:s8], $0x0  }
0x24: {  	s3 =	sadd.s32 $0x88, s3;
	s6 =	simm.s32 @!p1 $0x1082;
	[sflag:s4] =	ssyncset.s32 $0xFFFFF086  }
0x25: {  	[simem:s6], [sflag:s4] =	dma.local [hbm:s3], $0xF7A  }
0x26: {  	[smem:$0x3F99] =	sst s1;
	(tag) =	ssettag s2;
	_ =	strace s9  }
0x27: {  	s1 =	sld [smem:$0x3FA9]  }
0x28: {  	s2 =	sld [smem:$0x3FAA]  }
0x29: {  	s4 =	sld [smem:$0x3FAC]  }
0x2a: {  	p0 =	seq.s32 s5, $0x0;
	s5 =	sld [smem:$0x3FAD]  }
0x2b: {  	s6 =	sld [smem:$0x3FAE]  }
0x2c: {  	s7 =	sld [smem:$0x3FAF]  }
0x2d: {  	s3 =	simm.s32 $0x108;
	s8 =	sld [smem:$0x3FB0]  }
0x2e: {  	s3 =	simm.s32 @!p0 $0x1082;
	s9 =	sld [smem:$0x3FB1]  }
0x2f: {  	lr =	sadd.s32 s0, s3;
	s0 =	sld [smem:$0x3FA8]  }
0x30: {  	s3 =	sld [smem:$0x3FAB]  }
0x31: {  	[smem:$0x3FB4] =	sst s10  }
0x32: {  	s10 =	sld [smem:$0x3FB2];
	_ =	sdelay $0x3  }
0x33: {  	p0 =	seq.s32 s10, $0x1;
	s10 =	sld [smem:$0x3FB4];
	_ =	sdelay $0x3  }
0x34: {  	[smem:$0x3FB4] =	sst s10  }
0x35: {  	s10 =	sld [smem:$0x3FB3];
	_ =	sdelay $0x3  }
0x36: {  	p1 =	seq.s32 s10, $0x1;
	s10 =	sld [smem:$0x3FB4];
	_ =	sdelay $0x3  }
0x37: {  	[smem:$0x3FB4] =	sst s10  }
0x38: {  	s10 =	sld [smem:$0x3FB5]  }
0x39: {  	_ = 	snop;
	(pc) =	sbr.ind lr, $3  }
0x3a: {  	_ = 	snop  }
0x3b: {  	_ = 	snop  }
0x3c: {  	p2 =	seq.s32 s10, $0x1;
	s10 =	sld [smem:$0x3FB4]  }
0x3d: {  	_ =	shalt  }
0x3e: {  	_ =	shalt  }
0x3f: {  	_ =	shalt  }
0x40: {  	_ =	shalt  }
0x41: {  	_ =	shalt  }
0x42: {  	_ =	shalt  }
0x43: {  	_ =	shalt  }
0x44: {  	_ =	shalt  }
0x45: {  	_ =	shalt  }
0x46: {  	_ =	shalt  }
0x47: {  	_ =	shalt  }
0x48: {  	_ =	shalt  }
0x49: {  	_ =	shalt  }
0x4a: {  	_ =	shalt  }
0x4b: {  	_ =	shalt  }
0x4c: {  	_ =	shalt  }
0x4d: {  	_ =	shalt  }
0x4e: {  	_ =	shalt  }
0x4f: {  	_ =	shalt  }
0x50: {  	_ =	shalt  }
0x51: {  	_ =	shalt  }
0x52: {  	_ =	shalt  }
0x53: {  	_ =	shalt  }
0x54: {  	_ =	shalt  }
0x55: {  	_ =	shalt  }
0x56: {  	_ =	shalt  }
0x57: {  	_ =	shalt  }
0x58: {  	_ =	shalt  }
0x59: {  	_ =	shalt  }
0x5a: {  	_ =	shalt  }
0x5b: {  	_ =	shalt  }
0x5c: {  	_ =	shalt  }
0x5d: {  	_ =	shalt  }
0x5e: {  	_ =	shalt  }
0x5f: {  	_ =	shalt  }
0x60: {  	_ =	shalt  }
0x61: {  	_ =	shalt  }
0x62: {  	_ =	shalt  }
0x63: {  	_ =	shalt  }
0x64: {  	_ =	shalt  }
0x65: {  	_ =	shalt  }
0x66: {  	_ =	shalt  }
0x67: {  	_ =	shalt  }
0x68: {  	_ =	shalt  }
0x69: {  	_ =	shalt  }
0x6a: {  	_ =	shalt  }
0x6b: {  	_ =	shalt  }
0x6c: {  	_ =	shalt  }
0x6d: {  	_ =	shalt  }
0x6e: {  	_ =	shalt  }
0x6f: {  	_ =	shalt  }
0x70: {  	_ =	shalt  }
0x71: {  	_ =	shalt  }
0x72: {  	_ =	shalt  }
0x73: {  	_ =	shalt  }
0x74: {  	_ =	shalt  }
0x75: {  	_ =	shalt  }
0x76: {  	_ =	shalt  }
0x77: {  	_ =	shalt  }
0x78: {  	_ =	shalt  }
0x79: {  	_ =	shalt  }
0x7a: {  	_ =	shalt  }
0x7b: {  	_ =	shalt  }
0x7c: {  	_ =	shalt  }
0x7d: {  	_ =	shalt  }
0x7e: {  	_ =	shalt  }
0x7f: {  	_ =	shalt  }
0x80: {  	_ =	shalt  }
0x81: {  	_ =	shalt  }
0x82: {  	_ =	shalt  }
0x83: {  	_ =	shalt  }
0x84: {  	_ =	shalt  }
0x85: {  	_ =	shalt  }
0x86: {  	_ =	shalt  }
0x87: {  	_ =	shalt  }
.Lfunc_end0:
.L_simem_size_0:
called_computation_lowered:
.L_overlay_start_0:
0x88: {  	s2 =	sld [smem:$0x3FD9]  }
0x89: {  	s3 =	sld [smem:$0x3FFE];
	_ =	sdelay $0x1  }
0x8a: {  	s1 =	srdreg.scid  }
0x8b: {  	s0 =	sand.u32 $0x1, s1  }
0x8c: {  	s16 =	sshll.u32 s0, $0xA;
	s2 =	sadd.s32 s3, s2  }
0x8d: {  	s2 =	sadd.s32 s2, s16  }
0x8e: {  	[smem:$0x3FC0] =	sst s2  }
0x8f: {  	_ = 	snop  }
0x90: {  	(tm) =	ssettm $0x1  }
0x91: {  	s17 =	sld [smem:$0x3FFB];
	_ =	sdelay $0x3  }
0x92: {  	_ =	strace s17  }
0x93: {  	s2 =	sld [smem:$0x3FFC];
	_ =	sdelay $0x3  }
0x94: {  	_ =	strace s2  }
0x95: {  	s2 =	sld [smem:$0x3FFD];
	_ =	sdelay $0x3  }
0x96: {  	_ =	strace s2  }
0x97: {  	_ =	strace $0x8FFFFFFF  }
0x98: {  	s18 =	sld [smem:$0x3FDB];
	_ =	sdelay $0x1  }
0x99: {  	s19 =	simm.s32 $_scs_section_size  }
0x9a: {  	s4 =	simm.s32 $_size__tile_overlayer_lowered;
	s5 =	simm.s32 $_tile_overlayer_lowered  }
0x9b: {  	s22 =	simm.s32 $0x1BFF;
	s21 =	sshll.u32 s5, $0x1;
	s2 =	sadd.s32 s19, s18  }
0x9c: {  	s6 =	simm.s32 $0x0;
	s20 =	sshll.u32 s4, $0x1;
	s4 =	sadd.s32 s21, s2  }
0x9d: {  	[timem:s6], [sflag:s22] =	dma.local [hbm:s4], s20  }
0x9e: {  	_ =	swait.ge [sflag:s22], s20  }
0x9f: {  	s3 =	ssub.s32 $0x0, s20;
	[sflag:s22] =	ssyncset.done $0x0  }
0xa0: {  	[sflag:s22] =	ssyncadd.s32 s3;
	_ =	sdelay $0x1  }
0xa1: {  	s23 =	simm.s32 $0x1B8B  }
0xa2: {  	_ =	swait.ge [sflag:s23], $0x1  }
0xa3: {  	[sflag:s23] =	ssyncset.done $0x0  }
0xa4: {  	s25 =	simm.s32 $0x1B8E;
	s24 =	sld [smem:$0x3FFE];
	[sflag:s23] =	ssyncadd.s32 $0xFFFFFFFF  }
0xa5: {  	s26 =	simm.s32 $execute0_lowered;
	[smem:$0x3FD2] =	sst s25  }
0xa6: {  	s4 =	sshll.u32 s26, $0x1;
	_ =	strace $0x80000046;
	[dreg:$0x1] =	wrdreg $0xFFFFFFFF  }
0xa7: {  	s28 =	simm.s32 $_size_execute0_lowered;
	s2 =	sadd.s32 s2, s4;
	[dreg:$0x0] =	wrdreg $0x0  }
0xa8: {  	s4 =	sshll.u32 s28, $0x1;
	[dreg:$0x2] =	wrdreg s2  }
0xa9: {  	[dreg:$0x3] =	wrdreg s4  }
0xaa: {  	[dreg:$0x4] =	wrdreg $0xC0  }
0xab: {  	_ =	task [dreg:s6], $0x5FFFF  }
0xac: {  	[dreg:$0x1] =	wrdreg $0xFFFFFFFF  }
0xad: {  	[dreg:$0x0] =	wrdreg $0x60  }
0xae: {  	[dreg:$0x2] =	wrdreg s24  }
0xaf: {  	[dreg:$0x3] =	wrdreg $0x4000  }
0xb0: {  	[dreg:$0x4] =	wrdreg $0x9  }
0xb1: {  	_ =	task.clear_ibuf [dreg:s6], $0x5FFFF;
	_ =	strace $0x90000046  }
0xb2: {  	s29 =	simm.s32 $0x9;
	_ =	strace $0x80000048  }
0xb3: {  	_ =	swait.ge [sflag:s29], $0x1  }
0xb4: {  	[sflag:s29] =	ssyncadd.s32 $0xFFFFFFFF  }
0xb5: {  	_ =	strace $0x90000048  }
0xb6: {  	_ =	sfence  }
0xb7: {  	s30 =	sld [smem:$0x0];
	_ =	sdelay $0x2  }
0xb8: {  	s31 =	sshll.u32 s1, $0xD;
	s1 =	sshrl.u32 s1, $0x2  }
0xb9: {  	s3 =	sand.u32 $0x4000, s31;
	s1 =	sadd.s32 s1, s30  }
0xba: {  	s0 =	sor.u32 s3, s0;
	s1 =	sshll.u32 s1, $0x11  }
0xbb: {  	s0 =	sor.u32 s1, s0  }
0xbc: {  	s0 =	sadd.s32 $0x8F2B, s0  }
0xbd: {  	[sflag:s0] =	ssyncadd.remote.s32 $0x1  }
0xbe: {  	_ =	sfence.sel $0xFFFF  }
0xbf: {  	[dreg:$0x0] =	wrdreg $0xFFFFFFFF;
	(pc) =	sbr.abs _section_cstart, $3  }
0xc0: {  	[dreg:$0x1] =	wrdreg $0xFFFFFFFF  }
0xc1: {  	_ =	task.clear_ibuf [dreg:s6], $0x2FFFF;
	_ =	strace $0x9FFFFFFF  }
0xc2: {  	(tm) =	ssettm $0x7FFFFFFF  }
0xc3: {  	_ =	shalt  }
tec
execute0_lowered:
.L_overlay_start_1:
0x0: {  	(tag) =	ssettag $0x1  }
0x1: {  	s4 =	rddreg [dreg:$0x0]  }
0x2: {  	s1 =	rddreg [dreg:$0x1]  }
0x3: {  	s0 =	rddreg [dreg:$0x2];
	s3 =	simm.s32 $0x0;
	s5 =	srdreg.scid  }
0x4: {  	s2 =	stileid.u32;
	s18 =	simm.s32 $0x50;
	s19 =	simm.s32 $0x100  }
0x5: {  	s20 =	simm.s32 $0x2;
	s21 =	simm.s32 $0x3;
	s22 =	simm.s32 $0x4  }
0x6: {  	s23 =	simm.s32 $0x0;
	[smem:$0x7FF] =	sst s3;
	s30 =	smul.u32 $0xA00, s2  }
0x7: {  	s6 =	sand.u32 $0x1, s5;
	s14 =	sadd.s32 $0x3200, s4;
	s9 =	smul.u32 $0x2710, s2  }
0x8: {  	s15 =	sadd.s32 $0x8200, s4;
	s11 =	sadd.s32 $0xD200, s4;
	s10 =	smul.u32 $0x280, s2  }
0x9: {  	s17 =	smul.u32 $0x4E2, s2;
	p1 =	seq.s32 s2, $0xF;
	_ =	strace $0x80000047  }
0xa: {  	s7 =	ssub.s32 $0x2, s6;
	p0 =	seq.s32 s6, $0x1;
	s12 =	smul.u32 $0x2710, s6  }
0xb: {  	s8 =	sshrl.u32 s7, $0x1;
	s5 =	sshrl.u32 s30, $0x2;
	s31 =	sshrl.u32 s9, $0x3  }
0xc: {  	s13 =	ssub.s32 s7, s8;
	s4 =	sadd.s32 s5, s1;
	s5 =	sadd.s32 $0x2580, s1  }
0xd: {  	s9 =	sadd.s32 $0xA, s31;
	s6 =	sadd.s32 s14, s31;
	s8 =	sadd.s32 s15, s31  }
.Ltmp0:
0xe: {  	s16 =	sadd.s32 s10, s12;
	s12 =	sshrl.u32 s12, $0x3;
	(pc) =	sbr.rel .LBB2_1-.Ltmp0, $4  }
0xf: {  	s10 =	sadd.s32 s10, s1;
	s7 =	sadd.s32 s14, s9;
	s9 =	sadd.s32 s15, s9  }
0x10: {  	s16 =	sshrl.u32 s16, $0x3;
	s12 =	sadd.s32 s11, s12;
	s13 =	smax.u32 s13, $0x1  }
0x11: {  	s14 =	sadd.s32 s17, s14;
	s15 =	sadd.s32 s17, s15;
	s17 =	simm.s32 $0x1  }
0x12: {  	v0 =	vimm.f32 $0.0e+00;
	v1 =	vimm.f32 $1.000000000e+00;
	s11 =	sadd.s32 s11, s16;
	s12 =	sadd.s32 $0x4B0, s12;
	s16 =	simm.s32 $0x80  }
.LBB2_7:
0x13: {  	[tilespmem:s16], [sflag:$0x2] =	stream.linear.gather [hbm4b:s25+s3], $0x50, $0x38;
	[tilespmem:$0x678] =	vst v63  }
.LBB2_8:
0x14: {  	_ =	swait.ge [sflag:s17], $0x50  }
0x15: {  	[sflag:s17] =	ssyncset.done $0x0  }
0x16: {  	[sflag:s17] =	ssyncadd.s32 $0xFFFFFFB0  }
0x17: {  	[spmem:s1] =	stream.indirect.scatter.add.f32 [tilespmem:s19], [sflag:$0x3], $0x1, s3, s18, $0xb8;
	[tilespmem:$0x678] =	vst v63  }
0x18: {  	_ =	swait.ge [sflag:s20], $0x50  }
0x19: {  	[sflag:s20] =	ssyncset.done $0x0  }
0x1a: {  	[sflag:s20] =	ssyncadd.s32 $0xFFFFFFB0  }
0x1b: {  	_ =	swait.ge [sflag:s21], $0x50  }
0x1c: {  	[sflag:s21] =	ssyncset.done $0x0  }
0x1d: {  	[sflag:s21] =	ssyncadd.s32 $0xFFFFFFB0  }
0x1e: {  	s24 =	simm.s32 @p1 $0x180;
	s25 =	simm.s32 @p1 $0x5;
	[bflag:$0x0] =	sbarrier.arrive $0xFFFF  }
0x1f: {  	[tilespmem:s24], [sflag:$0x5] =	stream.linear.gather @p1 [spmem:s5], $0x190, $0x38;
	[tilespmem:$0x678] =	vst v63  }
0x20: {  	_ =	swait.ge @p1 [sflag:s25], $0x190  }
0x21: {  	[sflag:s25] =	ssyncset.done @p1 $0x0  }
0x22: {  	s26 =	simm.s32 @p1 $0x0;
	[sflag:s25] =	ssyncadd.s32 @p1 $0xFFFFFE70  }
0x23: {  	[hbm4b:s12+s26] =	stream.linear.scatter @p1 [tilespmem:s24], [sflag:$0x5], $0x190, $0x38;
	[tilespmem:$0x678] =	vst v63  }
0x24: {  	_ =	swait.ge @p1 [sflag:s25], $0x190  }
0x25: {  	[sflag:s25] =	ssyncset.done @p1 $0x0  }
0x26: {  	s24 =	simm.s32 @!p1 $0x180;
	[sflag:s25] =	ssyncadd.s32 @p1 $0xFFFFFE70;
	s25 =	simm.s32 @!p1 $0x5  }
0x27: {  	[tilespmem:s24], [sflag:$0x5] =	stream.linear.gather @!p1 [spmem:s10], $0x280, $0x38;
	[tilespmem:$0x678] =	vst v63  }
0x28: {  	s23 =	sadd.s32 $0x1, s23;
	_ =	swait.ge @!p1 [sflag:s25], $0x280  }
0x29: {  	p2 =	sne.s32 s23, s13;
	[sflag:s25] =	ssyncset.done @!p1 $0x0  }
.Ltmp1:
0x2a: {  	s26 =	simm.s32 @!p1 $0x0;
	[sflag:s25] =	ssyncadd.s32 @!p1 $0xFFFFFD80;
	(pc) =	sbr.rel @!p2 .LBB2_9-.Ltmp1, $4  }
0x2b: {  	[hbm4b:s11+s26] =	stream.linear.scatter @!p1 [tilespmem:s24], [sflag:$0x5], $0x280, $0x38;
	[tilespmem:$0x678] =	vst v63  }
0x2c: {  	_ =	swait.ge @!p1 [sflag:s25], $0x280  }
0x2d: {  	[sflag:s25] =	ssyncset.done @!p1 $0x0  }
0x2e: {  	[sflag:s25] =	ssyncadd.s32 @!p1 $0xFFFFFD80  }
.LBB2_1:
0x2f: {  	[tilespmem:$0x180] =	vst v0  }
0x30: {  	[tilespmem:$0x190] =	vst v0  }
0x31: {  	[tilespmem:$0x1A0] =	vst v0  }
0x32: {  	[tilespmem:$0x1B0] =	vst v0  }
0x33: {  	[tilespmem:$0x1C0] =	vst v0  }
0x34: {  	[tilespmem:$0x1D0] =	vst v0  }
0x35: {  	[tilespmem:$0x1E0] =	vst v0  }
0x36: {  	[tilespmem:$0x1F0] =	vst v0  }
0x37: {  	[tilespmem:$0x200] =	vst v0  }
0x38: {  	[tilespmem:$0x210] =	vst v0  }
0x39: {  	[tilespmem:$0x220] =	vst v0  }
0x3a: {  	[tilespmem:$0x230] =	vst v0  }
0x3b: {  	[tilespmem:$0x240] =	vst v0  }
0x3c: {  	[tilespmem:$0x250] =	vst v0  }
0x3d: {  	[tilespmem:$0x260] =	vst v0  }
0x3e: {  	[tilespmem:$0x270] =	vst v0  }
0x3f: {  	[tilespmem:$0x280] =	vst v0  }
0x40: {  	[tilespmem:$0x290] =	vst v0  }
0x41: {  	[tilespmem:$0x2A0] =	vst v0  }
0x42: {  	[tilespmem:$0x2B0] =	vst v0  }
0x43: {  	[tilespmem:$0x2C0] =	vst v0  }
0x44: {  	[tilespmem:$0x2D0] =	vst v0  }
0x45: {  	[tilespmem:$0x2E0] =	vst v0  }
0x46: {  	[tilespmem:$0x2F0] =	vst v0  }
0x47: {  	[tilespmem:$0x300] =	vst v0  }
0x48: {  	[tilespmem:$0x310] =	vst v0  }
0x49: {  	[tilespmem:$0x320] =	vst v0  }
0x4a: {  	[tilespmem:$0x330] =	vst v0  }
0x4b: {  	[tilespmem:$0x340] =	vst v0  }
0x4c: {  	[tilespmem:$0x350] =	vst v0  }
0x4d: {  	[tilespmem:$0x360] =	vst v0  }
0x4e: {  	[tilespmem:$0x370] =	vst v0  }
0x4f: {  	[tilespmem:$0x380] =	vst v0  }
0x50: {  	[tilespmem:$0x390] =	vst v0  }
0x51: {  	[tilespmem:$0x3A0] =	vst v0  }
0x52: {  	[tilespmem:$0x3B0] =	vst v0  }
0x53: {  	[tilespmem:$0x3C0] =	vst v0  }
0x54: {  	[tilespmem:$0x3D0] =	vst v0  }
0x55: {  	[tilespmem:$0x3E0] =	vst v0  }
0x56: {  	[tilespmem:$0x3F0] =	vst v0  }
0x57: {  	[tilespmem:$0x100] =	vst v1  }
0x58: {  	[tilespmem:$0x110] =	vst v1  }
0x59: {  	[tilespmem:$0x120] =	vst v1  }
0x5a: {  	[tilespmem:$0x130] =	vst v1  }
0x5b: {  	[tilespmem:$0x140] =	vst v1;
	s24 =	simm.s32 @p1 $0x180  }
0x5c: {  	[spmem:s5] =	stream.linear.scatter @p1 [tilespmem:s24], [sflag:$0x5], $0x190, $0x38;
	[tilespmem:$0x678] =	vst v63  }
0x5d: {  	s24 =	simm.s32 @p1 $0x5  }
0x5e: {  	_ =	swait.ge @p1 [sflag:s24], $0x190  }
0x5f: {  	[sflag:s24] =	ssyncset.done @p1 $0x0  }
0x60: {  	[sflag:s24] =	ssyncadd.s32 @p1 $0xFFFFFE70;
	s24 =	simm.s32 @!p1 $0x180  }
0x61: {  	[spmem:s4] =	stream.linear.scatter @!p1 [tilespmem:s24], [sflag:$0x5], $0x280, $0x38;
	[tilespmem:$0x678] =	vst v63  }
0x62: {  	s24 =	simm.s32 @!p1 $0x5  }
.Ltmp2:
0x63: {  	_ =	swait.ge @!p1 [sflag:s24], $0x280;
	(pc) =	sbr.rel @!p0 .LBB2_2-.Ltmp2, $3  }
0x64: {  	[sflag:s24] =	ssyncset.done @!p1 $0x0  }
0x65: {  	[sflag:s24] =	ssyncadd.s32 @!p1 $0xFFFFFD80  }
0x66: {  	[bflag:$0x0] =	sbarrier.arrive $0xFFFF;
	_ =	sdelay $0x1  }
0x67: {  	[tilespmem:s3], [sflag:$0x1] =	stream.linear.gather [hbm4b:s8+s3], $0x50, $0x38;
	[tilespmem:$0x678] =	vst v63  }
0x68: {  	_ = 	snop  }
0x69: {  	[tilespmem:s16], [sflag:$0x2] =	stream.linear.gather [hbm4b:s9+s3], $0x50, $0x38;
	[tilespmem:$0x678] =	vst v63  }
0x6a: {  	_ =	swait.ge [sflag:s17], $0x50  }
0x6b: {  	[sflag:s17] =	ssyncset.done $0x0  }
0x6c: {  	[sflag:s17] =	ssyncadd.s32 $0xFFFFFFB0  }
0x6d: {  	[spmem:s1] =	stream.indirect.scatter.add.f32 [tilespmem:s19], [sflag:$0x3], $0x1, s3, s18, $0xb8;
	[tilespmem:$0x678] =	vst v63  }
0x6e: {  	_ =	swait.ge [sflag:s20], $0x50  }
0x6f: {  	[sflag:s20] =	ssyncset.done $0x0  }
0x70: {  	[sflag:s20] =	ssyncadd.s32 $0xFFFFFFB0  }
0x71: {  	[spmem:s1] =	stream.indirect.scatter.add.f32 [tilespmem:s19], [sflag:$0x4], $0x1, s16, s18, $0xb8;
	[tilespmem:$0x678] =	vst v63  }
0x72: {  	_ =	swait.ge [sflag:s21], $0x50  }
0x73: {  	s25 =	sadd.s32 $0xFFFFFB28, s15;
	[sflag:s21] =	ssyncset.done $0x0  }
0x74: {  	s24 =	sadd.s32 $0x4EC, s25;
	[sflag:s21] =	ssyncadd.s32 $0xFFFFFFB0  }
0x75: {  	[tilespmem:s3], [sflag:$0x1] =	stream.linear.gather [hbm4b:s24+s3], $0x50, $0x38;
	[tilespmem:$0x678] =	vst v63  }
0x76: {  	_ =	swait.ge [sflag:s22], $0x50  }
0x77: {  	[sflag:s22] =	ssyncset.done $0x0  }
0x78: {  	s25 =	sadd.s32 $0x4F6, s25;
	s24 =	simm.s32 $0xFFFFFB3C;
	[sflag:s22] =	ssyncadd.s32 $0xFFFFFFB0  }
.LBB2_6:
0x79: {  	[tilespmem:s16], [sflag:$0x2] =	stream.linear.gather [hbm4b:s25+s3], $0x50, $0x38;
	[tilespmem:$0x678] =	vst v63  }
0x7a: {  	s25 =	smov.u32 s24  }
0x7b: {  	p2 =	sne.s32 s24, $0xFFFFFFEC;
	s24 =	sadd.s32 $0x14, s24;
	_ =	swait.ge [sflag:s17], $0x50  }
0x7c: {  	[sflag:s17] =	ssyncset.done $0x0  }
0x7d: {  	[sflag:s17] =	ssyncadd.s32 $0xFFFFFFB0  }
0x7e: {  	[spmem:s1] =	stream.indirect.scatter.add.f32 [tilespmem:s19], [sflag:$0x3], $0x1, s3, s18, $0xb8;
	[tilespmem:$0x678] =	vst v63  }
0x7f: {  	_ =	swait.ge [sflag:s20], $0x50  }
0x80: {  	[sflag:s20] =	ssyncset.done $0x0  }
0x81: {  	[sflag:s20] =	ssyncadd.s32 $0xFFFFFFB0  }
0x82: {  	[spmem:s1] =	stream.indirect.scatter.add.f32 [tilespmem:s19], [sflag:$0x4], $0x1, s16, s18, $0xb8;
	[tilespmem:$0x678] =	vst v63  }
0x83: {  	_ =	swait.ge [sflag:s21], $0x50  }
0x84: {  	s25 =	sadd.s32 s25, s15;
	[sflag:s21] =	ssyncset.done $0x0  }
.Ltmp3:
0x85: {  	s26 =	sadd.s32 $0x4EC, s25;
	[sflag:s21] =	ssyncadd.s32 $0xFFFFFFB0;
	(pc) =	sbr.rel @p2 .LBB2_6-.Ltmp3, $4  }
0x86: {  	[tilespmem:s3], [sflag:$0x1] =	stream.linear.gather [hbm4b:s26+s3], $0x50, $0x38;
	[tilespmem:$0x678] =	vst v63  }
0x87: {  	_ =	swait.ge [sflag:s22], $0x50  }
0x88: {  	[sflag:s22] =	ssyncset.done $0x0  }
0x89: {  	s25 =	sadd.s32 $0x4F6, s25;
	[sflag:s22] =	ssyncadd.s32 $0xFFFFFFB0  }
.Ltmp4:
0x8a: {  	_ = 	snop;
	(pc) =	sbr.rel .LBB2_7-.Ltmp4, $1  }
0x8b: {  	_ =	sdelay $0x3  }
.LBB2_2:
0x8c: {  	[tilespmem:s3], [sflag:$0x1] =	stream.linear.gather [hbm4b:s6+s3], $0x50, $0x38;
	[tilespmem:$0x678] =	vst v63  }
0x8d: {  	_ = 	snop  }
0x8e: {  	[tilespmem:s16], [sflag:$0x2] =	stream.linear.gather [hbm4b:s7+s3], $0x50, $0x38;
	[tilespmem:$0x678] =	vst v63  }
0x8f: {  	_ =	swait.ge [sflag:s17], $0x50  }
0x90: {  	[sflag:s17] =	ssyncset.done $0x0  }
0x91: {  	[sflag:s17] =	ssyncadd.s32 $0xFFFFFFB0  }
0x92: {  	[spmem:s1] =	stream.indirect.scatter.add.f32 [tilespmem:s19], [sflag:$0x3], $0x1, s3, s18, $0xb8;
	[tilespmem:$0x678] =	vst v63  }
0x93: {  	_ =	swait.ge [sflag:s20], $0x50  }
0x94: {  	[sflag:s20] =	ssyncset.done $0x0  }
0x95: {  	[sflag:s20] =	ssyncadd.s32 $0xFFFFFFB0  }
0x96: {  	[spmem:s1] =	stream.indirect.scatter.add.f32 [tilespmem:s19], [sflag:$0x4], $0x1, s16, s18, $0xb8;
	[tilespmem:$0x678] =	vst v63  }
0x97: {  	_ =	swait.ge [sflag:s21], $0x50  }
0x98: {  	s25 =	sadd.s32 $0xFFFFFB28, s14;
	[sflag:s21] =	ssyncset.done $0x0  }
0x99: {  	s24 =	sadd.s32 $0x4EC, s25;
	[sflag:s21] =	ssyncadd.s32 $0xFFFFFFB0  }
0x9a: {  	[tilespmem:s3], [sflag:$0x1] =	stream.linear.gather [hbm4b:s24+s3], $0x50, $0x38;
	[tilespmem:$0x678] =	vst v63  }
0x9b: {  	_ =	swait.ge [sflag:s22], $0x50  }
0x9c: {  	[sflag:s22] =	ssyncset.done $0x0  }
0x9d: {  	s25 =	sadd.s32 $0x4F6, s25;
	s24 =	simm.s32 $0xFFFFFB3C;
	[sflag:s22] =	ssyncadd.s32 $0xFFFFFFB0  }
.LBB2_3:
0x9e: {  	[tilespmem:s16], [sflag:$0x2] =	stream.linear.gather [hbm4b:s25+s3], $0x50, $0x38;
	[tilespmem:$0x678] =	vst v63  }
0x9f: {  	s25 =	smov.u32 s24  }
0xa0: {  	p2 =	seq.s32 s24, $0xFFFFFFEC;
	s24 =	sadd.s32 $0x14, s24;
	_ =	swait.ge [sflag:s17], $0x50  }
0xa1: {  	[sflag:s17] =	ssyncset.done $0x0  }
0xa2: {  	[sflag:s17] =	ssyncadd.s32 $0xFFFFFFB0  }
0xa3: {  	[spmem:s1] =	stream.indirect.scatter.add.f32 [tilespmem:s19], [sflag:$0x3], $0x1, s3, s18, $0xb8;
	[tilespmem:$0x678] =	vst v63  }
0xa4: {  	_ =	swait.ge [sflag:s20], $0x50  }
0xa5: {  	[sflag:s20] =	ssyncset.done $0x0  }
0xa6: {  	[sflag:s20] =	ssyncadd.s32 $0xFFFFFFB0  }
0xa7: {  	[spmem:s1] =	stream.indirect.scatter.add.f32 [tilespmem:s19], [sflag:$0x4], $0x1, s16, s18, $0xb8;
	[tilespmem:$0x678] =	vst v63  }
0xa8: {  	_ =	swait.ge [sflag:s21], $0x50  }
0xa9: {  	s25 =	sadd.s32 s25, s14;
	[sflag:s21] =	ssyncset.done $0x0  }
.Ltmp5:
0xaa: {  	s26 =	sadd.s32 $0x4EC, s25;
	[sflag:s21] =	ssyncadd.s32 $0xFFFFFFB0;
	(pc) =	sbr.rel @!p2 .LBB2_3-.Ltmp5, $4  }
0xab: {  	[tilespmem:s3], [sflag:$0x1] =	stream.linear.gather [hbm4b:s26+s3], $0x50, $0x38;
	[tilespmem:$0x678] =	vst v63  }
0xac: {  	_ =	swait.ge [sflag:s22], $0x50  }
0xad: {  	[sflag:s22] =	ssyncset.done $0x0  }
0xae: {  	s25 =	sadd.s32 $0x4F6, s25;
	[sflag:s22] =	ssyncadd.s32 $0xFFFFFFB0  }
.Ltmp6:
0xaf: {  	(pc) =	sbr.rel .LBB2_8-.Ltmp6, $2  }
0xb0: {  	_ =	sdelay $0x2  }
0xb1: {  	[tilespmem:s16], [sflag:$0x2] =	stream.linear.gather [hbm4b:s25+s3], $0x50, $0x38;
	[tilespmem:$0x678] =	vst v63  }
.LBB2_9:
0xb2: {  	_ =	sfence.sel $0x180000  }
0xb3: {  	[bflag:$0x0] =	sbarrier.arrive $0xFFFF  }
0xb4: {  	p0 =	sne.s32 s2, $0x0;
	_ =	strace $0x90000047  }
0xb5: {  	s0 =	sadd.s32 @!p0 $0x100000, s0;
	[bflag:$0x2] =	sbarrier.arrive $0xFFFF  }
0xb6: {  	[sflag:s0] =	ssyncadd.tile.s32 @!p0 $0x1;
	_ =	shalt  }
.Lfunc_end2:
_tile_overlayer_lowered:
.L_overlay_start_2:
0xb7: {  	(tag) =	ssettag $0x2  }
0xb8: {  	s0 =	rddreg [dreg:$0x0];
	s2 =	stileid.u32  }
0xb9: {  	s1 =	rddreg [dreg:$0x1];
	p0 =	sne.s32 s2, $0x0  }
0xba: {  	s3 =	rddreg [dreg:$0x2];
	[bflag:$0x3] =	sbarrier.arrive $0xFFFF;
	s2 =	simm.s32 @!p0 $0x1C05  }
0xbb: {  	[timem:s3], [sflag:s2] =	dma.local @!p0 [hbm:s0], s1  }
0xbc: {  	s0 =	simm.s32 @!p0 $0x5  }
0xbd: {  	_ =	swait.ge @!p0 [sflag:s0], s1  }
0xbe: {  	s1 =	ssub.s32 @!p0 $0x0, s1;
	[sflag:s0] =	ssyncset.done @!p0 $0x0  }
0xbf: {  	[sflag:s0] =	ssyncadd.s32 @!p0 s1  }
0xc0: {  	[bflag:$0x3] =	sbarrier.arrive $0xFFFF  }
0xc1: {  	_ =	shalt  }

// kernel: kernel.14.cloned.1.call-start
scs
__scs_entry_jumppad:
0x0: {  	(pc) =	sbr.rel $0x88, $3  }
0x1: {  	(tag) =	ssettag $0x0;
	lr =	simm.s32 $0x1  }
0x2: {  	[smem:$0x3F99] =	sst lr;
	_ =	strace $0xD0000000  }
0x3: {  	_ = 	snop  }
0x4: {  	_ = 	snop  }
0x5: {  	_ = 	snop  }
0x6: {  	_ = 	snop  }
0x7: {  	_ = 	snop  }
__scs_overlays_trampoline_lowered:
0x8: {  	[smem:$0x3FA8] =	sst s0  }
0x9: {  	[smem:$0x3FA9] =	sst s1  }
0xa: {  	[smem:$0x3FAA] =	sst s2  }
0xb: {  	[smem:$0x3FAB] =	sst s3  }
0xc: {  	[smem:$0x3FAC] =	sst s4  }
0xd: {  	[smem:$0x3FAD] =	sst s5  }
0xe: {  	[smem:$0x3FAE] =	sst s6  }
0xf: {  	[smem:$0x3FAF] =	sst s7  }
0x10: {  	[smem:$0x3FB0] =	sst s8  }
0x11: {  	[smem:$0x3FB1] =	sst s9;
	s0 =	simm.s32 @!p0 $0x0  }
0x12: {  	s1 =	sld [smem:$0x3F97];
	s0 =	simm.s32 @p0 $0x1  }
0x13: {  	[smem:$0x3FB2] =	sst s0;
	s0 =	simm.s32 @!p1 $0x0  }
0x14: {  	s2 =	sld [smem:$0x3F96];
	s0 =	simm.s32 @p1 $0x1  }
0x15: {  	[smem:$0x3FB3] =	sst s0;
	s0 =	simm.s32 @!p2 $0x0  }
0x16: {  	s3 =	sld [smem:$0x3FDB];
	s0 =	simm.s32 @p2 $0x1  }
0x17: {  	s4 =	simm.s32 $0x1BF5;
	[smem:$0x3FB5] =	sst s0  }
0x18: {  	s0 =	sld [smem:$0x3F98];
	_ =	swait.ge [sflag:s4], $0x0  }
0x19: {  	s7 =	sld [smem:$0x3F99]  }
0x1a: {  	s8 =	sadd.s32 $0xFFFFE003, lr  }
0x1b: {  	s9 =	sadd.s32 $0xFFFFFEF7, lr;
	s5 =	simm.s32 $0xFFFFFFFF;
	p2 =	slt.u32 s8, $0xFFFFF086  }
0x1c: {  	p1 =	slt.u32 s9, $0xF7A;
	s5 =	simm.s32 @!p2 $0x0  }
0x1d: {  	s5 =	simm.s32 @p1 $0x1;
	p0 =	seq.s32 s7, s2  }
0x1e: {  	s7 =	smul.u32 @!p0 $0xF7A, s2;
	p2 =	seq.s32 @!p0 s5, $0x0  }
0x1f: {  	s9 =	smul.u32 $0xF7A, s1;
	s8 =	simm.s32 @!p0 $0x1BF5;
	p2 =	por !p2, p0  }
0x20: {  	[sflag:s8] =	ssyncset.s32 @!p0 $0xFFFFF086;
	s6 =	sadd.s32 @!p0 s3, s7;
	s7 =	simm.s32 @!p0 $0x108  }
0x21: {  	s3 =	sadd.s32 s3, s9;
	s6 =	sadd.s32 @!p0 $0x88, s6;
	s7 =	simm.s32 @p2 $0x1082  }
0x22: {  	[simem:s7], [sflag:s8] =	dma.local @!p0 [hbm:s6], $0xF7A  }
0x23: {  	s9 =	sor.u32 $0xD0000000, s2;
	s6 =	simm.s32 $0x108;
	_ =	swait.ge @!p0 [sflag:s8], $0x0  }
0x24: {  	s3 =	sadd.s32 $0x88, s3;
	s6 =	simm.s32 @!p1 $0x1082;
	[sflag:s4] =	ssyncset.s32 $0xFFFFF086  }
0x25: {  	[simem:s6], [sflag:s4] =	dma.local [hbm:s3], $0xF7A  }
0x26: {  	[smem:$0x3F99] =	sst s1;
	(tag) =	ssettag s2;
	_ =	strace s9  }
0x27: {  	s1 =	sld [smem:$0x3FA9]  }
0x28: {  	s2 =	sld [smem:$0x3FAA]  }
0x29: {  	s4 =	sld [smem:$0x3FAC]  }
0x2a: {  	p0 =	seq.s32 s5, $0x0;
	s5 =	sld [smem:$0x3FAD]  }
0x2b: {  	s6 =	sld [smem:$0x3FAE]  }
0x2c: {  	s7 =	sld [smem:$0x3FAF]  }
0x2d: {  	s3 =	simm.s32 $0x108;
	s8 =	sld [smem:$0x3FB0]  }
0x2e: {  	s3 =	simm.s32 @!p0 $0x1082;
	s9 =	sld [smem:$0x3FB1]  }
0x2f: {  	lr =	sadd.s32 s0, s3;
	s0 =	sld [smem:$0x3FA8]  }
0x30: {  	s3 =	sld [smem:$0x3FAB]  }
0x31: {  	[smem:$0x3FB4] =	sst s10  }
0x32: {  	s10 =	sld [smem:$0x3FB2];
	_ =	sdelay $0x3  }
0x33: {  	p0 =	seq.s32 s10, $0x1;
	s10 =	sld [smem:$0x3FB4];
	_ =	sdelay $0x3  }
0x34: {  	[smem:$0x3FB4] =	sst s10  }
0x35: {  	s10 =	sld [smem:$0x3FB3];
	_ =	sdelay $0x3  }
0x36: {  	p1 =	seq.s32 s10, $0x1;
	s10 =	sld [smem:$0x3FB4];
	_ =	sdelay $0x3  }
0x37: {  	[smem:$0x3FB4] =	sst s10  }
0x38: {  	s10 =	sld [smem:$0x3FB5]  }
0x39: {  	_ = 	snop;
	(pc) =	sbr.ind lr, $3  }
0x3a: {  	_ = 	snop  }
0x3b: {  	_ = 	snop  }
0x3c: {  	p2 =	seq.s32 s10, $0x1;
	s10 =	sld [smem:$0x3FB4]  }
0x3d: {  	_ =	shalt  }
0x3e: {  	_ =	shalt  }
0x3f: {  	_ =	shalt  }
0x40: {  	_ =	shalt  }
0x41: {  	_ =	shalt  }
0x42: {  	_ =	shalt  }
0x43: {  	_ =	shalt  }
0x44: {  	_ =	shalt  }
0x45: {  	_ =	shalt  }
0x46: {  	_ =	shalt  }
0x47: {  	_ =	shalt  }
0x48: {  	_ =	shalt  }
0x49: {  	_ =	shalt  }
0x4a: {  	_ =	shalt  }
0x4b: {  	_ =	shalt  }
0x4c: {  	_ =	shalt  }
0x4d: {  	_ =	shalt  }
0x4e: {  	_ =	shalt  }
0x4f: {  	_ =	shalt  }
0x50: {  	_ =	shalt  }
0x51: {  	_ =	shalt  }
0x52: {  	_ =	shalt  }
0x53: {  	_ =	shalt  }
0x54: {  	_ =	shalt  }
0x55: {  	_ =	shalt  }
0x56: {  	_ =	shalt  }
0x57: {  	_ =	shalt  }
0x58: {  	_ =	shalt  }
0x59: {  	_ =	shalt  }
0x5a: {  	_ =	shalt  }
0x5b: {  	_ =	shalt  }
0x5c: {  	_ =	shalt  }
0x5d: {  	_ =	shalt  }
0x5e: {  	_ =	shalt  }
0x5f: {  	_ =	shalt  }
0x60: {  	_ =	shalt  }
0x61: {  	_ =	shalt  }
0x62: {  	_ =	shalt  }
0x63: {  	_ =	shalt  }
0x64: {  	_ =	shalt  }
0x65: {  	_ =	shalt  }
0x66: {  	_ =	shalt  }
0x67: {  	_ =	shalt  }
0x68: {  	_ =	shalt  }
0x69: {  	_ =	shalt  }
0x6a: {  	_ =	shalt  }
0x6b: {  	_ =	shalt  }
0x6c: {  	_ =	shalt  }
0x6d: {  	_ =	shalt  }
0x6e: {  	_ =	shalt  }
0x6f: {  	_ =	shalt  }
0x70: {  	_ =	shalt  }
0x71: {  	_ =	shalt  }
0x72: {  	_ =	shalt  }
0x73: {  	_ =	shalt  }
0x74: {  	_ =	shalt  }
0x75: {  	_ =	shalt  }
0x76: {  	_ =	shalt  }
0x77: {  	_ =	shalt  }
0x78: {  	_ =	shalt  }
0x79: {  	_ =	shalt  }
0x7a: {  	_ =	shalt  }
0x7b: {  	_ =	shalt  }
0x7c: {  	_ =	shalt  }
0x7d: {  	_ =	shalt  }
0x7e: {  	_ =	shalt  }
0x7f: {  	_ =	shalt  }
0x80: {  	_ =	shalt  }
0x81: {  	_ =	shalt  }
0x82: {  	_ =	shalt  }
0x83: {  	_ =	shalt  }
0x84: {  	_ =	shalt  }
0x85: {  	_ =	shalt  }
0x86: {  	_ =	shalt  }
0x87: {  	_ =	shalt  }
.Lfunc_end0:
.L_simem_size_0:
called_computation.1_lowered:
.L_overlay_start_0:
0x88: {  	s2 =	sld [smem:$0x3FD9]  }
0x89: {  	s3 =	sld [smem:$0x3FFE];
	_ =	sdelay $0x1  }
0x8a: {  	s1 =	srdreg.scid  }
0x8b: {  	s0 =	sand.u32 $0x1, s1  }
0x8c: {  	s17 =	sshll.u32 s0, $0xA;
	s2 =	sadd.s32 s3, s2  }
0x8d: {  	s2 =	sadd.s32 s2, s17  }
0x8e: {  	[smem:$0x3FC0] =	sst s2  }
0x8f: {  	_ = 	snop  }
0x90: {  	s2 =	sld [smem:$0x3FD0];
	(tm) =	ssettm $0x1  }
0x91: {  	s18 =	sld [smem:$0x3FFB];
	_ =	sdelay $0x3  }
0x92: {  	_ =	strace s18  }
0x93: {  	s3 =	sld [smem:$0x3FFC];
	_ =	sdelay $0x3  }
0x94: {  	_ =	strace s3  }
0x95: {  	s3 =	sld [smem:$0x3FFD];
	_ =	sdelay $0x3  }
0x96: {  	_ =	strace s3  }
0x97: {  	_ =	strace $0x8FFFFFFF  }
0x98: {  	s19 =	sld [smem:$0x3FDB];
	_ =	sdelay $0x1  }
0x99: {  	s4 =	simm.s32 $_scs_section_size  }
0x9a: {  	s5 =	simm.s32 $_size__tile_overlayer_lowered;
	s6 =	simm.s32 $_tile_overlayer_lowered  }
0x9b: {  	s22 =	simm.s32 $0x1BFF;
	s21 =	sshll.u32 s6, $0x1;
	s3 =	sadd.s32 s4, s19  }
0x9c: {  	s7 =	simm.s32 $0x0;
	s20 =	sshll.u32 s5, $0x1;
	s5 =	sadd.s32 s21, s3  }
0x9d: {  	[timem:s7], [sflag:s22] =	dma.local [hbm:s5], s20  }
0x9e: {  	_ =	swait.ge [sflag:s22], s20  }
0x9f: {  	s4 =	ssub.s32 $0x0, s20;
	[sflag:s22] =	ssyncset.done $0x0  }
0xa0: {  	[sflag:s22] =	ssyncadd.s32 s4;
	_ =	sdelay $0x1  }
0xa1: {  	s23 =	simm.s32 $0x1B8B  }
0xa2: {  	_ =	swait.ge [sflag:s23], $0x1  }
0xa3: {  	[sflag:s23] =	ssyncset.done $0x0  }
0xa4: {  	s25 =	simm.s32 $0x1B8E;
	s24 =	sld [smem:$0x3FFE];
	[sflag:s23] =	ssyncadd.s32 $0xFFFFFFFF  }
0xa5: {  	s26 =	simm.s32 $execute0_lowered;
	[smem:$0x3FD2] =	sst s25  }
0xa6: {  	s5 =	sshll.u32 s26, $0x1;
	_ =	strace $0x80000049;
	[dreg:$0x1] =	wrdreg $0xFFFFFFFF  }
0xa7: {  	s28 =	simm.s32 $_size_execute0_lowered;
	s3 =	sadd.s32 s3, s5;
	[dreg:$0x0] =	wrdreg $0x0  }
0xa8: {  	s5 =	sshll.u32 s28, $0x1;
	[dreg:$0x2] =	wrdreg s3  }
0xa9: {  	[dreg:$0x3] =	wrdreg s5  }
0xaa: {  	[dreg:$0x4] =	wrdreg $0xC0  }
0xab: {  	_ =	task [dreg:s7], $0x5FFFF  }
0xac: {  	[dreg:$0x1] =	wrdreg $0xFFFFFFFF  }
0xad: {  	[dreg:$0x0] =	wrdreg $0x60  }
0xae: {  	[dreg:$0x2] =	wrdreg s24  }
0xaf: {  	[dreg:$0x3] =	wrdreg s2  }
0xb0: {  	[dreg:$0x4] =	wrdreg $0x82000  }
0xb1: {  	[dreg:$0x5] =	wrdreg $0x9  }
0xb2: {  	_ =	task.clear_ibuf [dreg:s7], $0x6FFFF;
	_ =	strace $0x90000049  }
0xb3: {  	s29 =	simm.s32 $0x9;
	_ =	strace $0x8000004B  }
0xb4: {  	_ =	swait.ge [sflag:s29], $0x1  }
0xb5: {  	[sflag:s29] =	ssyncadd.s32 $0xFFFFFFFF  }
0xb6: {  	_ =	strace $0x9000004B  }
0xb7: {  	_ =	sfence  }
0xb8: {  	s30 =	sld [smem:$0x0];
	_ =	sdelay $0x2  }
0xb9: {  	s31 =	sshll.u32 s1, $0xD;
	s1 =	sshrl.u32 s1, $0x2  }
0xba: {  	s3 =	sand.u32 $0x4000, s31;
	s1 =	sadd.s32 s1, s30  }
0xbb: {  	s0 =	sor.u32 s3, s0;
	s1 =	sshll.u32 s1, $0x11  }
0xbc: {  	s0 =	sor.u32 s1, s0  }
0xbd: {  	s0 =	sadd.s32 $0x8F2B, s0  }
0xbe: {  	[sflag:s0] =	ssyncadd.remote.s32 $0x1  }
0xbf: {  	_ =	sfence.sel $0xFFFF  }
0xc0: {  	[dreg:$0x0] =	wrdreg $0xFFFFFFFF;
	(pc) =	sbr.abs _section_cstart, $3  }
0xc1: {  	[dreg:$0x1] =	wrdreg $0xFFFFFFFF  }
0xc2: {  	_ =	task.clear_ibuf [dreg:s7], $0x2FFFF;
	_ =	strace $0x9FFFFFFF  }
0xc3: {  	(tm) =	ssettm $0x7FFFFFFF  }
tec
execute0_lowered:
.L_overlay_start_1:
0x0: {  	(tag) =	ssettag $0x1  }
0x1: {  	s0 =	rddreg [dreg:$0x0]  }
0x2: {  	s1 =	rddreg [dreg:$0x1]  }
0x3: {  	s3 =	rddreg [dreg:$0x2];
	s4 =	simm.s32 $0x0  }
0x4: {  	s18 =	stileid.u32;
	s2 =	srdreg.scid;
	s28 =	simm.s32 $0x4200  }
0x5: {  	s29 =	simm.s32 $0x5;
	s30 =	simm.s32 $0x4;
	s31 =	simm.s32 $0x6  }
0x6: {  	[smem:$0x7FF] =	sst s4;
	s7 =	smul.u32 $0x50000, s18;
	s5 =	sadd.s32 $0x61000, s0  }
0x7: {  	s2 =	sand.u32 $0x1, s2;
	s9 =	smul.u32 $0x2800, s18;
	s10 =	sadd.s32 $0xDC00, s0  }
0x8: {  	s6 =	sadd.s32 $0x3200, s0;
	s0 =	sadd.s32 $0xB3200, s0;
	s25 =	smul.u32 $0x500, s18  }
0x9: {  	s17 =	sadd.s32 $0x12C000, s3;
	p0 =	seq.s32 s18, $0xF;
	s11 =	smul.u32 $0x28100, s2  }
0xa: {  	_ =	strace $0x8000004A;
	s8 =	ssub.s32 $0x2, s2;
	s21 =	smul.u32 $0x27100, s2  }
0xb: {  	s2 =	smul.u32 $0x138800, s2;
	s17 =	sshrl.u32 @p0 s17, $0x3;
	s12 =	sshrl.u32 s8, $0x1  }
0xc: {  	s7 =	sshrl.u32 s7, $0x2;
	s22 =	sshrl.u32 s9, $0x3;
	s14 =	sadd.s32 s25, s10  }
0xd: {  	s25 =	simm.s32 $0x2;
	s13 =	ssub.s32 s8, s12;
	s15 =	sadd.s32 s9, s11  }
0xe: {  	s19 =	sadd.s32 s7, s3;
	s8 =	sadd.s32 s10, s22;
	s9 =	sadd.s32 s9, s21  }
0xf: {  	s2 =	sshrl.u32 s2, $0x3;
	s21 =	simm.s32 $0x80;
	s22 =	simm.s32 $0x180  }
0x10: {  	s20 =	sshrl.u32 s15, $0x3;
	s23 =	sadd.s32 $0x10, s8;
	s24 =	sadd.s32 s0, s9  }
0x11: {  	s0 =	sadd.s32 s0, s2;
	s13 =	smax.u32 s13, $0x1;
	s26 =	sadd.s32 $0x180, s15  }
0x12: {  	s15 =	sadd.s32 $0x100, s15;
	s19 =	sshrl.u32 @!p0 s19, $0x3;
	[dreg:$0x6] =	wrdreg s23  }
0x13: {  	s7 =	sadd.s32 s1, s20;
	[dreg:$0x7] =	wrdreg s24;
	s12 =	sadd.s32 $0x25800, s0  }
0x14: {  	s0 =	sshrl.u32 s26, $0x3;
	s20 =	simm.s32 $0x100;
	s23 =	simm.s32 $0x1  }
0x15: {  	s24 =	simm.s32 $0x200;
	s26 =	simm.s32 $0x3;
	[dreg:$0x4] =	wrdreg s7  }
0x16: {  	s7 =	sadd.s32 $0x10, s7;
	s16 =	sadd.s32 s0, s1;
	s0 =	sshll.u32 @!p0 s18, $0x6  }
0x17: {  	[dreg:$0x5] =	wrdreg s7;
	s18 =	sor.u32 @!p0 $0x1C07, s0;
	s0 =	simm.s32 $0x0  }
.LBB2_1:
0x18: {  	s2 =	simm.s32 @p0 $0x1FC7  }
0x19: {  	[spmem:s17], [sflag:s2] =	dma.local @p0 [hbm:s6], $0x1900  }
0x1a: {  	s2 =	simm.s32 @p0 $0x7  }
0x1b: {  	_ =	swait.ge @p0 [sflag:s2], $0x1900  }
0x1c: {  	[sflag:s2] =	ssyncset.done @p0 $0x0  }
0x1d: {  	[sflag:s2] =	ssyncadd.s32 @p0 $0xFFFFE700;
	s2 =	simm.s32 @!p0 $0x7  }
0x1e: {  	[spmem:s19], [sflag:s18] =	dma.local @!p0 [hbm:s6], $0x2800  }
0x1f: {  	_ =	swait.ge @!p0 [sflag:s2], $0x2800  }
0x20: {  	[sflag:s2] =	ssyncset.done @!p0 $0x0  }
0x21: {  	[sflag:s2] =	ssyncadd.s32 @!p0 $0xFFFFD800  }
0x22: {  	[bflag:$0x0] =	sbarrier.arrive $0xFFFF  }
0x23: {  	s10 =	rddreg [dreg:$0x4]  }
0x24: {  	[tilespmem:s4], [sflag:$0x1] =	stream.linear.gather [hbm4b:s10+s4], $0x80, $0x38;
	[tilespmem:$0x1BA80] =	vst v63  }
0x25: {  	_ = 	snop  }
0x26: {  	[tilespmem:s20], [sflag:$0x1] =	stream.linear.gather [hbm4b:s8+s4], $0x80, $0x38;
	[tilespmem:$0x1BA80] =	vst v63  }
0x27: {  	s11 =	rddreg [dreg:$0x5]  }
0x28: {  	[tilespmem:s21], [sflag:$0x2] =	stream.linear.gather [hbm4b:s11+s4], $0x80, $0x38;
	[tilespmem:$0x1BA80] =	vst v63  }
0x29: {  	s7 =	rddreg [dreg:$0x6]  }
0x2a: {  	[tilespmem:s22], [sflag:$0x2] =	stream.linear.gather [hbm4b:s7+s4], $0x80, $0x38;
	[tilespmem:$0x1BA80] =	vst v63  }
0x2b: {  	_ =	swait.ge [sflag:s23], $0x80  }
0x2c: {  	[sflag:s23] =	ssyncset.done $0x0  }
0x2d: {  	[sflag:s23] =	ssyncadd.s32 $0xFFFFFF80  }
0x2e: {  	_ =	swait.ge [sflag:s23], $0x80  }
0x2f: {  	[sflag:s23] =	ssyncset.done $0x0  }
0x30: {  	[sflag:s23] =	ssyncadd.s32 $0xFFFFFF80  }
0x31: {  	[tilespmem:s24], [sflag:$0x3] =	stream.indirect.gather [hbm4b:s5+s21], $0x80, s4, s21, $0xb8;
	[tilespmem:$0x1BA80] =	vst v63  }
0x32: {  	_ =	swait.ge [sflag:s25], $0x80  }
0x33: {  	[sflag:s25] =	ssyncset.done $0x0  }
0x34: {  	[sflag:s25] =	ssyncadd.s32 $0xFFFFFF80  }
0x35: {  	_ =	swait.ge [sflag:s25], $0x80  }
0x36: {  	[sflag:s25] =	ssyncset.done $0x0  }
0x37: {  	[sflag:s25] =	ssyncadd.s32 $0xFFFFFF80  }
0x38: {  	_ =	swait.ge [sflag:s26], $0x4000  }
0x39: {  	[sflag:s26] =	ssyncset.done $0x0  }
0x3a: {  	[sflag:s26] =	ssyncadd.s32 $0xFFFFC000  }
0x3b: {  	[spmem:s3] =	stream.indirect.scatter.add.f32 [tilespmem:s24], [sflag:$0x5], $0x80, s20, s21, $0xb8;
	[tilespmem:$0x1BA80] =	vst v63  }
0x3c: {  	_ = 	snop  }
0x3d: {  	[tilespmem:s28], [sflag:$0x4] =	stream.indirect.gather [hbm4b:s5+s21], $0x80, s21, s21, $0xb8;
	[tilespmem:$0x1BA80] =	vst v63  }
0x3e: {  	_ =	swait.ge [sflag:s29], $0x4000  }
0x3f: {  	s9 =	sshrl.u32 s15, $0x3;
	[sflag:s29] =	ssyncset.done $0x0  }
0x40: {  	s2 =	sadd.s32 s1, s9;
	s9 =	sadd.s32 $0x0, s14;
	[sflag:s29] =	ssyncadd.s32 $0xFFFFC000  }
0x41: {  	[tilespmem:s4], [sflag:$0x1] =	stream.linear.gather [hbm4b:s2+s4], $0x80, $0x38;
	[tilespmem:$0x1BA80] =	vst v63  }
0x42: {  	s10 =	sadd.s32 $0x20, s9  }
0x43: {  	[tilespmem:s20], [sflag:$0x1] =	stream.linear.gather [hbm4b:s10+s4], $0x80, $0x38;
	[tilespmem:$0x1BA80] =	vst v63  }
0x44: {  	_ =	swait.ge [sflag:s30], $0x4000  }
0x45: {  	[sflag:s30] =	ssyncset.done $0x0  }
0x46: {  	[sflag:s30] =	ssyncadd.s32 $0xFFFFC000  }
0x47: {  	[spmem:s3] =	stream.indirect.scatter.add.f32 [tilespmem:s28], [sflag:$0x6], $0x80, s22, s21, $0xb8;
	[tilespmem:$0x1BA80] =	vst v63  }
0x48: {  	_ =	swait.ge [sflag:s23], $0x80  }
0x49: {  	[sflag:s23] =	ssyncset.done $0x0  }
0x4a: {  	[sflag:s23] =	ssyncadd.s32 $0xFFFFFF80  }
0x4b: {  	_ =	swait.ge [sflag:s23], $0x80  }
0x4c: {  	[sflag:s23] =	ssyncset.done $0x0  }
0x4d: {  	[sflag:s23] =	ssyncadd.s32 $0xFFFFFF80  }
0x4e: {  	[tilespmem:s24], [sflag:$0x3] =	stream.indirect.gather [hbm4b:s5+s21], $0x80, s4, s21, $0xb8;
	[tilespmem:$0x1BA80] =	vst v63  }
0x4f: {  	_ =	swait.ge [sflag:s31], $0x4000  }
0x50: {  	s11 =	sadd.s32 $0x0, s16;
	s2 =	simm.s32 $0x20;
	[sflag:s31] =	ssyncset.done $0x0  }
0x51: {  	s10 =	sadd.s32 $0x30, s9;
	s9 =	sadd.s32 $0x100, s15;
	[sflag:s31] =	ssyncadd.s32 $0xFFFFC000  }
0x52: {  	[tilespmem:s21], [sflag:$0x2] =	stream.linear.gather [hbm4b:s11+s4], $0x80, $0x38;
	[tilespmem:$0x1BA80] =	vst v63  }
.LBB2_2:
0x53: {  	[tilespmem:s22], [sflag:$0x2] =	stream.linear.gather [hbm4b:s10+s4], $0x80, $0x38;
	[tilespmem:$0x1BA80] =	vst v63  }
0x54: {  	s10 =	smov.u32 s2  }
0x55: {  	p1 =	sne.s32 s2, $0x4E0;
	s2 =	sadd.s32 $0x20, s2;
	_ =	swait.ge [sflag:s25], $0x80  }
0x56: {  	[sflag:s25] =	ssyncset.done $0x0  }
0x57: {  	[sflag:s25] =	ssyncadd.s32 $0xFFFFFF80  }
0x58: {  	_ =	swait.ge [sflag:s25], $0x80  }
0x59: {  	[sflag:s25] =	ssyncset.done $0x0  }
0x5a: {  	[sflag:s25] =	ssyncadd.s32 $0xFFFFFF80  }
0x5b: {  	_ =	swait.ge [sflag:s26], $0x4000  }
0x5c: {  	[sflag:s26] =	ssyncset.done $0x0  }
0x5d: {  	[sflag:s26] =	ssyncadd.s32 $0xFFFFC000  }
0x5e: {  	[spmem:s3] =	stream.indirect.scatter.add.f32 [tilespmem:s24], [sflag:$0x5], $0x80, s20, s21, $0xb8;
	[tilespmem:$0x1BA80] =	vst v63  }
0x5f: {  	_ = 	snop  }
0x60: {  	[tilespmem:s28], [sflag:$0x4] =	stream.indirect.gather [hbm4b:s5+s21], $0x80, s21, s21, $0xb8;
	[tilespmem:$0x1BA80] =	vst v63  }
0x61: {  	_ =	swait.ge [sflag:s29], $0x4000  }
0x62: {  	s7 =	sshrl.u32 s9, $0x3;
	[sflag:s29] =	ssyncset.done $0x0  }
0x63: {  	s7 =	sadd.s32 s1, s7;
	s11 =	sadd.s32 s10, s14;
	[sflag:s29] =	ssyncadd.s32 $0xFFFFC000  }
0x64: {  	[tilespmem:s4], [sflag:$0x1] =	stream.linear.gather [hbm4b:s7+s4], $0x80, $0x38;
	[tilespmem:$0x1BA80] =	vst v63  }
0x65: {  	s7 =	sadd.s32 $0x20, s11  }
0x66: {  	[tilespmem:s20], [sflag:$0x1] =	stream.linear.gather [hbm4b:s7+s4], $0x80, $0x38;
	[tilespmem:$0x1BA80] =	vst v63  }
0x67: {  	_ =	swait.ge [sflag:s30], $0x4000  }
0x68: {  	[sflag:s30] =	ssyncset.done $0x0  }
0x69: {  	[sflag:s30] =	ssyncadd.s32 $0xFFFFC000  }
0x6a: {  	[spmem:s3] =	stream.indirect.scatter.add.f32 [tilespmem:s28], [sflag:$0x6], $0x80, s22, s21, $0xb8;
	[tilespmem:$0x1BA80] =	vst v63  }
0x6b: {  	_ =	swait.ge [sflag:s23], $0x80  }
0x6c: {  	[sflag:s23] =	ssyncset.done $0x0  }
0x6d: {  	[sflag:s23] =	ssyncadd.s32 $0xFFFFFF80  }
0x6e: {  	_ =	swait.ge [sflag:s23], $0x80  }
0x6f: {  	[sflag:s23] =	ssyncset.done $0x0  }
0x70: {  	[sflag:s23] =	ssyncadd.s32 $0xFFFFFF80  }
0x71: {  	[tilespmem:s24], [sflag:$0x3] =	stream.indirect.gather [hbm4b:s5+s21], $0x80, s4, s21, $0xb8;
	[tilespmem:$0x1BA80] =	vst v63  }
.Ltmp0:
0x72: {  	_ =	swait.ge [sflag:s31], $0x4000;
	(pc) =	sbr.rel @p1 .LBB2_2-.Ltmp0, $4  }
0x73: {  	[sflag:s31] =	ssyncset.done $0x0  }
0x74: {  	s7 =	sadd.s32 s10, s16;
	[sflag:s31] =	ssyncadd.s32 $0xFFFFC000  }
0x75: {  	[tilespmem:s21], [sflag:$0x2] =	stream.linear.gather [hbm4b:s7+s4], $0x80, $0x38;
	[tilespmem:$0x1BA80] =	vst v63  }
0x76: {  	s9 =	sadd.s32 $0x100, s9;
	s10 =	sadd.s32 $0x30, s11  }
0x77: {  	[tilespmem:s22], [sflag:$0x2] =	stream.linear.gather [hbm4b:s10+s4], $0x80, $0x38;
	[tilespmem:$0x1BA80] =	vst v63  }
0x78: {  	_ =	swait.ge [sflag:s26], $0x4000  }
0x79: {  	[sflag:s26] =	ssyncset.done $0x0  }
0x7a: {  	[sflag:s26] =	ssyncadd.s32 $0xFFFFC000  }
0x7b: {  	_ =	swait.ge [sflag:s25], $0x80  }
0x7c: {  	[sflag:s25] =	ssyncset.done $0x0  }
0x7d: {  	[sflag:s25] =	ssyncadd.s32 $0xFFFFFF80  }
0x7e: {  	_ =	swait.ge [sflag:s25], $0x80  }
0x7f: {  	[sflag:s25] =	ssyncset.done $0x0  }
0x80: {  	[sflag:s25] =	ssyncadd.s32 $0xFFFFFF80  }
0x81: {  	s2 =	simm.s32 @p0 $0x1FC7;
	[bflag:$0x0] =	sbarrier.arrive $0xFFFF  }
0x82: {  	[hbm:s12], [sflag:s2] =	dma.local @p0 [spmem:s17], $0x1900  }
0x83: {  	s2 =	simm.s32 @p0 $0x7  }
0x84: {  	_ =	swait.ge @p0 [sflag:s2], $0x1900  }
0x85: {  	s0 =	sadd.s32 $0x1, s0;
	[sflag:s2] =	ssyncset.done @p0 $0x0  }
0x86: {  	p1 =	sne.s32 s0, s13;
	[sflag:s2] =	ssyncadd.s32 @p0 $0xFFFFE700;
	s2 =	rddreg [dreg:$0x7]  }
0x87: {  	[hbm:s2], [sflag:s18] =	dma.local @!p0 [spmem:s19], $0x2800  }
.Ltmp1:
0x88: {  	_ = 	snop;
	(pc) =	sbr.rel @p1 .LBB2_1-.Ltmp1, $4  }
0x89: {  	s2 =	simm.s32 @!p0 $0x7  }
0x8a: {  	_ =	swait.ge @!p0 [sflag:s2], $0x2800  }
0x8b: {  	[sflag:s2] =	ssyncset.done @!p0 $0x0  }
0x8c: {  	[sflag:s2] =	ssyncadd.s32 @!p0 $0xFFFFD800  }
0x8d: {  	_ =	sfence.sel $0x180000  }
0x8e: {  	[bflag:$0x0] =	sbarrier.arrive $0xFFFF  }
0x8f: {  	_ =	strace $0x9000004A  }
0x90: {  	s0 =	stileid.u32;
	[bflag:$0x2] =	sbarrier.arrive $0xFFFF  }
0x91: {  	p0 =	sne.s32 s0, $0x0;
	s0 =	rddreg [dreg:$0x3]  }
0x92: {  	s0 =	sadd.s32 @!p0 $0x100000, s0  }
0x93: {  	[sflag:s0] =	ssyncadd.tile.s32 @!p0 $0x1;
	_ =	shalt  }
.Lfunc_end2:
_tile_overlayer_lowered:
.L_overlay_start_2:
0x94: {  	(tag) =	ssettag $0x2  }
0x95: {  	s0 =	rddreg [dreg:$0x0];
	s2 =	stileid.u32  }
0x96: {  	s1 =	rddreg [dreg:$0x1];
	p0 =	sne.s32 s2, $0x0  }
0x97: {  	s3 =	rddreg [dreg:$0x2];
	[bflag:$0x3] =	sbarrier.arrive $0xFFFF;
	s2 =	simm.s32 @!p0 $0x1C07  }
0x98: {  	[timem:s3], [sflag:s2] =	dma.local @!p0 [hbm:s0], s1  }
0x99: {  	s0 =	simm.s32 @!p0 $0x7  }
0x9a: {  	_ =	swait.ge @!p0 [sflag:s0], s1  }
0x9b: {  	s1 =	ssub.s32 @!p0 $0x0, s1;
	[sflag:s0] =	ssyncset.done @!p0 $0x0  }
0x9c: {  	[sflag:s0] =	ssyncadd.s32 @!p0 s1  }
0x9d: {  	[bflag:$0x3] =	sbarrier.arrive $0xFFFF  }
0x9e: {  	_ =	shalt  }

// kernel: kernel.17.cloned.1.call-start
scs
__scs_entry_jumppad:
0x0: {  	(pc) =	sbr.rel $0x88, $3  }
0x1: {  	(tag) =	ssettag $0x0;
	lr =	simm.s32 $0x1  }
0x2: {  	[smem:$0x3F99] =	sst lr;
	_ =	strace $0xD0000000  }
0x3: {  	_ = 	snop  }
0x4: {  	_ = 	snop  }
0x5: {  	_ = 	snop  }
0x6: {  	_ = 	snop  }
0x7: {  	_ = 	snop  }
__scs_overlays_trampoline_lowered:
0x8: {  	[smem:$0x3FA8] =	sst s0  }
0x9: {  	[smem:$0x3FA9] =	sst s1  }
0xa: {  	[smem:$0x3FAA] =	sst s2  }
0xb: {  	[smem:$0x3FAB] =	sst s3  }
0xc: {  	[smem:$0x3FAC] =	sst s4  }
0xd: {  	[smem:$0x3FAD] =	sst s5  }
0xe: {  	[smem:$0x3FAE] =	sst s6  }
0xf: {  	[smem:$0x3FAF] =	sst s7  }
0x10: {  	[smem:$0x3FB0] =	sst s8  }
0x11: {  	[smem:$0x3FB1] =	sst s9;
	s0 =	simm.s32 @!p0 $0x0  }
0x12: {  	s1 =	sld [smem:$0x3F97];
	s0 =	simm.s32 @p0 $0x1  }
0x13: {  	[smem:$0x3FB2] =	sst s0;
	s0 =	simm.s32 @!p1 $0x0  }
0x14: {  	s2 =	sld [smem:$0x3F96];
	s0 =	simm.s32 @p1 $0x1  }
0x15: {  	[smem:$0x3FB3] =	sst s0;
	s0 =	simm.s32 @!p2 $0x0  }
0x16: {  	s3 =	sld [smem:$0x3FDB];
	s0 =	simm.s32 @p2 $0x1  }
0x17: {  	s4 =	simm.s32 $0x1BF5;
	[smem:$0x3FB5] =	sst s0  }
0x18: {  	s0 =	sld [smem:$0x3F98];
	_ =	swait.ge [sflag:s4], $0x0  }
0x19: {  	s7 =	sld [smem:$0x3F99]  }
0x1a: {  	s8 =	sadd.s32 $0xFFFFE003, lr  }
0x1b: {  	s9 =	sadd.s32 $0xFFFFFEF7, lr;
	s5 =	simm.s32 $0xFFFFFFFF;
	p2 =	slt.u32 s8, $0xFFFFF086  }
0x1c: {  	p1 =	slt.u32 s9, $0xF7A;
	s5 =	simm.s32 @!p2 $0x0  }
0x1d: {  	s5 =	simm.s32 @p1 $0x1;
	p0 =	seq.s32 s7, s2  }
0x1e: {  	s7 =	smul.u32 @!p0 $0xF7A, s2;
	p2 =	seq.s32 @!p0 s5, $0x0  }
0x1f: {  	s9 =	smul.u32 $0xF7A, s1;
	s8 =	simm.s32 @!p0 $0x1BF5;
	p2 =	por !p2, p0  }
0x20: {  	[sflag:s8] =	ssyncset.s32 @!p0 $0xFFFFF086;
	s6 =	sadd.s32 @!p0 s3, s7;
	s7 =	simm.s32 @!p0 $0x108  }
0x21: {  	s3 =	sadd.s32 s3, s9;
	s6 =	sadd.s32 @!p0 $0x88, s6;
	s7 =	simm.s32 @p2 $0x1082  }
0x22: {  	[simem:s7], [sflag:s8] =	dma.local @!p0 [hbm:s6], $0xF7A  }
0x23: {  	s9 =	sor.u32 $0xD0000000, s2;
	s6 =	simm.s32 $0x108;
	_ =	swait.ge @!p0 [sflag:s8], $0x0  }
0x24: {  	s3 =	sadd.s32 $0x88, s3;
	s6 =	simm.s32 @!p1 $0x1082;
	[sflag:s4] =	ssyncset.s32 $0xFFFFF086  }
0x25: {  	[simem:s6], [sflag:s4] =	dma.local [hbm:s3], $0xF7A  }
0x26: {  	[smem:$0x3F99] =	sst s1;
	(tag) =	ssettag s2;
	_ =	strace s9  }
0x27: {  	s1 =	sld [smem:$0x3FA9]  }
0x28: {  	s2 =	sld [smem:$0x3FAA]  }
0x29: {  	s4 =	sld [smem:$0x3FAC]  }
0x2a: {  	p0 =	seq.s32 s5, $0x0;
	s5 =	sld [smem:$0x3FAD]  }
0x2b: {  	s6 =	sld [smem:$0x3FAE]  }
0x2c: {  	s7 =	sld [smem:$0x3FAF]  }
0x2d: {  	s3 =	simm.s32 $0x108;
	s8 =	sld [smem:$0x3FB0]  }
0x2e: {  	s3 =	simm.s32 @!p0 $0x1082;
	s9 =	sld [smem:$0x3FB1]  }
0x2f: {  	lr =	sadd.s32 s0, s3;
	s0 =	sld [smem:$0x3FA8]  }
0x30: {  	s3 =	sld [smem:$0x3FAB]  }
0x31: {  	[smem:$0x3FB4] =	sst s10  }
0x32: {  	s10 =	sld [smem:$0x3FB2];
	_ =	sdelay $0x3  }
0x33: {  	p0 =	seq.s32 s10, $0x1;
	s10 =	sld [smem:$0x3FB4];
	_ =	sdelay $0x3  }
0x34: {  	[smem:$0x3FB4] =	sst s10  }
0x35: {  	s10 =	sld [smem:$0x3FB3];
	_ =	sdelay $0x3  }
0x36: {  	p1 =	seq.s32 s10, $0x1;
	s10 =	sld [smem:$0x3FB4];
	_ =	sdelay $0x3  }
0x37: {  	[smem:$0x3FB4] =	sst s10  }
0x38: {  	s10 =	sld [smem:$0x3FB5]  }
0x39: {  	_ = 	snop;
	(pc) =	sbr.ind lr, $3  }
0x3a: {  	_ = 	snop  }
0x3b: {  	_ = 	snop  }
0x3c: {  	p2 =	seq.s32 s10, $0x1;
	s10 =	sld [smem:$0x3FB4]  }
0x3d: {  	_ =	shalt  }
0x3e: {  	_ =	shalt  }
0x3f: {  	_ =	shalt  }
0x40: {  	_ =	shalt  }
0x41: {  	_ =	shalt  }
0x42: {  	_ =	shalt  }
0x43: {  	_ =	shalt  }
0x44: {  	_ =	shalt  }
0x45: {  	_ =	shalt  }
0x46: {  	_ =	shalt  }
0x47: {  	_ =	shalt  }
0x48: {  	_ =	shalt  }
0x49: {  	_ =	shalt  }
0x4a: {  	_ =	shalt  }
0x4b: {  	_ =	shalt  }
0x4c: {  	_ =	shalt  }
0x4d: {  	_ =	shalt  }
0x4e: {  	_ =	shalt  }
0x4f: {  	_ =	shalt  }
0x50: {  	_ =	shalt  }
0x51: {  	_ =	shalt  }
0x52: {  	_ =	shalt  }
0x53: {  	_ =	shalt  }
0x54: {  	_ =	shalt  }
0x55: {  	_ =	shalt  }
0x56: {  	_ =	shalt  }
0x57: {  	_ =	shalt  }
0x58: {  	_ =	shalt  }
0x59: {  	_ =	shalt  }
0x5a: {  	_ =	shalt  }
0x5b: {  	_ =	shalt  }
0x5c: {  	_ =	shalt  }
0x5d: {  	_ =	shalt  }
0x5e: {  	_ =	shalt  }
0x5f: {  	_ =	shalt  }
0x60: {  	_ =	shalt  }
0x61: {  	_ =	shalt  }
0x62: {  	_ =	shalt  }
0x63: {  	_ =	shalt  }
0x64: {  	_ =	shalt  }
0x65: {  	_ =	shalt  }
0x66: {  	_ =	shalt  }
0x67: {  	_ =	shalt  }
0x68: {  	_ =	shalt  }
0x69: {  	_ =	shalt  }
0x6a: {  	_ =	shalt  }
0x6b: {  	_ =	shalt  }
0x6c: {  	_ =	shalt  }
0x6d: {  	_ =	shalt  }
0x6e: {  	_ =	shalt  }
0x6f: {  	_ =	shalt  }
0x70: {  	_ =	shalt  }
0x71: {  	_ =	shalt  }
0x72: {  	_ =	shalt  }
0x73: {  	_ =	shalt  }
0x74: {  	_ =	shalt  }
0x75: {  	_ =	shalt  }
0x76: {  	_ =	shalt  }
0x77: {  	_ =	shalt  }
0x78: {  	_ =	shalt  }
0x79: {  	_ =	shalt  }
0x7a: {  	_ =	shalt  }
0x7b: {  	_ =	shalt  }
0x7c: {  	_ =	shalt  }
0x7d: {  	_ =	shalt  }
0x7e: {  	_ =	shalt  }
0x7f: {  	_ =	shalt  }
0x80: {  	_ =	shalt  }
0x81: {  	_ =	shalt  }
0x82: {  	_ =	shalt  }
0x83: {  	_ =	shalt  }
0x84: {  	_ =	shalt  }
0x85: {  	_ =	shalt  }
0x86: {  	_ =	shalt  }
0x87: {  	_ =	shalt  }
.Lfunc_end0:
.L_simem_size_0:
called_computation.2_lowered:
.L_overlay_start_0:
0x88: {  	s2 =	sld [smem:$0x3FD9]  }
0x89: {  	s3 =	sld [smem:$0x3FFE];
	_ =	sdelay $0x1  }
0x8a: {  	s1 =	srdreg.scid  }
0x8b: {  	s0 =	sand.u32 $0x1, s1  }
0x8c: {  	s17 =	sshll.u32 s0, $0xA;
	s2 =	sadd.s32 s3, s2  }
0x8d: {  	s2 =	sadd.s32 s2, s17  }
0x8e: {  	[smem:$0x3FC0] =	sst s2  }
0x8f: {  	_ = 	snop  }
0x90: {  	s2 =	sld [smem:$0x3FD0];
	(tm) =	ssettm $0x1  }
0x91: {  	s18 =	sld [smem:$0x3FFB];
	_ =	sdelay $0x3  }
0x92: {  	_ =	strace s18  }
0x93: {  	s3 =	sld [smem:$0x3FFC];
	_ =	sdelay $0x3  }
0x94: {  	_ =	strace s3  }
0x95: {  	s3 =	sld [smem:$0x3FFD];
	_ =	sdelay $0x3  }
0x96: {  	_ =	strace s3  }
0x97: {  	_ =	strace $0x8FFFFFFF  }
0x98: {  	s19 =	sld [smem:$0x3FDB];
	_ =	sdelay $0x1  }
0x99: {  	s4 =	simm.s32 $_scs_section_size  }
0x9a: {  	s5 =	simm.s32 $_size__tile_overlayer_lowered;
	s6 =	simm.s32 $_tile_overlayer_lowered  }
0x9b: {  	s22 =	simm.s32 $0x1BFF;
	s21 =	sshll.u32 s6, $0x1;
	s3 =	sadd.s32 s4, s19  }
0x9c: {  	s7 =	simm.s32 $0x0;
	s20 =	sshll.u32 s5, $0x1;
	s5 =	sadd.s32 s21, s3  }
0x9d: {  	[timem:s7], [sflag:s22] =	dma.local [hbm:s5], s20  }
0x9e: {  	_ =	swait.ge [sflag:s22], s20  }
0x9f: {  	s4 =	ssub.s32 $0x0, s20;
	[sflag:s22] =	ssyncset.done $0x0  }
0xa0: {  	[sflag:s22] =	ssyncadd.s32 s4;
	_ =	sdelay $0x1  }
0xa1: {  	s23 =	simm.s32 $0x1B8B  }
0xa2: {  	_ =	swait.ge [sflag:s23], $0x1  }
0xa3: {  	[sflag:s23] =	ssyncset.done $0x0  }
0xa4: {  	s25 =	simm.s32 $0x1B8E;
	s24 =	sld [smem:$0x3FFE];
	[sflag:s23] =	ssyncadd.s32 $0xFFFFFFFF  }
0xa5: {  	s26 =	simm.s32 $execute0_lowered;
	[smem:$0x3FD2] =	sst s25  }
0xa6: {  	s5 =	sshll.u32 s26, $0x1;
	_ =	strace $0x8000004C;
	[dreg:$0x1] =	wrdreg $0xFFFFFFFF  }
0xa7: {  	s28 =	simm.s32 $_size_execute0_lowered;
	s3 =	sadd.s32 s3, s5;
	[dreg:$0x0] =	wrdreg $0x0  }
0xa8: {  	s5 =	sshll.u32 s28, $0x1;
	[dreg:$0x2] =	wrdreg s3  }
0xa9: {  	[dreg:$0x3] =	wrdreg s5  }
0xaa: {  	[dreg:$0x4] =	wrdreg $0xC0  }
0xab: {  	_ =	task [dreg:s7], $0x5FFFF  }
0xac: {  	[dreg:$0x1] =	wrdreg $0xFFFFFFFF  }
0xad: {  	[dreg:$0x0] =	wrdreg $0x60  }
0xae: {  	[dreg:$0x2] =	wrdreg s24  }
0xaf: {  	[dreg:$0x3] =	wrdreg s2  }
0xb0: {  	[dreg:$0x4] =	wrdreg $0x82000  }
0xb1: {  	[dreg:$0x5] =	wrdreg $0x9  }
0xb2: {  	_ =	task.clear_ibuf [dreg:s7], $0x6FFFF;
	_ =	strace $0x9000004C  }
0xb3: {  	s29 =	simm.s32 $0x9;
	_ =	strace $0x8000004E  }
0xb4: {  	_ =	swait.ge [sflag:s29], $0x1  }
0xb5: {  	[sflag:s29] =	ssyncadd.s32 $0xFFFFFFFF  }
0xb6: {  	_ =	strace $0x9000004E  }
0xb7: {  	_ =	sfence  }
0xb8: {  	s30 =	sld [smem:$0x0];
	_ =	sdelay $0x2  }
0xb9: {  	s31 =	sshll.u32 s1, $0xD;
	s1 =	sshrl.u32 s1, $0x2  }
0xba: {  	s3 =	sand.u32 $0x4000, s31;
	s1 =	sadd.s32 s1, s30  }
0xbb: {  	s0 =	sor.u32 s3, s0;
	s1 =	sshll.u32 s1, $0x11  }
0xbc: {  	s0 =	sor.u32 s1, s0  }
0xbd: {  	s0 =	sadd.s32 $0x8F2B, s0  }
0xbe: {  	[sflag:s0] =	ssyncadd.remote.s32 $0x1  }
0xbf: {  	_ =	sfence.sel $0xFFFF  }
0xc0: {  	[dreg:$0x0] =	wrdreg $0xFFFFFFFF;
	(pc) =	sbr.abs _section_cstart, $3  }
0xc1: {  	[dreg:$0x1] =	wrdreg $0xFFFFFFFF  }
0xc2: {  	_ =	task.clear_ibuf [dreg:s7], $0x2FFFF;
	_ =	strace $0x9FFFFFFF  }
0xc3: {  	(tm) =	ssettm $0x7FFFFFFF  }
tec
execute0_lowered:
.L_overlay_start_1:
0x0: {  	(tag) =	ssettag $0x1  }
0x1: {  	s0 =	rddreg [dreg:$0x0]  }
0x2: {  	s1 =	rddreg [dreg:$0x1]  }
0x3: {  	s3 =	rddreg [dreg:$0x2];
	s4 =	simm.s32 $0x0  }
0x4: {  	s18 =	stileid.u32;
	s2 =	srdreg.scid;
	s28 =	simm.s32 $0x4200  }
0x5: {  	s29 =	simm.s32 $0x5;
	s30 =	simm.s32 $0x4;
	s31 =	simm.s32 $0x6  }
0x6: {  	[smem:$0x7FF] =	sst s4;
	s7 =	smul.u32 $0x50000, s18;
	s5 =	sadd.s32 $0x61000, s0  }
0x7: {  	s2 =	sand.u32 $0x1, s2;
	s9 =	smul.u32 $0x2800, s18;
	s10 =	sadd.s32 $0xDC00, s0  }
0x8: {  	s6 =	sadd.s32 $0x3200, s0;
	s0 =	sadd.s32 $0xB3200, s0;
	s25 =	smul.u32 $0x500, s18  }
0x9: {  	s17 =	sadd.s32 $0x12C000, s3;
	p0 =	seq.s32 s18, $0xF;
	s11 =	smul.u32 $0x28100, s2  }
0xa: {  	_ =	strace $0x8000004D;
	s8 =	ssub.s32 $0x2, s2;
	s21 =	smul.u32 $0x27100, s2  }
0xb: {  	s2 =	smul.u32 $0x138800, s2;
	s17 =	sshrl.u32 @p0 s17, $0x3;
	s12 =	sshrl.u32 s8, $0x1  }
0xc: {  	s7 =	sshrl.u32 s7, $0x2;
	s22 =	sshrl.u32 s9, $0x3;
	s14 =	sadd.s32 s25, s10  }
0xd: {  	s25 =	simm.s32 $0x2;
	s13 =	ssub.s32 s8, s12;
	s15 =	sadd.s32 s9, s11  }
0xe: {  	s19 =	sadd.s32 s7, s3;
	s8 =	sadd.s32 s10, s22;
	s9 =	sadd.s32 s9, s21  }
0xf: {  	s2 =	sshrl.u32 s2, $0x3;
	s21 =	simm.s32 $0x80;
	s22 =	simm.s32 $0x180  }
0x10: {  	s20 =	sshrl.u32 s15, $0x3;
	s23 =	sadd.s32 $0x10, s8;
	s24 =	sadd.s32 s0, s9  }
0x11: {  	s0 =	sadd.s32 s0, s2;
	s13 =	smax.u32 s13, $0x1;
	s26 =	sadd.s32 $0x180, s15  }
0x12: {  	s15 =	sadd.s32 $0x100, s15;
	s19 =	sshrl.u32 @!p0 s19, $0x3;
	[dreg:$0x6] =	wrdreg s23  }
0x13: {  	s7 =	sadd.s32 s1, s20;
	[dreg:$0x7] =	wrdreg s24;
	s12 =	sadd.s32 $0x25800, s0  }
0x14: {  	s0 =	sshrl.u32 s26, $0x3;
	s20 =	simm.s32 $0x100;
	s23 =	simm.s32 $0x1  }
0x15: {  	s24 =	simm.s32 $0x200;
	s26 =	simm.s32 $0x3;
	[dreg:$0x4] =	wrdreg s7  }
0x16: {  	s7 =	sadd.s32 $0x10, s7;
	s16 =	sadd.s32 s0, s1;
	s0 =	sshll.u32 @!p0 s18, $0x6  }
0x17: {  	[dreg:$0x5] =	wrdreg s7;
	s18 =	sor.u32 @!p0 $0x1C07, s0;
	s0 =	simm.s32 $0x0  }
.LBB2_1:
0x18: {  	s2 =	simm.s32 @p0 $0x1FC7  }
0x19: {  	[spmem:s17], [sflag:s2] =	dma.local @p0 [hbm:s6], $0x1900  }
0x1a: {  	s2 =	simm.s32 @p0 $0x7  }
0x1b: {  	_ =	swait.ge @p0 [sflag:s2], $0x1900  }
0x1c: {  	[sflag:s2] =	ssyncset.done @p0 $0x0  }
0x1d: {  	[sflag:s2] =	ssyncadd.s32 @p0 $0xFFFFE700;
	s2 =	simm.s32 @!p0 $0x7  }
0x1e: {  	[spmem:s19], [sflag:s18] =	dma.local @!p0 [hbm:s6], $0x2800  }
0x1f: {  	_ =	swait.ge @!p0 [sflag:s2], $0x2800  }
0x20: {  	[sflag:s2] =	ssyncset.done @!p0 $0x0  }
0x21: {  	[sflag:s2] =	ssyncadd.s32 @!p0 $0xFFFFD800  }
0x22: {  	[bflag:$0x0] =	sbarrier.arrive $0xFFFF  }
0x23: {  	s10 =	rddreg [dreg:$0x4]  }
0x24: {  	[tilespmem:s4], [sflag:$0x1] =	stream.linear.gather [hbm4b:s10+s4], $0x80, $0x38;
	[tilespmem:$0x1BA80] =	vst v63  }
0x25: {  	_ = 	snop  }
0x26: {  	[tilespmem:s20], [sflag:$0x1] =	stream.linear.gather [hbm4b:s8+s4], $0x80, $0x38;
	[tilespmem:$0x1BA80] =	vst v63  }
0x27: {  	s11 =	rddreg [dreg:$0x5]  }
0x28: {  	[tilespmem:s21], [sflag:$0x2] =	stream.linear.gather [hbm4b:s11+s4], $0x80, $0x38;
	[tilespmem:$0x1BA80] =	vst v63  }
0x29: {  	s7 =	rddreg [dreg:$0x6]  }
0x2a: {  	[tilespmem:s22], [sflag:$0x2] =	stream.linear.gather [hbm4b:s7+s4], $0x80, $0x38;
	[tilespmem:$0x1BA80] =	vst v63  }
0x2b: {  	_ =	swait.ge [sflag:s23], $0x80  }
0x2c: {  	[sflag:s23] =	ssyncset.done $0x0  }
0x2d: {  	[sflag:s23] =	ssyncadd.s32 $0xFFFFFF80  }
0x2e: {  	_ =	swait.ge [sflag:s23], $0x80  }
0x2f: {  	[sflag:s23] =	ssyncset.done $0x0  }
0x30: {  	[sflag:s23] =	ssyncadd.s32 $0xFFFFFF80  }
0x31: {  	[tilespmem:s24], [sflag:$0x3] =	stream.indirect.gather [hbm4b:s5+s21], $0x80, s4, s21, $0xb8;
	[tilespmem:$0x1BA80] =	vst v63  }
0x32: {  	_ =	swait.ge [sflag:s25], $0x80  }
0x33: {  	[sflag:s25] =	ssyncset.done $0x0  }
0x34: {  	[sflag:s25] =	ssyncadd.s32 $0xFFFFFF80  }
0x35: {  	_ =	swait.ge [sflag:s25], $0x80  }
0x36: {  	[sflag:s25] =	ssyncset.done $0x0  }
0x37: {  	[sflag:s25] =	ssyncadd.s32 $0xFFFFFF80  }
0x38: {  	_ =	swait.ge [sflag:s26], $0x4000  }
0x39: {  	[sflag:s26] =	ssyncset.done $0x0  }
0x3a: {  	[sflag:s26] =	ssyncadd.s32 $0xFFFFC000  }
0x3b: {  	[spmem:s3] =	stream.indirect.scatter.add.f32 [tilespmem:s24], [sflag:$0x5], $0x80, s20, s21, $0xb8;
	[tilespmem:$0x1BA80] =	vst v63  }
0x3c: {  	_ = 	snop  }
0x3d: {  	[tilespmem:s28], [sflag:$0x4] =	stream.indirect.gather [hbm4b:s5+s21], $0x80, s21, s21, $0xb8;
	[tilespmem:$0x1BA80] =	vst v63  }
0x3e: {  	_ =	swait.ge [sflag:s29], $0x4000  }
0x3f: {  	s9 =	sshrl.u32 s15, $0x3;
	[sflag:s29] =	ssyncset.done $0x0  }
0x40: {  	s2 =	sadd.s32 s1, s9;
	s9 =	sadd.s32 $0x0, s14;
	[sflag:s29] =	ssyncadd.s32 $0xFFFFC000  }
0x41: {  	[tilespmem:s4], [sflag:$0x1] =	stream.linear.gather [hbm4b:s2+s4], $0x80, $0x38;
	[tilespmem:$0x1BA80] =	vst v63  }
0x42: {  	s10 =	sadd.s32 $0x20, s9  }
0x43: {  	[tilespmem:s20], [sflag:$0x1] =	stream.linear.gather [hbm4b:s10+s4], $0x80, $0x38;
	[tilespmem:$0x1BA80] =	vst v63  }
0x44: {  	_ =	swait.ge [sflag:s30], $0x4000  }
0x45: {  	[sflag:s30] =	ssyncset.done $0x0  }
0x46: {  	[sflag:s30] =	ssyncadd.s32 $0xFFFFC000  }
0x47: {  	[spmem:s3] =	stream.indirect.scatter.add.f32 [tilespmem:s28], [sflag:$0x6], $0x80, s22, s21, $0xb8;
	[tilespmem:$0x1BA80] =	vst v63  }
0x48: {  	_ =	swait.ge [sflag:s23], $0x80  }
0x49: {  	[sflag:s23] =	ssyncset.done $0x0  }
0x4a: {  	[sflag:s23] =	ssyncadd.s32 $0xFFFFFF80  }
0x4b: {  	_ =	swait.ge [sflag:s23], $0x80  }
0x4c: {  	[sflag:s23] =	ssyncset.done $0x0  }
0x4d: {  	[sflag:s23] =	ssyncadd.s32 $0xFFFFFF80  }
0x4e: {  	[tilespmem:s24], [sflag:$0x3] =	stream.indirect.gather [hbm4b:s5+s21], $0x80, s4, s21, $0xb8;
	[tilespmem:$0x1BA80] =	vst v63  }
0x4f: {  	_ =	swait.ge [sflag:s31], $0x4000  }
0x50: {  	s11 =	sadd.s32 $0x0, s16;
	s2 =	simm.s32 $0x20;
	[sflag:s31] =	ssyncset.done $0x0  }
0x51: {  	s10 =	sadd.s32 $0x30, s9;
	s9 =	sadd.s32 $0x100, s15;
	[sflag:s31] =	ssyncadd.s32 $0xFFFFC000  }
0x52: {  	[tilespmem:s21], [sflag:$0x2] =	stream.linear.gather [hbm4b:s11+s4], $0x80, $0x38;
	[tilespmem:$0x1BA80] =	vst v63  }
.LBB2_2:
0x53: {  	[tilespmem:s22], [sflag:$0x2] =	stream.linear.gather [hbm4b:s10+s4], $0x80, $0x38;
	[tilespmem:$0x1BA80] =	vst v63  }
0x54: {  	s10 =	smov.u32 s2  }
0x55: {  	p1 =	sne.s32 s2, $0x4E0;
	s2 =	sadd.s32 $0x20, s2;
	_ =	swait.ge [sflag:s25], $0x80  }
0x56: {  	[sflag:s25] =	ssyncset.done $0x0  }
0x57: {  	[sflag:s25] =	ssyncadd.s32 $0xFFFFFF80  }
0x58: {  	_ =	swait.ge [sflag:s25], $0x80  }
0x59: {  	[sflag:s25] =	ssyncset.done $0x0  }
0x5a: {  	[sflag:s25] =	ssyncadd.s32 $0xFFFFFF80  }
0x5b: {  	_ =	swait.ge [sflag:s26], $0x4000  }
0x5c: {  	[sflag:s26] =	ssyncset.done $0x0  }
0x5d: {  	[sflag:s26] =	ssyncadd.s32 $0xFFFFC000  }
0x5e: {  	[spmem:s3] =	stream.indirect.scatter.add.f32 [tilespmem:s24], [sflag:$0x5], $0x80, s20, s21, $0xb8;
	[tilespmem:$0x1BA80] =	vst v63  }
0x5f: {  	_ = 	snop  }
0x60: {  	[tilespmem:s28], [sflag:$0x4] =	stream.indirect.gather [hbm4b:s5+s21], $0x80, s21, s21, $0xb8;
	[tilespmem:$0x1BA80] =	vst v63  }
0x61: {  	_ =	swait.ge [sflag:s29], $0x4000  }
0x62: {  	s7 =	sshrl.u32 s9, $0x3;
	[sflag:s29] =	ssyncset.done $0x0  }
0x63: {  	s7 =	sadd.s32 s1, s7;
	s11 =	sadd.s32 s10, s14;
	[sflag:s29] =	ssyncadd.s32 $0xFFFFC000  }
0x64: {  	[tilespmem:s4], [sflag:$0x1] =	stream.linear.gather [hbm4b:s7+s4], $0x80, $0x38;
	[tilespmem:$0x1BA80] =	vst v63  }
0x65: {  	s7 =	sadd.s32 $0x20, s11  }
0x66: {  	[tilespmem:s20], [sflag:$0x1] =	stream.linear.gather [hbm4b:s7+s4], $0x80, $0x38;
	[tilespmem:$0x1BA80] =	vst v63  }
0x67: {  	_ =	swait.ge [sflag:s30], $0x4000  }
0x68: {  	[sflag:s30] =	ssyncset.done $0x0  }
0x69: {  	[sflag:s30] =	ssyncadd.s32 $0xFFFFC000  }
0x6a: {  	[spmem:s3] =	stream.indirect.scatter.add.f32 [tilespmem:s28], [sflag:$0x6], $0x80, s22, s21, $0xb8;
	[tilespmem:$0x1BA80] =	vst v63  }
0x6b: {  	_ =	swait.ge [sflag:s23], $0x80  }
0x6c: {  	[sflag:s23] =	ssyncset.done $0x0  }
0x6d: {  	[sflag:s23] =	ssyncadd.s32 $0xFFFFFF80  }
0x6e: {  	_ =	swait.ge [sflag:s23], $0x80  }
0x6f: {  	[sflag:s23] =	ssyncset.done $0x0  }
0x70: {  	[sflag:s23] =	ssyncadd.s32 $0xFFFFFF80  }
0x71: {  	[tilespmem:s24], [sflag:$0x3] =	stream.indirect.gather [hbm4b:s5+s21], $0x80, s4, s21, $0xb8;
	[tilespmem:$0x1BA80] =	vst v63  }
.Ltmp0:
0x72: {  	_ =	swait.ge [sflag:s31], $0x4000;
	(pc) =	sbr.rel @p1 .LBB2_2-.Ltmp0, $4  }
0x73: {  	[sflag:s31] =	ssyncset.done $0x0  }
0x74: {  	s7 =	sadd.s32 s10, s16;
	[sflag:s31] =	ssyncadd.s32 $0xFFFFC000  }
0x75: {  	[tilespmem:s21], [sflag:$0x2] =	stream.linear.gather [hbm4b:s7+s4], $0x80, $0x38;
	[tilespmem:$0x1BA80] =	vst v63  }
0x76: {  	s9 =	sadd.s32 $0x100, s9;
	s10 =	sadd.s32 $0x30, s11  }
0x77: {  	[tilespmem:s22], [sflag:$0x2] =	stream.linear.gather [hbm4b:s10+s4], $0x80, $0x38;
	[tilespmem:$0x1BA80] =	vst v63  }
0x78: {  	_ =	swait.ge [sflag:s26], $0x4000  }
0x79: {  	[sflag:s26] =	ssyncset.done $0x0  }
0x7a: {  	[sflag:s26] =	ssyncadd.s32 $0xFFFFC000  }
0x7b: {  	_ =	swait.ge [sflag:s25], $0x80  }
0x7c: {  	[sflag:s25] =	ssyncset.done $0x0  }
0x7d: {  	[sflag:s25] =	ssyncadd.s32 $0xFFFFFF80  }
0x7e: {  	_ =	swait.ge [sflag:s25], $0x80  }
0x7f: {  	[sflag:s25] =	ssyncset.done $0x0  }
0x80: {  	[sflag:s25] =	ssyncadd.s32 $0xFFFFFF80  }
0x81: {  	s2 =	simm.s32 @p0 $0x1FC7;
	[bflag:$0x0] =	sbarrier.arrive $0xFFFF  }
0x82: {  	[hbm:s12], [sflag:s2] =	dma.local @p0 [spmem:s17], $0x1900  }
0x83: {  	s2 =	simm.s32 @p0 $0x7  }
0x84: {  	_ =	swait.ge @p0 [sflag:s2], $0x1900  }
0x85: {  	s0 =	sadd.s32 $0x1, s0;
	[sflag:s2] =	ssyncset.done @p0 $0x0  }
0x86: {  	p1 =	sne.s32 s0, s13;
	[sflag:s2] =	ssyncadd.s32 @p0 $0xFFFFE700;
	s2 =	rddreg [dreg:$0x7]  }
0x87: {  	[hbm:s2], [sflag:s18] =	dma.local @!p0 [spmem:s19], $0x2800  }
.Ltmp1:
0x88: {  	_ = 	snop;
	(pc) =	sbr.rel @p1 .LBB2_1-.Ltmp1, $4  }
0x89: {  	s2 =	simm.s32 @!p0 $0x7  }
0x8a: {  	_ =	swait.ge @!p0 [sflag:s2], $0x2800  }
0x8b: {  	[sflag:s2] =	ssyncset.done @!p0 $0x0  }
0x8c: {  	[sflag:s2] =	ssyncadd.s32 @!p0 $0xFFFFD800  }
0x8d: {  	_ =	sfence.sel $0x180000  }
0x8e: {  	[bflag:$0x0] =	sbarrier.arrive $0xFFFF  }
0x8f: {  	_ =	strace $0x9000004D  }
0x90: {  	s0 =	stileid.u32;
	[bflag:$0x2] =	sbarrier.arrive $0xFFFF  }
0x91: {  	p0 =	sne.s32 s0, $0x0;
	s0 =	rddreg [dreg:$0x3]  }
0x92: {  	s0 =	sadd.s32 @!p0 $0x100000, s0  }
0x93: {  	[sflag:s0] =	ssyncadd.tile.s32 @!p0 $0x1;
	_ =	shalt  }
.Lfunc_end2:
_tile_overlayer_lowered:
.L_overlay_start_2:
0x94: {  	(tag) =	ssettag $0x2  }
0x95: {  	s0 =	rddreg [dreg:$0x0];
	s2 =	stileid.u32  }
0x96: {  	s1 =	rddreg [dreg:$0x1];
	p0 =	sne.s32 s2, $0x0  }
0x97: {  	s3 =	rddreg [dreg:$0x2];
	[bflag:$0x3] =	sbarrier.arrive $0xFFFF;
	s2 =	simm.s32 @!p0 $0x1C07  }
0x98: {  	[timem:s3], [sflag:s2] =	dma.local @!p0 [hbm:s0], s1  }
0x99: {  	s0 =	simm.s32 @!p0 $0x7  }
0x9a: {  	_ =	swait.ge @!p0 [sflag:s0], s1  }
0x9b: {  	s1 =	ssub.s32 @!p0 $0x0, s1;
	[sflag:s0] =	ssyncset.done @!p0 $0x0  }
0x9c: {  	[sflag:s0] =	ssyncadd.s32 @!p0 s1  }
0x9d: {  	[bflag:$0x3] =	sbarrier.arrive $0xFFFF  }
0x9e: {  	_ =	shalt  }

// kernel: kernel.20.cloned.1.call-start
scs
__scs_entry_jumppad:
0x0: {  	(pc) =	sbr.rel $0x88, $3  }
0x1: {  	(tag) =	ssettag $0x0;
	lr =	simm.s32 $0x1  }
0x2: {  	[smem:$0x3F99] =	sst lr;
	_ =	strace $0xD0000000  }
0x3: {  	_ = 	snop  }
0x4: {  	_ = 	snop  }
0x5: {  	_ = 	snop  }
0x6: {  	_ = 	snop  }
0x7: {  	_ = 	snop  }
__scs_overlays_trampoline_lowered:
0x8: {  	[smem:$0x3FA8] =	sst s0  }
0x9: {  	[smem:$0x3FA9] =	sst s1  }
0xa: {  	[smem:$0x3FAA] =	sst s2  }
0xb: {  	[smem:$0x3FAB] =	sst s3  }
0xc: {  	[smem:$0x3FAC] =	sst s4  }
0xd: {  	[smem:$0x3FAD] =	sst s5  }
0xe: {  	[smem:$0x3FAE] =	sst s6  }
0xf: {  	[smem:$0x3FAF] =	sst s7  }
0x10: {  	[smem:$0x3FB0] =	sst s8  }
0x11: {  	[smem:$0x3FB1] =	sst s9;
	s0 =	simm.s32 @!p0 $0x0  }
0x12: {  	s1 =	sld [smem:$0x3F97];
	s0 =	simm.s32 @p0 $0x1  }
0x13: {  	[smem:$0x3FB2] =	sst s0;
	s0 =	simm.s32 @!p1 $0x0  }
0x14: {  	s2 =	sld [smem:$0x3F96];
	s0 =	simm.s32 @p1 $0x1  }
0x15: {  	[smem:$0x3FB3] =	sst s0;
	s0 =	simm.s32 @!p2 $0x0  }
0x16: {  	s3 =	sld [smem:$0x3FDB];
	s0 =	simm.s32 @p2 $0x1  }
0x17: {  	s4 =	simm.s32 $0x1BF5;
	[smem:$0x3FB5] =	sst s0  }
0x18: {  	s0 =	sld [smem:$0x3F98];
	_ =	swait.ge [sflag:s4], $0x0  }
0x19: {  	s7 =	sld [smem:$0x3F99]  }
0x1a: {  	s8 =	sadd.s32 $0xFFFFE003, lr  }
0x1b: {  	s9 =	sadd.s32 $0xFFFFFEF7, lr;
	s5 =	simm.s32 $0xFFFFFFFF;
	p2 =	slt.u32 s8, $0xFFFFF086  }
0x1c: {  	p1 =	slt.u32 s9, $0xF7A;
	s5 =	simm.s32 @!p2 $0x0  }
0x1d: {  	s5 =	simm.s32 @p1 $0x1;
	p0 =	seq.s32 s7, s2  }
0x1e: {  	s7 =	smul.u32 @!p0 $0xF7A, s2;
	p2 =	seq.s32 @!p0 s5, $0x0  }
0x1f: {  	s9 =	smul.u32 $0xF7A, s1;
	s8 =	simm.s32 @!p0 $0x1BF5;
	p2 =	por !p2, p0  }
0x20: {  	[sflag:s8] =	ssyncset.s32 @!p0 $0xFFFFF086;
	s6 =	sadd.s32 @!p0 s3, s7;
	s7 =	simm.s32 @!p0 $0x108  }
0x21: {  	s3 =	sadd.s32 s3, s9;
	s6 =	sadd.s32 @!p0 $0x88, s6;
	s7 =	simm.s32 @p2 $0x1082  }
0x22: {  	[simem:s7], [sflag:s8] =	dma.local @!p0 [hbm:s6], $0xF7A  }
0x23: {  	s9 =	sor.u32 $0xD0000000, s2;
	s6 =	simm.s32 $0x108;
	_ =	swait.ge @!p0 [sflag:s8], $0x0  }
0x24: {  	s3 =	sadd.s32 $0x88, s3;
	s6 =	simm.s32 @!p1 $0x1082;
	[sflag:s4] =	ssyncset.s32 $0xFFFFF086  }
0x25: {  	[simem:s6], [sflag:s4] =	dma.local [hbm:s3], $0xF7A  }
0x26: {  	[smem:$0x3F99] =	sst s1;
	(tag) =	ssettag s2;
	_ =	strace s9  }
0x27: {  	s1 =	sld [smem:$0x3FA9]  }
0x28: {  	s2 =	sld [smem:$0x3FAA]  }
0x29: {  	s4 =	sld [smem:$0x3FAC]  }
0x2a: {  	p0 =	seq.s32 s5, $0x0;
	s5 =	sld [smem:$0x3FAD]  }
0x2b: {  	s6 =	sld [smem:$0x3FAE]  }
0x2c: {  	s7 =	sld [smem:$0x3FAF]  }
0x2d: {  	s3 =	simm.s32 $0x108;
	s8 =	sld [smem:$0x3FB0]  }
0x2e: {  	s3 =	simm.s32 @!p0 $0x1082;
	s9 =	sld [smem:$0x3FB1]  }
0x2f: {  	lr =	sadd.s32 s0, s3;
	s0 =	sld [smem:$0x3FA8]  }
0x30: {  	s3 =	sld [smem:$0x3FAB]  }
0x31: {  	[smem:$0x3FB4] =	sst s10  }
0x32: {  	s10 =	sld [smem:$0x3FB2];
	_ =	sdelay $0x3  }
0x33: {  	p0 =	seq.s32 s10, $0x1;
	s10 =	sld [smem:$0x3FB4];
	_ =	sdelay $0x3  }
0x34: {  	[smem:$0x3FB4] =	sst s10  }
0x35: {  	s10 =	sld [smem:$0x3FB3];
	_ =	sdelay $0x3  }
0x36: {  	p1 =	seq.s32 s10, $0x1;
	s10 =	sld [smem:$0x3FB4];
	_ =	sdelay $0x3  }
0x37: {  	[smem:$0x3FB4] =	sst s10  }
0x38: {  	s10 =	sld [smem:$0x3FB5]  }
0x39: {  	_ = 	snop;
	(pc) =	sbr.ind lr, $3  }
0x3a: {  	_ = 	snop  }
0x3b: {  	_ = 	snop  }
0x3c: {  	p2 =	seq.s32 s10, $0x1;
	s10 =	sld [smem:$0x3FB4]  }
0x3d: {  	_ =	shalt  }
0x3e: {  	_ =	shalt  }
0x3f: {  	_ =	shalt  }
0x40: {  	_ =	shalt  }
0x41: {  	_ =	shalt  }
0x42: {  	_ =	shalt  }
0x43: {  	_ =	shalt  }
0x44: {  	_ =	shalt  }
0x45: {  	_ =	shalt  }
0x46: {  	_ =	shalt  }
0x47: {  	_ =	shalt  }
0x48: {  	_ =	shalt  }
0x49: {  	_ =	shalt  }
0x4a: {  	_ =	shalt  }
0x4b: {  	_ =	shalt  }
0x4c: {  	_ =	shalt  }
0x4d: {  	_ =	shalt  }
0x4e: {  	_ =	shalt  }
0x4f: {  	_ =	shalt  }
0x50: {  	_ =	shalt  }
0x51: {  	_ =	shalt  }
0x52: {  	_ =	shalt  }
0x53: {  	_ =	shalt  }
0x54: {  	_ =	shalt  }
0x55: {  	_ =	shalt  }
0x56: {  	_ =	shalt  }
0x57: {  	_ =	shalt  }
0x58: {  	_ =	shalt  }
0x59: {  	_ =	shalt  }
0x5a: {  	_ =	shalt  }
0x5b: {  	_ =	shalt  }
0x5c: {  	_ =	shalt  }
0x5d: {  	_ =	shalt  }
0x5e: {  	_ =	shalt  }
0x5f: {  	_ =	shalt  }
0x60: {  	_ =	shalt  }
0x61: {  	_ =	shalt  }
0x62: {  	_ =	shalt  }
0x63: {  	_ =	shalt  }
0x64: {  	_ =	shalt  }
0x65: {  	_ =	shalt  }
0x66: {  	_ =	shalt  }
0x67: {  	_ =	shalt  }
0x68: {  	_ =	shalt  }
0x69: {  	_ =	shalt  }
0x6a: {  	_ =	shalt  }
0x6b: {  	_ =	shalt  }
0x6c: {  	_ =	shalt  }
0x6d: {  	_ =	shalt  }
0x6e: {  	_ =	shalt  }
0x6f: {  	_ =	shalt  }
0x70: {  	_ =	shalt  }
0x71: {  	_ =	shalt  }
0x72: {  	_ =	shalt  }
0x73: {  	_ =	shalt  }
0x74: {  	_ =	shalt  }
0x75: {  	_ =	shalt  }
0x76: {  	_ =	shalt  }
0x77: {  	_ =	shalt  }
0x78: {  	_ =	shalt  }
0x79: {  	_ =	shalt  }
0x7a: {  	_ =	shalt  }
0x7b: {  	_ =	shalt  }
0x7c: {  	_ =	shalt  }
0x7d: {  	_ =	shalt  }
0x7e: {  	_ =	shalt  }
0x7f: {  	_ =	shalt  }
0x80: {  	_ =	shalt  }
0x81: {  	_ =	shalt  }
0x82: {  	_ =	shalt  }
0x83: {  	_ =	shalt  }
0x84: {  	_ =	shalt  }
0x85: {  	_ =	shalt  }
0x86: {  	_ =	shalt  }
0x87: {  	_ =	shalt  }
.Lfunc_end0:
.L_simem_size_0:
called_computation.3_lowered:
.L_overlay_start_0:
0x88: {  	s2 =	sld [smem:$0x3FD9]  }
0x89: {  	s3 =	sld [smem:$0x3FFE];
	_ =	sdelay $0x1  }
0x8a: {  	s1 =	srdreg.scid  }
0x8b: {  	s0 =	sand.u32 $0x1, s1  }
0x8c: {  	s16 =	sshll.u32 s0, $0xA;
	s2 =	sadd.s32 s3, s2  }
0x8d: {  	s2 =	sadd.s32 s2, s16  }
0x8e: {  	[smem:$0x3FC0] =	sst s2  }
0x8f: {  	_ = 	snop  }
0x90: {  	(tm) =	ssettm $0x1  }
0x91: {  	s17 =	sld [smem:$0x3FFB];
	_ =	sdelay $0x3  }
0x92: {  	_ =	strace s17  }
0x93: {  	s2 =	sld [smem:$0x3FFC];
	_ =	sdelay $0x3  }
0x94: {  	_ =	strace s2  }
0x95: {  	s2 =	sld [smem:$0x3FFD];
	_ =	sdelay $0x3  }
0x96: {  	_ =	strace s2  }
0x97: {  	_ =	strace $0x8FFFFFFF  }
0x98: {  	s18 =	sld [smem:$0x3FDB];
	_ =	sdelay $0x1  }
0x99: {  	s19 =	simm.s32 $_scs_section_size  }
0x9a: {  	s4 =	simm.s32 $_size__tile_overlayer_lowered;
	s5 =	simm.s32 $_tile_overlayer_lowered  }
0x9b: {  	s22 =	simm.s32 $0x1BFF;
	s21 =	sshll.u32 s5, $0x1;
	s2 =	sadd.s32 s19, s18  }
0x9c: {  	s6 =	simm.s32 $0x0;
	s20 =	sshll.u32 s4, $0x1;
	s4 =	sadd.s32 s21, s2  }
0x9d: {  	[timem:s6], [sflag:s22] =	dma.local [hbm:s4], s20  }
0x9e: {  	_ =	swait.ge [sflag:s22], s20  }
0x9f: {  	s3 =	ssub.s32 $0x0, s20;
	[sflag:s22] =	ssyncset.done $0x0  }
0xa0: {  	[sflag:s22] =	ssyncadd.s32 s3;
	_ =	sdelay $0x1  }
0xa1: {  	s23 =	simm.s32 $0x1B8B  }
0xa2: {  	_ =	swait.ge [sflag:s23], $0x1  }
0xa3: {  	[sflag:s23] =	ssyncset.done $0x0  }
0xa4: {  	s25 =	simm.s32 $0x1B8E;
	s24 =	sld [smem:$0x3FFE];
	[sflag:s23] =	ssyncadd.s32 $0xFFFFFFFF  }
0xa5: {  	s26 =	simm.s32 $execute0_lowered;
	[smem:$0x3FD2] =	sst s25  }
0xa6: {  	s4 =	sshll.u32 s26, $0x1;
	_ =	strace $0x8000004F;
	[dreg:$0x1] =	wrdreg $0xFFFFFFFF  }
0xa7: {  	s28 =	simm.s32 $_size_execute0_lowered;
	s2 =	sadd.s32 s2, s4;
	[dreg:$0x0] =	wrdreg $0x0  }
0xa8: {  	s4 =	sshll.u32 s28, $0x1;
	[dreg:$0x2] =	wrdreg s2  }
0xa9: {  	[dreg:$0x3] =	wrdreg s4  }
0xaa: {  	[dreg:$0x4] =	wrdreg $0xC0  }
0xab: {  	_ =	task [dreg:s6], $0x5FFFF  }
0xac: {  	[dreg:$0x1] =	wrdreg $0xFFFFFFFF  }
0xad: {  	[dreg:$0x0] =	wrdreg $0x60  }
0xae: {  	[dreg:$0x2] =	wrdreg s24  }
0xaf: {  	[dreg:$0x3] =	wrdreg $0x82000  }
0xb0: {  	[dreg:$0x4] =	wrdreg $0x9  }
0xb1: {  	_ =	task.clear_ibuf [dreg:s6], $0x5FFFF;
	_ =	strace $0x9000004F  }
0xb2: {  	s29 =	simm.s32 $0x9;
	_ =	strace $0x80000051  }
0xb3: {  	_ =	swait.ge [sflag:s29], $0x1  }
0xb4: {  	[sflag:s29] =	ssyncadd.s32 $0xFFFFFFFF  }
0xb5: {  	_ =	strace $0x90000051  }
0xb6: {  	_ =	sfence  }
0xb7: {  	s30 =	sld [smem:$0x0];
	_ =	sdelay $0x2  }
0xb8: {  	s31 =	sshll.u32 s1, $0xD;
	s1 =	sshrl.u32 s1, $0x2  }
0xb9: {  	s3 =	sand.u32 $0x4000, s31;
	s1 =	sadd.s32 s1, s30  }
0xba: {  	s0 =	sor.u32 s3, s0;
	s1 =	sshll.u32 s1, $0x11  }
0xbb: {  	s0 =	sor.u32 s1, s0  }
0xbc: {  	s0 =	sadd.s32 $0x8F2B, s0  }
0xbd: {  	[sflag:s0] =	ssyncadd.remote.s32 $0x1  }
0xbe: {  	_ =	sfence.sel $0xFFFF  }
0xbf: {  	[dreg:$0x0] =	wrdreg $0xFFFFFFFF;
	(pc) =	sbr.abs _section_cstart, $3  }
0xc0: {  	[dreg:$0x1] =	wrdreg $0xFFFFFFFF  }
0xc1: {  	_ =	task.clear_ibuf [dreg:s6], $0x2FFFF;
	_ =	strace $0x9FFFFFFF  }
0xc2: {  	(tm) =	ssettm $0x7FFFFFFF  }
0xc3: {  	_ =	shalt  }
tec
execute0_lowered:
.L_overlay_start_1:
0x0: {  	(tag) =	ssettag $0x1  }
0x1: {  	s0 =	rddreg [dreg:$0x0]  }
0x2: {  	s1 =	rddreg [dreg:$0x1];
	s2 =	simm.s32 $0x0  }
0x3: {  	s3 =	srdreg.scid;
	s16 =	stileid.u32;
	s19 =	simm.s32 $0x100  }
0x4: {  	s28 =	simm.s32 $0x5;
	s29 =	simm.s32 $0x4;
	s30 =	simm.s32 $0x6  }
0x5: {  	s31 =	simm.s32 $0x0;
	[smem:$0x7FF] =	sst s2;
	s4 =	sadd.s32 $0x61000, s0  }
0x6: {  	s6 =	sadd.s32 $0x5A00, s0;
	s3 =	sand.u32 $0x1, s3;
	s9 =	smul.u32 $0x50000, s16  }
0x7: {  	s7 =	sadd.s32 $0x101400, s0;
	s5 =	sadd.s32 $0x3200, s0;
	s14 =	smul.u32 $0x1400, s16  }
0x8: {  	s0 =	sadd.s32 $0x8C000, s0;
	s18 =	sadd.s32 $0x12C000, s1;
	s15 =	smul.u32 $0x2800, s16  }
0x9: {  	p0 =	seq.s32 s16, $0xF;
	_ =	strace $0x80000050;
	s12 =	smul.u32 $0x27100, s3  }
0xa: {  	s8 =	sshll.u32 s3, $0x4;
	s10 =	ssub.s32 $0x2, s3;
	s20 =	smul.u32 $0x138800, s3  }
0xb: {  	s3 =	smul.u32 $0x14000, s3;
	s18 =	sshrl.u32 @p0 s18, $0x3;
	s8 =	sor.u32 s16, s8  }
0xc: {  	s11 =	sshrl.u32 s10, $0x1;
	s9 =	sshrl.u32 s9, $0x2;
	s8 =	smul.u32 $0x1400, s8  }
0xd: {  	s13 =	ssub.s32 s10, s11;
	s9 =	sadd.s32 s9, s1;
	s11 =	sshrl.u32 s20, $0x3  }
0xe: {  	s3 =	sadd.s32 s14, s3;
	s12 =	sadd.s32 s15, s12;
	s20 =	simm.s32 $0x80  }
0xf: {  	[dreg:$0x3] =	wrdreg s9;
	s23 =	sadd.s32 s0, s11;
	s24 =	sor.u32 $0x180, s3  }
0x10: {  	s11 =	sadd.s32 s0, s12;
	s13 =	smax.u32 s13, $0x1;
	s3 =	sor.u32 $0x100, s3  }
0x11: {  	s8 =	sshrl.u32 s8, $0x3;
	s12 =	sadd.s32 $0x25800, s23;
	s25 =	sshrl.u32 s24, $0x3  }
0x12: {  	s26 =	sshrl.u32 s3, $0x3;
	s23 =	simm.s32 $0x200;
	s24 =	simm.s32 $0x2  }
0x13: {  	s21 =	sadd.s32 s6, s8;
	s22 =	sor.u32 $0x10, s8;
	s8 =	sadd.s32 s7, s8  }
0x14: {  	s14 =	sadd.s32 s25, s7;
	s15 =	sadd.s32 s25, s6;
	s16 =	sadd.s32 s26, s7  }
0x15: {  	s17 =	sadd.s32 s26, s6;
	s25 =	simm.s32 $0x3;
	[dreg:$0x4] =	wrdreg s21  }
0x16: {  	s26 =	simm.s32 $0x4200;
	[dreg:$0x5] =	wrdreg s8;
	s9 =	sadd.s32 s6, s22  }
0x17: {  	s10 =	sadd.s32 s7, s22;
	s21 =	simm.s32 $0x180;
	s22 =	simm.s32 $0x1  }
.LBB2_1:
0x18: {  	s0 =	simm.s32 @p0 $0x1FC7  }
0x19: {  	[spmem:s18], [sflag:s0] =	dma.local @p0 [hbm:s5], $0x1900  }
0x1a: {  	s0 =	simm.s32 @p0 $0x7  }
0x1b: {  	s3 =	stileid.u32;
	_ =	swait.ge @p0 [sflag:s0], $0x1900  }
0x1c: {  	s3 =	sshll.u32 @!p0 s3, $0x6;
	[sflag:s0] =	ssyncset.done @p0 $0x0  }
0x1d: {  	[sflag:s0] =	ssyncadd.s32 @p0 $0xFFFFE700;
	s0 =	sor.u32 @!p0 $0x1C07, s3;
	s3 =	rddreg [dreg:$0x3]  }
0x1e: {  	s6 =	simm.s32 @!p0 $0x7;
	s3 =	sshrl.u32 @!p0 s3, $0x3  }
0x1f: {  	[spmem:s3], [sflag:s0] =	dma.local @!p0 [hbm:s5], $0x2800  }
0x20: {  	_ =	swait.ge @!p0 [sflag:s6], $0x2800  }
0x21: {  	[sflag:s6] =	ssyncset.done @!p0 $0x0  }
0x22: {  	[sflag:s6] =	ssyncadd.s32 @!p0 $0xFFFFD800  }
0x23: {  	[bflag:$0x0] =	sbarrier.arrive $0xFFFF  }
0x24: {  	s8 =	rddreg [dreg:$0x4]  }
0x25: {  	[tilespmem:s2], [sflag:$0x1] =	stream.linear.gather [hbm4b:s8+s2], $0x80, $0x38;
	[tilespmem:$0x1BA80] =	vst v63  }
0x26: {  	s7 =	rddreg [dreg:$0x5]  }
0x27: {  	[tilespmem:s19], [sflag:$0x1] =	stream.linear.gather [hbm4b:s7+s2], $0x80, $0x38;
	[tilespmem:$0x1BA80] =	vst v63  }
0x28: {  	_ = 	snop  }
0x29: {  	[tilespmem:s20], [sflag:$0x2] =	stream.linear.gather [hbm4b:s9+s2], $0x80, $0x38;
	[tilespmem:$0x1BA80] =	vst v63  }
0x2a: {  	_ = 	snop  }
0x2b: {  	[tilespmem:s21], [sflag:$0x2] =	stream.linear.gather [hbm4b:s10+s2], $0x80, $0x38;
	[tilespmem:$0x1BA80] =	vst v63  }
0x2c: {  	_ =	swait.ge [sflag:s22], $0x80  }
0x2d: {  	[sflag:s22] =	ssyncset.done $0x0  }
0x2e: {  	[sflag:s22] =	ssyncadd.s32 $0xFFFFFF80  }
0x2f: {  	_ =	swait.ge [sflag:s22], $0x80  }
0x30: {  	[sflag:s22] =	ssyncset.done $0x0  }
0x31: {  	[sflag:s22] =	ssyncadd.s32 $0xFFFFFF80  }
0x32: {  	[tilespmem:s23], [sflag:$0x3] =	stream.indirect.gather [hbm4b:s4+s20], $0x80, s2, s20, $0xb8;
	[tilespmem:$0x1BA80] =	vst v63  }
0x33: {  	_ =	swait.ge [sflag:s24], $0x80  }
0x34: {  	[sflag:s24] =	ssyncset.done $0x0  }
0x35: {  	[sflag:s24] =	ssyncadd.s32 $0xFFFFFF80  }
0x36: {  	_ =	swait.ge [sflag:s24], $0x80  }
0x37: {  	[sflag:s24] =	ssyncset.done $0x0  }
0x38: {  	[sflag:s24] =	ssyncadd.s32 $0xFFFFFF80  }
0x39: {  	_ =	swait.ge [sflag:s25], $0x4000  }
0x3a: {  	[sflag:s25] =	ssyncset.done $0x0  }
0x3b: {  	[sflag:s25] =	ssyncadd.s32 $0xFFFFC000  }
0x3c: {  	[spmem:s1] =	stream.indirect.scatter.add.f32 [tilespmem:s23], [sflag:$0x5], $0x80, s19, s20, $0xb8;
	[tilespmem:$0x1BA80] =	vst v63  }
0x3d: {  	_ = 	snop  }
0x3e: {  	[tilespmem:s26], [sflag:$0x4] =	stream.indirect.gather [hbm4b:s4+s20], $0x80, s20, s20, $0xb8;
	[tilespmem:$0x1BA80] =	vst v63  }
0x3f: {  	_ =	swait.ge [sflag:s28], $0x4000  }
0x40: {  	[sflag:s28] =	ssyncset.done $0x0  }
0x41: {  	s8 =	sadd.s32 $0x0, s17;
	[sflag:s28] =	ssyncadd.s32 $0xFFFFC000  }
0x42: {  	[tilespmem:s2], [sflag:$0x1] =	stream.linear.gather [hbm4b:s8+s2], $0x80, $0x38;
	[tilespmem:$0x1BA80] =	vst v63  }
0x43: {  	s7 =	sadd.s32 $0x0, s16  }
0x44: {  	[tilespmem:s19], [sflag:$0x1] =	stream.linear.gather [hbm4b:s7+s2], $0x80, $0x38;
	[tilespmem:$0x1BA80] =	vst v63  }
0x45: {  	_ =	swait.ge [sflag:s29], $0x4000  }
0x46: {  	[sflag:s29] =	ssyncset.done $0x0  }
0x47: {  	[sflag:s29] =	ssyncadd.s32 $0xFFFFC000  }
0x48: {  	[spmem:s1] =	stream.indirect.scatter.add.f32 [tilespmem:s26], [sflag:$0x6], $0x80, s21, s20, $0xb8;
	[tilespmem:$0x1BA80] =	vst v63  }
0x49: {  	_ =	swait.ge [sflag:s22], $0x80  }
0x4a: {  	[sflag:s22] =	ssyncset.done $0x0  }
0x4b: {  	[sflag:s22] =	ssyncadd.s32 $0xFFFFFF80  }
0x4c: {  	_ =	swait.ge [sflag:s22], $0x80  }
0x4d: {  	[sflag:s22] =	ssyncset.done $0x0  }
0x4e: {  	[sflag:s22] =	ssyncadd.s32 $0xFFFFFF80  }
0x4f: {  	[tilespmem:s23], [sflag:$0x3] =	stream.indirect.gather [hbm4b:s4+s20], $0x80, s2, s20, $0xb8;
	[tilespmem:$0x1BA80] =	vst v63  }
0x50: {  	_ =	swait.ge [sflag:s30], $0x4000  }
0x51: {  	s6 =	simm.s32 $0x20;
	[sflag:s30] =	ssyncset.done $0x0  }
0x52: {  	s8 =	sadd.s32 $0x0, s15;
	s7 =	sadd.s32 $0x0, s14;
	[sflag:s30] =	ssyncadd.s32 $0xFFFFC000  }
0x53: {  	[tilespmem:s20], [sflag:$0x2] =	stream.linear.gather [hbm4b:s8+s2], $0x80, $0x38;
	[tilespmem:$0x1BA80] =	vst v63  }
.LBB2_2:
0x54: {  	[tilespmem:s21], [sflag:$0x2] =	stream.linear.gather [hbm4b:s7+s2], $0x80, $0x38;
	[tilespmem:$0x1BA80] =	vst v63  }
0x55: {  	s7 =	smov.u32 s6  }
0x56: {  	p1 =	sne.s32 s6, $0x260;
	s6 =	sadd.s32 $0x20, s6;
	_ =	swait.ge [sflag:s24], $0x80  }
0x57: {  	[sflag:s24] =	ssyncset.done $0x0  }
0x58: {  	[sflag:s24] =	ssyncadd.s32 $0xFFFFFF80  }
0x59: {  	_ =	swait.ge [sflag:s24], $0x80  }
0x5a: {  	[sflag:s24] =	ssyncset.done $0x0  }
0x5b: {  	[sflag:s24] =	ssyncadd.s32 $0xFFFFFF80  }
0x5c: {  	_ =	swait.ge [sflag:s25], $0x4000  }
0x5d: {  	[sflag:s25] =	ssyncset.done $0x0  }
0x5e: {  	[sflag:s25] =	ssyncadd.s32 $0xFFFFC000  }
0x5f: {  	[spmem:s1] =	stream.indirect.scatter.add.f32 [tilespmem:s23], [sflag:$0x5], $0x80, s19, s20, $0xb8;
	[tilespmem:$0x1BA80] =	vst v63  }
0x60: {  	_ = 	snop  }
0x61: {  	[tilespmem:s26], [sflag:$0x4] =	stream.indirect.gather [hbm4b:s4+s20], $0x80, s20, s20, $0xb8;
	[tilespmem:$0x1BA80] =	vst v63  }
0x62: {  	_ =	swait.ge [sflag:s28], $0x4000  }
0x63: {  	[sflag:s28] =	ssyncset.done $0x0  }
0x64: {  	s8 =	sadd.s32 s7, s17;
	[sflag:s28] =	ssyncadd.s32 $0xFFFFC000  }
0x65: {  	[tilespmem:s2], [sflag:$0x1] =	stream.linear.gather [hbm4b:s8+s2], $0x80, $0x38;
	[tilespmem:$0x1BA80] =	vst v63  }
0x66: {  	s8 =	sadd.s32 s7, s16  }
0x67: {  	[tilespmem:s19], [sflag:$0x1] =	stream.linear.gather [hbm4b:s8+s2], $0x80, $0x38;
	[tilespmem:$0x1BA80] =	vst v63  }
0x68: {  	_ =	swait.ge [sflag:s29], $0x4000  }
0x69: {  	[sflag:s29] =	ssyncset.done $0x0  }
0x6a: {  	[sflag:s29] =	ssyncadd.s32 $0xFFFFC000  }
0x6b: {  	[spmem:s1] =	stream.indirect.scatter.add.f32 [tilespmem:s26], [sflag:$0x6], $0x80, s21, s20, $0xb8;
	[tilespmem:$0x1BA80] =	vst v63  }
0x6c: {  	_ =	swait.ge [sflag:s22], $0x80  }
0x6d: {  	[sflag:s22] =	ssyncset.done $0x0  }
0x6e: {  	[sflag:s22] =	ssyncadd.s32 $0xFFFFFF80  }
0x6f: {  	_ =	swait.ge [sflag:s22], $0x80  }
0x70: {  	[sflag:s22] =	ssyncset.done $0x0  }
0x71: {  	[sflag:s22] =	ssyncadd.s32 $0xFFFFFF80  }
0x72: {  	[tilespmem:s23], [sflag:$0x3] =	stream.indirect.gather [hbm4b:s4+s20], $0x80, s2, s20, $0xb8;
	[tilespmem:$0x1BA80] =	vst v63  }
.Ltmp0:
0x73: {  	_ =	swait.ge [sflag:s30], $0x4000;
	(pc) =	sbr.rel @p1 .LBB2_2-.Ltmp0, $4  }
0x74: {  	[sflag:s30] =	ssyncset.done $0x0  }
0x75: {  	s8 =	sadd.s32 s7, s15;
	[sflag:s30] =	ssyncadd.s32 $0xFFFFC000  }
0x76: {  	[tilespmem:s20], [sflag:$0x2] =	stream.linear.gather [hbm4b:s8+s2], $0x80, $0x38;
	[tilespmem:$0x1BA80] =	vst v63  }
0x77: {  	s7 =	sadd.s32 s7, s14  }
0x78: {  	[tilespmem:s21], [sflag:$0x2] =	stream.linear.gather [hbm4b:s7+s2], $0x80, $0x38;
	[tilespmem:$0x1BA80] =	vst v63  }
0x79: {  	_ =	swait.ge [sflag:s25], $0x4000  }
0x7a: {  	[sflag:s25] =	ssyncset.done $0x0  }
0x7b: {  	[sflag:s25] =	ssyncadd.s32 $0xFFFFC000  }
0x7c: {  	_ =	swait.ge [sflag:s24], $0x80  }
0x7d: {  	[sflag:s24] =	ssyncset.done $0x0  }
0x7e: {  	[sflag:s24] =	ssyncadd.s32 $0xFFFFFF80  }
0x7f: {  	_ =	swait.ge [sflag:s24], $0x80  }
0x80: {  	[sflag:s24] =	ssyncset.done $0x0  }
0x81: {  	[sflag:s24] =	ssyncadd.s32 $0xFFFFFF80  }
0x82: {  	s6 =	simm.s32 @p0 $0x1FC7;
	[bflag:$0x0] =	sbarrier.arrive $0xFFFF  }
0x83: {  	[hbm:s12], [sflag:s6] =	dma.local @p0 [spmem:s18], $0x1900  }
0x84: {  	s6 =	simm.s32 @p0 $0x7  }
0x85: {  	_ =	swait.ge @p0 [sflag:s6], $0x1900  }
0x86: {  	s31 =	sadd.s32 $0x1, s31;
	[sflag:s6] =	ssyncset.done @p0 $0x0  }
0x87: {  	p1 =	sne.s32 s31, s13;
	[sflag:s6] =	ssyncadd.s32 @p0 $0xFFFFE700  }
0x88: {  	[hbm:s11], [sflag:s0] =	dma.local @!p0 [spmem:s3], $0x2800  }
.Ltmp1:
0x89: {  	_ = 	snop;
	(pc) =	sbr.rel @p1 .LBB2_1-.Ltmp1, $4  }
0x8a: {  	s0 =	simm.s32 @!p0 $0x7  }
0x8b: {  	_ =	swait.ge @!p0 [sflag:s0], $0x2800  }
0x8c: {  	[sflag:s0] =	ssyncset.done @!p0 $0x0  }
0x8d: {  	[sflag:s0] =	ssyncadd.s32 @!p0 $0xFFFFD800  }
0x8e: {  	_ =	sfence.sel $0x180000  }
0x8f: {  	[bflag:$0x0] =	sbarrier.arrive $0xFFFF  }
0x90: {  	_ =	strace $0x90000050  }
0x91: {  	s0 =	stileid.u32;
	[bflag:$0x2] =	sbarrier.arrive $0xFFFF  }
0x92: {  	p0 =	sne.s32 s0, $0x0;
	s0 =	rddreg [dreg:$0x2]  }
0x93: {  	s0 =	sadd.s32 @!p0 $0x100000, s0  }
0x94: {  	[sflag:s0] =	ssyncadd.tile.s32 @!p0 $0x1;
	_ =	shalt  }
.Lfunc_end2:
_tile_overlayer_lowered:
.L_overlay_start_2:
0x95: {  	(tag) =	ssettag $0x2  }
0x96: {  	s0 =	rddreg [dreg:$0x0];
	s2 =	stileid.u32  }
0x97: {  	s1 =	rddreg [dreg:$0x1];
	p0 =	sne.s32 s2, $0x0  }
0x98: {  	s3 =	rddreg [dreg:$0x2];
	[bflag:$0x3] =	sbarrier.arrive $0xFFFF;
	s2 =	simm.s32 @!p0 $0x1C07  }
0x99: {  	[timem:s3], [sflag:s2] =	dma.local @!p0 [hbm:s0], s1  }
0x9a: {  	s0 =	simm.s32 @!p0 $0x7  }
0x9b: {  	_ =	swait.ge @!p0 [sflag:s0], s1  }
0x9c: {  	s1 =	ssub.s32 @!p0 $0x0, s1;
	[sflag:s0] =	ssyncset.done @!p0 $0x0  }
0x9d: {  	[sflag:s0] =	ssyncadd.s32 @!p0 s1  }
0x9e: {  	[bflag:$0x3] =	sbarrier.arrive $0xFFFF  }
0x9f: {  	_ =	shalt  }

</sc_bundles>
